<compile_context>
chip_gen: v7x
topology: tpu7x:2x2x1
jax: 0.10.2.dev20260603
libtpu: 0.0.44.dev20260713+nightly
codegen_flags: <defaults>
</compile_context>

<pallas_src>
import functools

import jax
import jax.numpy as jnp
from jax import lax
from jax.experimental import pallas as pl
from jax.experimental.pallas import tpu as pltpu
from jax.experimental.pallas import tpu_sc as plsc

NC = 2
NS = 16
NW = NC * NS

D = 64
DP = 128
CH = 128
NBUF = 4
L = 16


@functools.partial(jax.jit, static_argnames=("n_h", "n_b"))
def _gather(idx3, table_p, *, n_h, n_b):
    n_rows = n_h * n_b
    per_w = n_rows // NW
    n_ch = per_w // CH
    mesh = plsc.VectorSubcoreMesh(core_axis_name="c", subcore_axis_name="s")

    @functools.partial(
        pl.kernel,
        out_type=jax.ShapeDtypeStruct((n_h, D, n_b), jnp.float32),
        mesh=mesh,
        scratch_types=[
            pltpu.VMEM((n_ch, CH), jnp.int32),
            [pltpu.VMEM((CH, DP), jnp.float32) for _ in range(NBUF)],
            [pltpu.VMEM((D, CH), jnp.float32) for _ in range(NBUF)],
            [pltpu.SemaphoreType.DMA for _ in range(NBUF)],
            [pltpu.SemaphoreType.DMA for _ in range(NBUF)],
        ],
        compiler_params=pltpu.CompilerParams(needs_layout_passes=False),
    )
    def k(table_hbm, idx_hbm, out_hbm, idx_v, gbufs, tbufs, gsems, wsems):
        wid = lax.axis_index("s") * NC + lax.axis_index("c")
        w_base = wid * per_w

        pltpu.sync_copy(idx_hbm.at[wid], idx_v)

        def gather_chunk(g, b):
            return pltpu.make_async_copy(
                table_hbm.at[idx_v.at[g]], gbufs[b], gsems[b])

        def write_chunk(g, b):
            row = w_base + g * CH
            return pltpu.make_async_copy(
                tbufs[b],
                out_hbm.at[row // n_b, :, pl.ds(row % n_b, CH)],
                wsems[b])

        def transpose_chunk(b):
            gb, tb = gbufs[b], tbufs[b]
            lane = lax.iota(jnp.int32, L)

            @plsc.parallel_loop(0, (D // L) * (CH // L), step=1)
            def _(i):
                d0 = (i & ((D // L) - 1)) * L
                rows = lane + (i >> 2) * L
                for s in range(L):
                    colv = ((lane + s) & (L - 1)) + d0
                    val = plsc.load_gather(gb, [rows, colv])
                    plsc.store_scatter(tb, [colv, rows], val)

        for b in range(NBUF - 1):
            gather_chunk(b, b).start()

        def outer(i, carry):
            so = i * NBUF
            for b in range(NBUF):
                g = so + b
                @pl.when(g >= NBUF)
                def _():
                    write_chunk(g - NBUF, b).wait()

                gather_chunk(g, b).wait()
                bn = (b + NBUF - 1) % NBUF

                @pl.when(g + NBUF - 1 < n_ch)
                def _():
                    gather_chunk(g + NBUF - 1, bn).start()

                transpose_chunk(b)
                write_chunk(g, b).start()
            return carry

        lax.fori_loop(0, n_ch // NBUF, outer, 0)

        for j in range(NBUF):
            g = n_ch - NBUF + j
            write_chunk(g, g % NBUF).wait()

    return k(table_p, idx3)


def kernel(imputs, table):
    b, h = imputs.shape
    n_rows = b * h
    per_w = n_rows // NW
    idx3 = imputs.T.reshape(NW, per_w // CH, CH).astype(jnp.int32)
    table_p = jnp.pad(table, ((0, 0), (0, DP - D)))
    out = _gather(idx3, table_p, n_h=h, n_b=b)
    return out.transpose(2, 0, 1)

# --- scband reference (transcript-rebuilt; emitter-appended) ---
"""Pipeline reference for scband-transistion-encodel-model-10840497455669 (READ-ONLY COPY).

The authoritative reference and input builder live on the scoring server;
editing this copy changes nothing except your own understanding.
"""

import jax, jax.numpy as jnp
import numpy as np

VOCAB = 1000000
EMBED_DIM = 64
BATCH = 16384
HIST = 50

def setup_inputs(seed: int = 0) -> dict:
    key = jax.random.key(seed)
    k_idx, k_tab = jax.random.split(key)
    imputs = jax.random.randint(k_idx, (BATCH, HIST), 0, VOCAB, dtype=jnp.int64 if jax.config.read('jax_enable_x64') else jnp.int32)
    table = jax.random.normal(k_tab, (VOCAB, EMBED_DIM), dtype=jnp.float32)
    return {"imputs": imputs, "table": table}

def reference(imputs, table):
    # nn.Embedding lookup: gather rows of the embedding table
    embeds = jnp.take(table, imputs, axis=0)
    return embeds

if __name__ == "__main__":
    import jax
    _d = setup_inputs()
    print(jax.jit(kernel)(*tuple(_d.values())))

</pallas_src>

<mosaic_0001>
#map = affine_map<(d0, d1) -> (0, 0)>
#map1 = affine_map<(d0, d1) -> (0, 0, 0)>
module attributes {stable_mosaic.version = 14 : i64} {
  func.func @k(%arg0: i32, %arg1: i32, %arg2: memref<1000000x128xf32, #tpu.memory_space<hbm>>, %arg3: memref<32x200x128xi32, #tpu.memory_space<hbm>>, %arg4: memref<50x64x16384xf32, #tpu.memory_space<hbm>>, %arg5: memref<200x128xi32, #tpu.memory_space<vmem>>, %arg6: memref<128x128xf32, #tpu.memory_space<vmem>>, %arg7: memref<128x128xf32, #tpu.memory_space<vmem>>, %arg8: memref<128x128xf32, #tpu.memory_space<vmem>>, %arg9: memref<128x128xf32, #tpu.memory_space<vmem>>, %arg10: memref<64x128xf32, #tpu.memory_space<vmem>>, %arg11: memref<64x128xf32, #tpu.memory_space<vmem>>, %arg12: memref<64x128xf32, #tpu.memory_space<vmem>>, %arg13: memref<64x128xf32, #tpu.memory_space<vmem>>, %arg14: memref<!tpu.dma_semaphore, #tpu.memory_space<semaphore_mem>>, %arg15: memref<!tpu.dma_semaphore, #tpu.memory_space<semaphore_mem>>, %arg16: memref<!tpu.dma_semaphore, #tpu.memory_space<semaphore_mem>>, %arg17: memref<!tpu.dma_semaphore, #tpu.memory_space<semaphore_mem>>, %arg18: memref<!tpu.dma_semaphore, #tpu.memory_space<semaphore_mem>>, %arg19: memref<!tpu.dma_semaphore, #tpu.memory_space<semaphore_mem>>, %arg20: memref<!tpu.dma_semaphore, #tpu.memory_space<semaphore_mem>>, %arg21: memref<!tpu.dma_semaphore, #tpu.memory_space<semaphore_mem>>) attributes {dimension_semantics = [#tpu.dimension_semantics<core_parallel>, #tpu.dimension_semantics<subcore_parallel>], iteration_bounds = array<i64: 2, 16>, scalar_prefetch = 0 : i64, scratch_operands = 17 : i64, tpu.core_type = #tpu.core_type<sc_vector_subcore>, window_params = [{transform_indices = #map}, {transform_indices = #map1}, {transform_indices = #map1}]} {
    %mul3A = arith.constant 2 : i32
    %mul3A_0 = arith.muli %arg1, %mul3A : i32
    %add3A = arith.addi %mul3A_0, %arg0 : i32
    %mul3A_1 = arith.constant 25600 : i32
    %mul3A_2 = arith.muli %add3A, %mul3A_1 : i32
    "tpu.region"() ({
      %run_scoped3A = tpu.sem_alloc : memref<!tpu.dma_semaphore, #tpu.memory_space<semaphore_mem>>
      %dma_start3A_209 = arith.constant 0 : i32
      %dma_start3A_210 = arith.constant 0 : i32
      %dma_start3A_211 = tpu.memref_slice %arg3[%add3A, %dma_start3A_209, %dma_start3A_210] : memref<32x200x128xi32, #tpu.memory_space<hbm>> -> memref<1x200x128xi32, #tpu.memory_space<hbm>>
      %dma_start3A_212 = tpu.memref_squeeze %dma_start3A_211 : memref<1x200x128xi32, #tpu.memory_space<hbm>> -> memref<200x128xi32, #tpu.memory_space<hbm>>
      %dma_start3A_213 = arith.constant 0 : i32
      %dma_start3A_214 = arith.constant 0 : i32
      %dma_start3A_215 = tpu.memref_slice %arg3[%add3A, %dma_start3A_213, %dma_start3A_214] : memref<32x200x128xi32, #tpu.memory_space<hbm>> -> memref<1x200x128xi32, #tpu.memory_space<hbm>>
      %dma_start3A_216 = tpu.memref_squeeze %dma_start3A_215 : memref<1x200x128xi32, #tpu.memory_space<hbm>> -> memref<200x128xi32, #tpu.memory_space<hbm>>
      tpu.enqueue_dma source(%dma_start3A_216 : memref<200x128xi32, #tpu.memory_space<hbm>>) target(%arg5 : memref<200x128xi32, #tpu.memory_space<vmem>>) target_semaphore(%run_scoped3A : memref<!tpu.dma_semaphore, #tpu.memory_space<semaphore_mem>>)
      %dma_wait3A_217 = arith.constant 0 : i32
      %dma_wait3A_218 = arith.constant 0 : i32
      %dma_wait3A_219 = tpu.memref_slice %arg3[%add3A, %dma_wait3A_217, %dma_wait3A_218] : memref<32x200x128xi32, #tpu.memory_space<hbm>> -> memref<1x200x128xi32, #tpu.memory_space<hbm>>
      %dma_wait3A_220 = tpu.memref_squeeze %dma_wait3A_219 : memref<1x200x128xi32, #tpu.memory_space<hbm>> -> memref<200x128xi32, #tpu.memory_space<hbm>>
      %dma_wait3A_221 = arith.constant 0 : i32
      %dma_wait3A_222 = arith.constant 0 : i32
      %dma_wait3A_223 = tpu.memref_slice %arg3[%add3A, %dma_wait3A_221, %dma_wait3A_222] : memref<32x200x128xi32, #tpu.memory_space<hbm>> -> memref<1x200x128xi32, #tpu.memory_space<hbm>>
      %dma_wait3A_224 = tpu.memref_squeeze %dma_wait3A_223 : memref<1x200x128xi32, #tpu.memory_space<hbm>> -> memref<200x128xi32, #tpu.memory_space<hbm>>
      tpu.wait_dma2 semaphore(%run_scoped3A : memref<!tpu.dma_semaphore, #tpu.memory_space<semaphore_mem>>) src(%dma_wait3A_224 : memref<200x128xi32, #tpu.memory_space<hbm>>) dst(%arg5 : memref<200x128xi32, #tpu.memory_space<vmem>>)
      tpu.yield
    }) : () -> ()
    %dma_start3A = arith.constant 0 : i32
    %dma_start3A_3 = arith.constant 0 : i32
    %dma_start3A_4 = tpu.memref_slice %arg5[%dma_start3A, %dma_start3A_3] : memref<200x128xi32, #tpu.memory_space<vmem>> -> memref<1x128xi32, #tpu.memory_space<vmem>>
    %dma_start3A_5 = tpu.memref_squeeze %dma_start3A_4 : memref<1x128xi32, #tpu.memory_space<vmem>> -> memref<128xi32, #tpu.memory_space<vmem>>
    %dma_start3A_6 = arith.constant 0 : i32
    %dma_start3A_7 = arith.constant 0 : i32
    %dma_start3A_8 = tpu.memref_slice %arg2[%dma_start3A_6, %dma_start3A_7] : memref<1000000x128xf32, #tpu.memory_space<hbm>> -> memref<1000000x128xf32, #tpu.memory_space<hbm>>
    tpu.enqueue_indirect_dma source(%dma_start3A_8 : memref<1000000x128xf32, #tpu.memory_space<hbm>>) target(%arg6 : memref<128x128xf32, #tpu.memory_space<vmem>>) offsets(%dma_start3A_5 : memref<128xi32, #tpu.memory_space<vmem>>) semaphore(%arg14 : memref<!tpu.dma_semaphore, #tpu.memory_space<semaphore_mem>>)
    %dma_start3A_9 = arith.constant 1 : i32
    %dma_start3A_10 = arith.constant 0 : i32
    %dma_start3A_11 = tpu.memref_slice %arg5[%dma_start3A_9, %dma_start3A_10] : memref<200x128xi32, #tpu.memory_space<vmem>> -> memref<1x128xi32, #tpu.memory_space<vmem>>
    %dma_start3A_12 = tpu.memref_squeeze %dma_start3A_11 : memref<1x128xi32, #tpu.memory_space<vmem>> -> memref<128xi32, #tpu.memory_space<vmem>>
    %dma_start3A_13 = arith.constant 0 : i32
    %dma_start3A_14 = arith.constant 0 : i32
    %dma_start3A_15 = tpu.memref_slice %arg2[%dma_start3A_13, %dma_start3A_14] : memref<1000000x128xf32, #tpu.memory_space<hbm>> -> memref<1000000x128xf32, #tpu.memory_space<hbm>>
    tpu.enqueue_indirect_dma source(%dma_start3A_15 : memref<1000000x128xf32, #tpu.memory_space<hbm>>) target(%arg7 : memref<128x128xf32, #tpu.memory_space<vmem>>) offsets(%dma_start3A_12 : memref<128xi32, #tpu.memory_space<vmem>>) semaphore(%arg15 : memref<!tpu.dma_semaphore, #tpu.memory_space<semaphore_mem>>)
    %dma_start3A_16 = arith.constant 2 : i32
    %dma_start3A_17 = arith.constant 0 : i32
    %dma_start3A_18 = tpu.memref_slice %arg5[%dma_start3A_16, %dma_start3A_17] : memref<200x128xi32, #tpu.memory_space<vmem>> -> memref<1x128xi32, #tpu.memory_space<vmem>>
    %dma_start3A_19 = tpu.memref_squeeze %dma_start3A_18 : memref<1x128xi32, #tpu.memory_space<vmem>> -> memref<128xi32, #tpu.memory_space<vmem>>
    %dma_start3A_20 = arith.constant 0 : i32
    %dma_start3A_21 = arith.constant 0 : i32
    %dma_start3A_22 = tpu.memref_slice %arg2[%dma_start3A_20, %dma_start3A_21] : memref<1000000x128xf32, #tpu.memory_space<hbm>> -> memref<1000000x128xf32, #tpu.memory_space<hbm>>
    tpu.enqueue_indirect_dma source(%dma_start3A_22 : memref<1000000x128xf32, #tpu.memory_space<hbm>>) target(%arg8 : memref<128x128xf32, #tpu.memory_space<vmem>>) offsets(%dma_start3A_19 : memref<128xi32, #tpu.memory_space<vmem>>) semaphore(%arg16 : memref<!tpu.dma_semaphore, #tpu.memory_space<semaphore_mem>>)
    %scan3A = arith.constant 0 : i32
    %scan3A_23 = arith.constant 0 : i32
    %scan3A_24 = arith.constant 50 : i32
    %scan3A_25 = arith.addi %scan3A_23, %scan3A_24 : i32
    %scan3A_26 = arith.constant 1 : i32
    scf.for %scan3A_209 = %scan3A_23 to %scan3A_25 step %scan3A_26  : i32 {
      %mul3A_210 = arith.constant 4 : i32
      %mul3A_211 = arith.muli %scan3A_209, %mul3A_210 : i32
      %add3A_212 = arith.constant 0 : i32
      %add3A_213 = arith.addi %mul3A_211, %add3A_212 : i32
      %ge3A = arith.constant 4 : i32
      %ge3A_214 = arith.cmpi sge, %add3A_213, %ge3A : i32
      %convert_element_type3A = arith.extui %ge3A_214 : i1 to i32
      %cond3A = arith.constant 0 : i32
      %cond3A_215 = arith.cmpi ne, %convert_element_type3A, %cond3A : i32
      scf.if %cond3A_215 {
        %sub3A_507 = arith.constant 4 : i32
        %sub3A_508 = arith.subi %add3A_213, %sub3A_507 : i32
        %mul3A_509 = arith.constant 128 : i32
        %mul3A_510 = arith.muli %sub3A_508, %mul3A_509 : i32
        %add3A_511 = arith.addi %mul3A_2, %mul3A_510 : i32
        %jit3A_512 = arith.constant 16384 : i32
        %div3A_513 = arith.divsi %add3A_511, %jit3A_512 : i32
        %sign3A_514 = arith.constant 0 : i32
        %sign3A_515 = arith.cmpi sgt, %add3A_511, %sign3A_514 : i32
        %sign3A_516 = arith.extui %sign3A_515 : i1 to i32
        %sign3A_517 = arith.constant 0 : i32
        %sign3A_518 = arith.cmpi slt, %add3A_511, %sign3A_517 : i32
        %sign3A_519 = arith.extui %sign3A_518 : i1 to i32
        %sign3A_520 = arith.subi %sign3A_516, %sign3A_519 : i32
        %sign3A_521 = arith.constant 0 : i32
        %sign3A_522 = arith.cmpi sgt, %jit3A_512, %sign3A_521 : i32
        %sign3A_523 = arith.extui %sign3A_522 : i1 to i32
        %sign3A_524 = arith.constant 0 : i32
        %sign3A_525 = arith.cmpi slt, %jit3A_512, %sign3A_524 : i32
        %sign3A_526 = arith.extui %sign3A_525 : i1 to i32
        %sign3A_527 = arith.subi %sign3A_523, %sign3A_526 : i32
        %ne3A_528 = arith.cmpi ne, %sign3A_520, %sign3A_527 : i32
        %rem3A_529 = arith.remsi %add3A_511, %jit3A_512 : i32
        %ne3A_530 = arith.constant 0 : i32
        %ne3A_531 = arith.cmpi ne, %rem3A_529, %ne3A_530 : i32
        %and3A_532 = arith.andi %ne3A_528, %ne3A_531 : i1
        %sub3A_533 = arith.constant 1 : i32
        %sub3A_534 = arith.subi %div3A_513, %sub3A_533 : i32
        %select_n3A_535 = arith.select %and3A_532, %sub3A_534, %div3A_513 : i32
        %jit3A_536 = arith.constant 16384 : i32
        %eq3A_537 = arith.constant 0 : i32
        %eq3A_538 = arith.cmpi eq, %jit3A_536, %eq3A_537 : i32
        %jit3A_539 = arith.constant 1 : i32
        %select_n3A_540 = arith.select %eq3A_538, %jit3A_539, %jit3A_536 : i32
        %rem3A_541 = arith.remsi %add3A_511, %select_n3A_540 : i32
        %ne3A_542 = arith.constant 0 : i32
        %ne3A_543 = arith.cmpi ne, %rem3A_541, %ne3A_542 : i32
        %lt3A_544 = arith.constant 0 : i32
        %lt3A_545 = arith.cmpi slt, %rem3A_541, %lt3A_544 : i32
        %lt3A_546 = arith.constant 0 : i32
        %lt3A_547 = arith.cmpi slt, %select_n3A_540, %lt3A_546 : i32
        %ne3A_548 = arith.xori %lt3A_545, %lt3A_547 : i1
        %and3A_549 = arith.andi %ne3A_548, %ne3A_543 : i1
        %add3A_550 = arith.addi %rem3A_541, %select_n3A_540 : i32
        %select_n3A_551 = arith.select %and3A_549, %add3A_550, %rem3A_541 : i32
        %dma_wait3A_552 = arith.constant 0 : i32
        %dma_wait3A_553 = tpu.memref_slice %arg4[%select_n3A_535, %dma_wait3A_552, %select_n3A_551] : memref<50x64x16384xf32, #tpu.memory_space<hbm>> -> memref<1x64x128xf32, #tpu.memory_space<hbm>>
        %dma_wait3A_554 = tpu.memref_squeeze %dma_wait3A_553 : memref<1x64x128xf32, #tpu.memory_space<hbm>> -> memref<64x128xf32, #tpu.memory_space<hbm>>
        %dma_wait3A_555 = arith.constant 0 : i32
        %dma_wait3A_556 = tpu.memref_slice %arg4[%select_n3A_535, %dma_wait3A_555, %select_n3A_551] : memref<50x64x16384xf32, #tpu.memory_space<hbm>> -> memref<1x64x128xf32, #tpu.memory_space<hbm>>
        %dma_wait3A_557 = tpu.memref_squeeze %dma_wait3A_556 : memref<1x64x128xf32, #tpu.memory_space<hbm>> -> memref<64x128xf32, #tpu.memory_space<hbm>>
        tpu.wait_dma2 semaphore(%arg18 : memref<!tpu.dma_semaphore, #tpu.memory_space<semaphore_mem>>) src(%arg10 : memref<64x128xf32, #tpu.memory_space<vmem>>) dst(%dma_wait3A_557 : memref<64x128xf32, #tpu.memory_space<hbm>>)
      } else {
      }
      %dma_wait3A_216 = arith.constant 0 : i32
      %dma_wait3A_217 = tpu.memref_slice %arg5[%add3A_213, %dma_wait3A_216] : memref<200x128xi32, #tpu.memory_space<vmem>> -> memref<1x128xi32, #tpu.memory_space<vmem>>
      %dma_wait3A_218 = tpu.memref_squeeze %dma_wait3A_217 : memref<1x128xi32, #tpu.memory_space<vmem>> -> memref<128xi32, #tpu.memory_space<vmem>>
      %dma_wait3A_219 = arith.constant 0 : i32
      %dma_wait3A_220 = arith.constant 0 : i32
      %dma_wait3A_221 = tpu.memref_slice %arg2[%dma_wait3A_219, %dma_wait3A_220] : memref<1000000x128xf32, #tpu.memory_space<hbm>> -> memref<1000000x128xf32, #tpu.memory_space<hbm>>
      tpu.wait_indirect_dma semaphore(%arg14 : memref<!tpu.dma_semaphore, #tpu.memory_space<semaphore_mem>>) src(%dma_wait3A_221 : memref<1000000x128xf32, #tpu.memory_space<hbm>>) dst(%arg6 : memref<128x128xf32, #tpu.memory_space<vmem>>)
      %add3A_222 = arith.constant 4 : i32
      %add3A_223 = arith.addi %add3A_213, %add3A_222 : i32
      %sub3A_224 = arith.constant 1 : i32
      %sub3A_225 = arith.subi %add3A_223, %sub3A_224 : i32
      %lt3A_226 = arith.constant 200 : i32
      %lt3A_227 = arith.cmpi slt, %sub3A_225, %lt3A_226 : i32
      %convert_element_type3A_228 = arith.extui %lt3A_227 : i1 to i32
      %cond3A_229 = arith.constant 0 : i32
      %cond3A_230 = arith.cmpi ne, %convert_element_type3A_228, %cond3A_229 : i32
      scf.if %cond3A_230 {
        %add3A_507 = arith.constant 4 : i32
        %add3A_508 = arith.addi %add3A_213, %add3A_507 : i32
        %sub3A_509 = arith.constant 1 : i32
        %sub3A_510 = arith.subi %add3A_508, %sub3A_509 : i32
        %dma_start3A_511 = arith.constant 0 : i32
        %dma_start3A_512 = tpu.memref_slice %arg5[%sub3A_510, %dma_start3A_511] : memref<200x128xi32, #tpu.memory_space<vmem>> -> memref<1x128xi32, #tpu.memory_space<vmem>>
        %dma_start3A_513 = tpu.memref_squeeze %dma_start3A_512 : memref<1x128xi32, #tpu.memory_space<vmem>> -> memref<128xi32, #tpu.memory_space<vmem>>
        %dma_start3A_514 = arith.constant 0 : i32
        %dma_start3A_515 = arith.constant 0 : i32
        %dma_start3A_516 = tpu.memref_slice %arg2[%dma_start3A_514, %dma_start3A_515] : memref<1000000x128xf32, #tpu.memory_space<hbm>> -> memref<1000000x128xf32, #tpu.memory_space<hbm>>
        tpu.enqueue_indirect_dma source(%dma_start3A_516 : memref<1000000x128xf32, #tpu.memory_space<hbm>>) target(%arg9 : memref<128x128xf32, #tpu.memory_space<vmem>>) offsets(%dma_start3A_513 : memref<128xi32, #tpu.memory_space<vmem>>) semaphore(%arg17 : memref<!tpu.dma_semaphore, #tpu.memory_space<semaphore_mem>>)
      } else {
      }
      %iota3A = tpu.iota {dimensions = array<i32: 0>} : vector<16xi32>
      %parallel_loop3A = arith.constant 0 : i32
      %parallel_loop3A_231 = arith.constant 32 : i32
      %parallel_loop3A_232 = arith.constant 1 : i32
      scf.for %parallel_loop3A_507 = %parallel_loop3A to %parallel_loop3A_231 step %parallel_loop3A_232  : i32 {
        %parallel_loop3A_508 = arith.constant 3 : i32
        %parallel_loop3A_509 = arith.andi %parallel_loop3A_507, %parallel_loop3A_508 : i32
        %parallel_loop3A_510 = arith.constant 16 : i32
        %parallel_loop3A_511 = arith.muli %parallel_loop3A_509, %parallel_loop3A_510 : i32
        %parallel_loop3A_512 = arith.constant 2 : i32
        %parallel_loop3A_513 = arith.shrsi %parallel_loop3A_507, %parallel_loop3A_512 : i32
        %parallel_loop3A_514 = arith.constant 16 : i32
        %parallel_loop3A_515 = arith.muli %parallel_loop3A_513, %parallel_loop3A_514 : i32
        %parallel_loop3A_516 = vector.broadcast %parallel_loop3A_515 : i32 to vector<16xi32>
        %parallel_loop3A_517 = arith.addi %iota3A, %parallel_loop3A_516 : vector<16xi32>
        %parallel_loop3A_518 = arith.constant 0 : i32
        %parallel_loop3A_519 = vector.broadcast %parallel_loop3A_518 : i32 to vector<16xi32>
        %parallel_loop3A_520 = arith.addi %iota3A, %parallel_loop3A_519 : vector<16xi32>
        %parallel_loop3A_521 = arith.constant 15 : i32
        %parallel_loop3A_522 = vector.broadcast %parallel_loop3A_521 : i32 to vector<16xi32>
        %parallel_loop3A_523 = arith.andi %parallel_loop3A_520, %parallel_loop3A_522 : vector<16xi32>
        %parallel_loop3A_524 = vector.broadcast %parallel_loop3A_511 : i32 to vector<16xi32>
        %parallel_loop3A_525 = arith.addi %parallel_loop3A_523, %parallel_loop3A_524 : vector<16xi32>
        %parallel_loop3A_526 = tpu.vector_load_idx %arg6[%parallel_loop3A_517, %parallel_loop3A_525] : memref<128x128xf32, #tpu.memory_space<vmem>>[vector<16xi32>, vector<16xi32>], vector<16xf32>,
        tpu.vector_store_idx %arg10[%parallel_loop3A_525, %parallel_loop3A_517], %parallel_loop3A_526 : memref<64x128xf32, #tpu.memory_space<vmem>>[vector<16xi32>, vector<16xi32>], vector<16xf32>,
        %parallel_loop3A_527 = arith.constant 1 : i32
        %parallel_loop3A_528 = vector.broadcast %parallel_loop3A_527 : i32 to vector<16xi32>
        %parallel_loop3A_529 = arith.addi %iota3A, %parallel_loop3A_528 : vector<16xi32>
        %parallel_loop3A_530 = arith.constant 15 : i32
        %parallel_loop3A_531 = vector.broadcast %parallel_loop3A_530 : i32 to vector<16xi32>
        %parallel_loop3A_532 = arith.andi %parallel_loop3A_529, %parallel_loop3A_531 : vector<16xi32>
        %parallel_loop3A_533 = vector.broadcast %parallel_loop3A_511 : i32 to vector<16xi32>
        %parallel_loop3A_534 = arith.addi %parallel_loop3A_532, %parallel_loop3A_533 : vector<16xi32>
        %parallel_loop3A_535 = tpu.vector_load_idx %arg6[%parallel_loop3A_517, %parallel_loop3A_534] : memref<128x128xf32, #tpu.memory_space<vmem>>[vector<16xi32>, vector<16xi32>], vector<16xf32>,
        tpu.vector_store_idx %arg10[%parallel_loop3A_534, %parallel_loop3A_517], %parallel_loop3A_535 : memref<64x128xf32, #tpu.memory_space<vmem>>[vector<16xi32>, vector<16xi32>], vector<16xf32>,
        %parallel_loop3A_536 = arith.constant 2 : i32
        %parallel_loop3A_537 = vector.broadcast %parallel_loop3A_536 : i32 to vector<16xi32>
        %parallel_loop3A_538 = arith.addi %iota3A, %parallel_loop3A_537 : vector<16xi32>
        %parallel_loop3A_539 = arith.constant 15 : i32
        %parallel_loop3A_540 = vector.broadcast %parallel_loop3A_539 : i32 to vector<16xi32>
        %parallel_loop3A_541 = arith.andi %parallel_loop3A_538, %parallel_loop3A_540 : vector<16xi32>
        %parallel_loop3A_542 = vector.broadcast %parallel_loop3A_511 : i32 to vector<16xi32>
        %parallel_loop3A_543 = arith.addi %parallel_loop3A_541, %parallel_loop3A_542 : vector<16xi32>
        %parallel_loop3A_544 = tpu.vector_load_idx %arg6[%parallel_loop3A_517, %parallel_loop3A_543] : memref<128x128xf32, #tpu.memory_space<vmem>>[vector<16xi32>, vector<16xi32>], vector<16xf32>,
        tpu.vector_store_idx %arg10[%parallel_loop3A_543, %parallel_loop3A_517], %parallel_loop3A_544 : memref<64x128xf32, #tpu.memory_space<vmem>>[vector<16xi32>, vector<16xi32>], vector<16xf32>,
        %parallel_loop3A_545 = arith.constant 3 : i32
        %parallel_loop3A_546 = vector.broadcast %parallel_loop3A_545 : i32 to vector<16xi32>
        %parallel_loop3A_547 = arith.addi %iota3A, %parallel_loop3A_546 : vector<16xi32>
        %parallel_loop3A_548 = arith.constant 15 : i32
        %parallel_loop3A_549 = vector.broadcast %parallel_loop3A_548 : i32 to vector<16xi32>
        %parallel_loop3A_550 = arith.andi %parallel_loop3A_547, %parallel_loop3A_549 : vector<16xi32>
        %parallel_loop3A_551 = vector.broadcast %parallel_loop3A_511 : i32 to vector<16xi32>
        %parallel_loop3A_552 = arith.addi %parallel_loop3A_550, %parallel_loop3A_551 : vector<16xi32>
        %parallel_loop3A_553 = tpu.vector_load_idx %arg6[%parallel_loop3A_517, %parallel_loop3A_552] : memref<128x128xf32, #tpu.memory_space<vmem>>[vector<16xi32>, vector<16xi32>], vector<16xf32>,
        tpu.vector_store_idx %arg10[%parallel_loop3A_552, %parallel_loop3A_517], %parallel_loop3A_553 : memref<64x128xf32, #tpu.memory_space<vmem>>[vector<16xi32>, vector<16xi32>], vector<16xf32>,
        %parallel_loop3A_554 = arith.constant 4 : i32
        %parallel_loop3A_555 = vector.broadcast %parallel_loop3A_554 : i32 to vector<16xi32>
        %parallel_loop3A_556 = arith.addi %iota3A, %parallel_loop3A_555 : vector<16xi32>
        %parallel_loop3A_557 = arith.constant 15 : i32
        %parallel_loop3A_558 = vector.broadcast %parallel_loop3A_557 : i32 to vector<16xi32>
        %parallel_loop3A_559 = arith.andi %parallel_loop3A_556, %parallel_loop3A_558 : vector<16xi32>
        %parallel_loop3A_560 = vector.broadcast %parallel_loop3A_511 : i32 to vector<16xi32>
        %parallel_loop3A_561 = arith.addi %parallel_loop3A_559, %parallel_loop3A_560 : vector<16xi32>
        %parallel_loop3A_562 = tpu.vector_load_idx %arg6[%parallel_loop3A_517, %parallel_loop3A_561] : memref<128x128xf32, #tpu.memory_space<vmem>>[vector<16xi32>, vector<16xi32>], vector<16xf32>,
        tpu.vector_store_idx %arg10[%parallel_loop3A_561, %parallel_loop3A_517], %parallel_loop3A_562 : memref<64x128xf32, #tpu.memory_space<vmem>>[vector<16xi32>, vector<16xi32>], vector<16xf32>,
        %parallel_loop3A_563 = arith.constant 5 : i32
        %parallel_loop3A_564 = vector.broadcast %parallel_loop3A_563 : i32 to vector<16xi32>
        %parallel_loop3A_565 = arith.addi %iota3A, %parallel_loop3A_564 : vector<16xi32>
        %parallel_loop3A_566 = arith.constant 15 : i32
        %parallel_loop3A_567 = vector.broadcast %parallel_loop3A_566 : i32 to vector<16xi32>
        %parallel_loop3A_568 = arith.andi %parallel_loop3A_565, %parallel_loop3A_567 : vector<16xi32>
        %parallel_loop3A_569 = vector.broadcast %parallel_loop3A_511 : i32 to vector<16xi32>
        %parallel_loop3A_570 = arith.addi %parallel_loop3A_568, %parallel_loop3A_569 : vector<16xi32>
        %parallel_loop3A_571 = tpu.vector_load_idx %arg6[%parallel_loop3A_517, %parallel_loop3A_570] : memref<128x128xf32, #tpu.memory_space<vmem>>[vector<16xi32>, vector<16xi32>], vector<16xf32>,
        tpu.vector_store_idx %arg10[%parallel_loop3A_570, %parallel_loop3A_517], %parallel_loop3A_571 : memref<64x128xf32, #tpu.memory_space<vmem>>[vector<16xi32>, vector<16xi32>], vector<16xf32>,
        %parallel_loop3A_572 = arith.constant 6 : i32
        %parallel_loop3A_573 = vector.broadcast %parallel_loop3A_572 : i32 to vector<16xi32>
        %parallel_loop3A_574 = arith.addi %iota3A, %parallel_loop3A_573 : vector<16xi32>
        %parallel_loop3A_575 = arith.constant 15 : i32
        %parallel_loop3A_576 = vector.broadcast %parallel_loop3A_575 : i32 to vector<16xi32>
        %parallel_loop3A_577 = arith.andi %parallel_loop3A_574, %parallel_loop3A_576 : vector<16xi32>
        %parallel_loop3A_578 = vector.broadcast %parallel_loop3A_511 : i32 to vector<16xi32>
        %parallel_loop3A_579 = arith.addi %parallel_loop3A_577, %parallel_loop3A_578 : vector<16xi32>
        %parallel_loop3A_580 = tpu.vector_load_idx %arg6[%parallel_loop3A_517, %parallel_loop3A_579] : memref<128x128xf32, #tpu.memory_space<vmem>>[vector<16xi32>, vector<16xi32>], vector<16xf32>,
        tpu.vector_store_idx %arg10[%parallel_loop3A_579, %parallel_loop3A_517], %parallel_loop3A_580 : memref<64x128xf32, #tpu.memory_space<vmem>>[vector<16xi32>, vector<16xi32>], vector<16xf32>,
        %parallel_loop3A_581 = arith.constant 7 : i32
        %parallel_loop3A_582 = vector.broadcast %parallel_loop3A_581 : i32 to vector<16xi32>
        %parallel_loop3A_583 = arith.addi %iota3A, %parallel_loop3A_582 : vector<16xi32>
        %parallel_loop3A_584 = arith.constant 15 : i32
        %parallel_loop3A_585 = vector.broadcast %parallel_loop3A_584 : i32 to vector<16xi32>
        %parallel_loop3A_586 = arith.andi %parallel_loop3A_583, %parallel_loop3A_585 : vector<16xi32>
        %parallel_loop3A_587 = vector.broadcast %parallel_loop3A_511 : i32 to vector<16xi32>
        %parallel_loop3A_588 = arith.addi %parallel_loop3A_586, %parallel_loop3A_587 : vector<16xi32>
        %parallel_loop3A_589 = tpu.vector_load_idx %arg6[%parallel_loop3A_517, %parallel_loop3A_588] : memref<128x128xf32, #tpu.memory_space<vmem>>[vector<16xi32>, vector<16xi32>], vector<16xf32>,
        tpu.vector_store_idx %arg10[%parallel_loop3A_588, %parallel_loop3A_517], %parallel_loop3A_589 : memref<64x128xf32, #tpu.memory_space<vmem>>[vector<16xi32>, vector<16xi32>], vector<16xf32>,
        %parallel_loop3A_590 = arith.constant 8 : i32
        %parallel_loop3A_591 = vector.broadcast %parallel_loop3A_590 : i32 to vector<16xi32>
        %parallel_loop3A_592 = arith.addi %iota3A, %parallel_loop3A_591 : vector<16xi32>
        %parallel_loop3A_593 = arith.constant 15 : i32
        %parallel_loop3A_594 = vector.broadcast %parallel_loop3A_593 : i32 to vector<16xi32>
        %parallel_loop3A_595 = arith.andi %parallel_loop3A_592, %parallel_loop3A_594 : vector<16xi32>
        %parallel_loop3A_596 = vector.broadcast %parallel_loop3A_511 : i32 to vector<16xi32>
        %parallel_loop3A_597 = arith.addi %parallel_loop3A_595, %parallel_loop3A_596 : vector<16xi32>
        %parallel_loop3A_598 = tpu.vector_load_idx %arg6[%parallel_loop3A_517, %parallel_loop3A_597] : memref<128x128xf32, #tpu.memory_space<vmem>>[vector<16xi32>, vector<16xi32>], vector<16xf32>,
        tpu.vector_store_idx %arg10[%parallel_loop3A_597, %parallel_loop3A_517], %parallel_loop3A_598 : memref<64x128xf32, #tpu.memory_space<vmem>>[vector<16xi32>, vector<16xi32>], vector<16xf32>,
        %parallel_loop3A_599 = arith.constant 9 : i32
        %parallel_loop3A_600 = vector.broadcast %parallel_loop3A_599 : i32 to vector<16xi32>
        %parallel_loop3A_601 = arith.addi %iota3A, %parallel_loop3A_600 : vector<16xi32>
        %parallel_loop3A_602 = arith.constant 15 : i32
        %parallel_loop3A_603 = vector.broadcast %parallel_loop3A_602 : i32 to vector<16xi32>
        %parallel_loop3A_604 = arith.andi %parallel_loop3A_601, %parallel_loop3A_603 : vector<16xi32>
        %parallel_loop3A_605 = vector.broadcast %parallel_loop3A_511 : i32 to vector<16xi32>
        %parallel_loop3A_606 = arith.addi %parallel_loop3A_604, %parallel_loop3A_605 : vector<16xi32>
        %parallel_loop3A_607 = tpu.vector_load_idx %arg6[%parallel_loop3A_517, %parallel_loop3A_606] : memref<128x128xf32, #tpu.memory_space<vmem>>[vector<16xi32>, vector<16xi32>], vector<16xf32>,
        tpu.vector_store_idx %arg10[%parallel_loop3A_606, %parallel_loop3A_517], %parallel_loop3A_607 : memref<64x128xf32, #tpu.memory_space<vmem>>[vector<16xi32>, vector<16xi32>], vector<16xf32>,
        %parallel_loop3A_608 = arith.constant 10 : i32
        %parallel_loop3A_609 = vector.broadcast %parallel_loop3A_608 : i32 to vector<16xi32>
        %parallel_loop3A_610 = arith.addi %iota3A, %parallel_loop3A_609 : vector<16xi32>
        %parallel_loop3A_611 = arith.constant 15 : i32
        %parallel_loop3A_612 = vector.broadcast %parallel_loop3A_611 : i32 to vector<16xi32>
        %parallel_loop3A_613 = arith.andi %parallel_loop3A_610, %parallel_loop3A_612 : vector<16xi32>
        %parallel_loop3A_614 = vector.broadcast %parallel_loop3A_511 : i32 to vector<16xi32>
        %parallel_loop3A_615 = arith.addi %parallel_loop3A_613, %parallel_loop3A_614 : vector<16xi32>
        %parallel_loop3A_616 = tpu.vector_load_idx %arg6[%parallel_loop3A_517, %parallel_loop3A_615] : memref<128x128xf32, #tpu.memory_space<vmem>>[vector<16xi32>, vector<16xi32>], vector<16xf32>,
        tpu.vector_store_idx %arg10[%parallel_loop3A_615, %parallel_loop3A_517], %parallel_loop3A_616 : memref<64x128xf32, #tpu.memory_space<vmem>>[vector<16xi32>, vector<16xi32>], vector<16xf32>,
        %parallel_loop3A_617 = arith.constant 11 : i32
        %parallel_loop3A_618 = vector.broadcast %parallel_loop3A_617 : i32 to vector<16xi32>
        %parallel_loop3A_619 = arith.addi %iota3A, %parallel_loop3A_618 : vector<16xi32>
        %parallel_loop3A_620 = arith.constant 15 : i32
        %parallel_loop3A_621 = vector.broadcast %parallel_loop3A_620 : i32 to vector<16xi32>
        %parallel_loop3A_622 = arith.andi %parallel_loop3A_619, %parallel_loop3A_621 : vector<16xi32>
        %parallel_loop3A_623 = vector.broadcast %parallel_loop3A_511 : i32 to vector<16xi32>
        %parallel_loop3A_624 = arith.addi %parallel_loop3A_622, %parallel_loop3A_623 : vector<16xi32>
        %parallel_loop3A_625 = tpu.vector_load_idx %arg6[%parallel_loop3A_517, %parallel_loop3A_624] : memref<128x128xf32, #tpu.memory_space<vmem>>[vector<16xi32>, vector<16xi32>], vector<16xf32>,
        tpu.vector_store_idx %arg10[%parallel_loop3A_624, %parallel_loop3A_517], %parallel_loop3A_625 : memref<64x128xf32, #tpu.memory_space<vmem>>[vector<16xi32>, vector<16xi32>], vector<16xf32>,
        %parallel_loop3A_626 = arith.constant 12 : i32
        %parallel_loop3A_627 = vector.broadcast %parallel_loop3A_626 : i32 to vector<16xi32>
        %parallel_loop3A_628 = arith.addi %iota3A, %parallel_loop3A_627 : vector<16xi32>
        %parallel_loop3A_629 = arith.constant 15 : i32
        %parallel_loop3A_630 = vector.broadcast %parallel_loop3A_629 : i32 to vector<16xi32>
        %parallel_loop3A_631 = arith.andi %parallel_loop3A_628, %parallel_loop3A_630 : vector<16xi32>
        %parallel_loop3A_632 = vector.broadcast %parallel_loop3A_511 : i32 to vector<16xi32>
        %parallel_loop3A_633 = arith.addi %parallel_loop3A_631, %parallel_loop3A_632 : vector<16xi32>
        %parallel_loop3A_634 = tpu.vector_load_idx %arg6[%parallel_loop3A_517, %parallel_loop3A_633] : memref<128x128xf32, #tpu.memory_space<vmem>>[vector<16xi32>, vector<16xi32>], vector<16xf32>,
        tpu.vector_store_idx %arg10[%parallel_loop3A_633, %parallel_loop3A_517], %parallel_loop3A_634 : memref<64x128xf32, #tpu.memory_space<vmem>>[vector<16xi32>, vector<16xi32>], vector<16xf32>,
        %parallel_loop3A_635 = arith.constant 13 : i32
        %parallel_loop3A_636 = vector.broadcast %parallel_loop3A_635 : i32 to vector<16xi32>
        %parallel_loop3A_637 = arith.addi %iota3A, %parallel_loop3A_636 : vector<16xi32>
        %parallel_loop3A_638 = arith.constant 15 : i32
        %parallel_loop3A_639 = vector.broadcast %parallel_loop3A_638 : i32 to vector<16xi32>
        %parallel_loop3A_640 = arith.andi %parallel_loop3A_637, %parallel_loop3A_639 : vector<16xi32>
        %parallel_loop3A_641 = vector.broadcast %parallel_loop3A_511 : i32 to vector<16xi32>
        %parallel_loop3A_642 = arith.addi %parallel_loop3A_640, %parallel_loop3A_641 : vector<16xi32>
        %parallel_loop3A_643 = tpu.vector_load_idx %arg6[%parallel_loop3A_517, %parallel_loop3A_642] : memref<128x128xf32, #tpu.memory_space<vmem>>[vector<16xi32>, vector<16xi32>], vector<16xf32>,
        tpu.vector_store_idx %arg10[%parallel_loop3A_642, %parallel_loop3A_517], %parallel_loop3A_643 : memref<64x128xf32, #tpu.memory_space<vmem>>[vector<16xi32>, vector<16xi32>], vector<16xf32>,
        %parallel_loop3A_644 = arith.constant 14 : i32
        %parallel_loop3A_645 = vector.broadcast %parallel_loop3A_644 : i32 to vector<16xi32>
        %parallel_loop3A_646 = arith.addi %iota3A, %parallel_loop3A_645 : vector<16xi32>
        %parallel_loop3A_647 = arith.constant 15 : i32
        %parallel_loop3A_648 = vector.broadcast %parallel_loop3A_647 : i32 to vector<16xi32>
        %parallel_loop3A_649 = arith.andi %parallel_loop3A_646, %parallel_loop3A_648 : vector<16xi32>
        %parallel_loop3A_650 = vector.broadcast %parallel_loop3A_511 : i32 to vector<16xi32>
        %parallel_loop3A_651 = arith.addi %parallel_loop3A_649, %parallel_loop3A_650 : vector<16xi32>
        %parallel_loop3A_652 = tpu.vector_load_idx %arg6[%parallel_loop3A_517, %parallel_loop3A_651] : memref<128x128xf32, #tpu.memory_space<vmem>>[vector<16xi32>, vector<16xi32>], vector<16xf32>,
        tpu.vector_store_idx %arg10[%parallel_loop3A_651, %parallel_loop3A_517], %parallel_loop3A_652 : memref<64x128xf32, #tpu.memory_space<vmem>>[vector<16xi32>, vector<16xi32>], vector<16xf32>,
        %parallel_loop3A_653 = arith.constant 15 : i32
        %parallel_loop3A_654 = vector.broadcast %parallel_loop3A_653 : i32 to vector<16xi32>
        %parallel_loop3A_655 = arith.addi %iota3A, %parallel_loop3A_654 : vector<16xi32>
        %parallel_loop3A_656 = arith.constant 15 : i32
        %parallel_loop3A_657 = vector.broadcast %parallel_loop3A_656 : i32 to vector<16xi32>
        %parallel_loop3A_658 = arith.andi %parallel_loop3A_655, %parallel_loop3A_657 : vector<16xi32>
        %parallel_loop3A_659 = vector.broadcast %parallel_loop3A_511 : i32 to vector<16xi32>
        %parallel_loop3A_660 = arith.addi %parallel_loop3A_658, %parallel_loop3A_659 : vector<16xi32>
        %parallel_loop3A_661 = tpu.vector_load_idx %arg6[%parallel_loop3A_517, %parallel_loop3A_660] : memref<128x128xf32, #tpu.memory_space<vmem>>[vector<16xi32>, vector<16xi32>], vector<16xf32>,
        tpu.vector_store_idx %arg10[%parallel_loop3A_660, %parallel_loop3A_517], %parallel_loop3A_661 : memref<64x128xf32, #tpu.memory_space<vmem>>[vector<16xi32>, vector<16xi32>], vector<16xf32>,
      } {sc.loop_unroll_factor = 1 : i64, sc.parallel_access}
      %mul3A_233 = arith.constant 128 : i32
      %mul3A_234 = arith.muli %add3A_213, %mul3A_233 : i32
      %add3A_235 = arith.addi %mul3A_2, %mul3A_234 : i32
      %jit3A_236 = arith.constant 16384 : i32
      %div3A_237 = arith.divsi %add3A_235, %jit3A_236 : i32
      %sign3A_238 = arith.constant 0 : i32
      %sign3A_239 = arith.cmpi sgt, %add3A_235, %sign3A_238 : i32
      %sign3A_240 = arith.extui %sign3A_239 : i1 to i32
      %sign3A_241 = arith.constant 0 : i32
      %sign3A_242 = arith.cmpi slt, %add3A_235, %sign3A_241 : i32
      %sign3A_243 = arith.extui %sign3A_242 : i1 to i32
      %sign3A_244 = arith.subi %sign3A_240, %sign3A_243 : i32
      %sign3A_245 = arith.constant 0 : i32
      %sign3A_246 = arith.cmpi sgt, %jit3A_236, %sign3A_245 : i32
      %sign3A_247 = arith.extui %sign3A_246 : i1 to i32
      %sign3A_248 = arith.constant 0 : i32
      %sign3A_249 = arith.cmpi slt, %jit3A_236, %sign3A_248 : i32
      %sign3A_250 = arith.extui %sign3A_249 : i1 to i32
      %sign3A_251 = arith.subi %sign3A_247, %sign3A_250 : i32
      %ne3A_252 = arith.cmpi ne, %sign3A_244, %sign3A_251 : i32
      %rem3A_253 = arith.remsi %add3A_235, %jit3A_236 : i32
      %ne3A_254 = arith.constant 0 : i32
      %ne3A_255 = arith.cmpi ne, %rem3A_253, %ne3A_254 : i32
      %and3A_256 = arith.andi %ne3A_252, %ne3A_255 : i1
      %sub3A_257 = arith.constant 1 : i32
      %sub3A_258 = arith.subi %div3A_237, %sub3A_257 : i32
      %select_n3A_259 = arith.select %and3A_256, %sub3A_258, %div3A_237 : i32
      %jit3A_260 = arith.constant 16384 : i32
      %eq3A_261 = arith.constant 0 : i32
      %eq3A_262 = arith.cmpi eq, %jit3A_260, %eq3A_261 : i32
      %jit3A_263 = arith.constant 1 : i32
      %select_n3A_264 = arith.select %eq3A_262, %jit3A_263, %jit3A_260 : i32
      %rem3A_265 = arith.remsi %add3A_235, %select_n3A_264 : i32
      %ne3A_266 = arith.constant 0 : i32
      %ne3A_267 = arith.cmpi ne, %rem3A_265, %ne3A_266 : i32
      %lt3A_268 = arith.constant 0 : i32
      %lt3A_269 = arith.cmpi slt, %rem3A_265, %lt3A_268 : i32
      %lt3A_270 = arith.constant 0 : i32
      %lt3A_271 = arith.cmpi slt, %select_n3A_264, %lt3A_270 : i32
      %ne3A_272 = arith.xori %lt3A_269, %lt3A_271 : i1
      %and3A_273 = arith.andi %ne3A_272, %ne3A_267 : i1
      %add3A_274 = arith.addi %rem3A_265, %select_n3A_264 : i32
      %select_n3A_275 = arith.select %and3A_273, %add3A_274, %rem3A_265 : i32
      %dma_start3A_276 = arith.constant 0 : i32
      %dma_start3A_277 = tpu.memref_slice %arg4[%select_n3A_259, %dma_start3A_276, %select_n3A_275] : memref<50x64x16384xf32, #tpu.memory_space<hbm>> -> memref<1x64x128xf32, #tpu.memory_space<hbm>>
      %dma_start3A_278 = tpu.memref_squeeze %dma_start3A_277 : memref<1x64x128xf32, #tpu.memory_space<hbm>> -> memref<64x128xf32, #tpu.memory_space<hbm>>
      %dma_start3A_279 = arith.constant 0 : i32
      %dma_start3A_280 = tpu.memref_slice %arg4[%select_n3A_259, %dma_start3A_279, %select_n3A_275] : memref<50x64x16384xf32, #tpu.memory_space<hbm>> -> memref<1x64x128xf32, #tpu.memory_space<hbm>>
      %dma_start3A_281 = tpu.memref_squeeze %dma_start3A_280 : memref<1x64x128xf32, #tpu.memory_space<hbm>> -> memref<64x128xf32, #tpu.memory_space<hbm>>
      tpu.enqueue_dma source(%arg10 : memref<64x128xf32, #tpu.memory_space<vmem>>) target(%dma_start3A_281 : memref<64x128xf32, #tpu.memory_space<hbm>>) target_semaphore(%arg18 : memref<!tpu.dma_semaphore, #tpu.memory_space<semaphore_mem>>)
      %add3A_282 = arith.constant 1 : i32
      %add3A_283 = arith.addi %mul3A_211, %add3A_282 : i32
      %ge3A_284 = arith.constant 4 : i32
      %ge3A_285 = arith.cmpi sge, %add3A_283, %ge3A_284 : i32
      %convert_element_type3A_286 = arith.extui %ge3A_285 : i1 to i32
      %cond3A_287 = arith.constant 0 : i32
      %cond3A_288 = arith.cmpi ne, %convert_element_type3A_286, %cond3A_287 : i32
      scf.if %cond3A_288 {
        %sub3A_507 = arith.constant 4 : i32
        %sub3A_508 = arith.subi %add3A_283, %sub3A_507 : i32
        %mul3A_509 = arith.constant 128 : i32
        %mul3A_510 = arith.muli %sub3A_508, %mul3A_509 : i32
        %add3A_511 = arith.addi %mul3A_2, %mul3A_510 : i32
        %jit3A_512 = arith.constant 16384 : i32
        %div3A_513 = arith.divsi %add3A_511, %jit3A_512 : i32
        %sign3A_514 = arith.constant 0 : i32
        %sign3A_515 = arith.cmpi sgt, %add3A_511, %sign3A_514 : i32
        %sign3A_516 = arith.extui %sign3A_515 : i1 to i32
        %sign3A_517 = arith.constant 0 : i32
        %sign3A_518 = arith.cmpi slt, %add3A_511, %sign3A_517 : i32
        %sign3A_519 = arith.extui %sign3A_518 : i1 to i32
        %sign3A_520 = arith.subi %sign3A_516, %sign3A_519 : i32
        %sign3A_521 = arith.constant 0 : i32
        %sign3A_522 = arith.cmpi sgt, %jit3A_512, %sign3A_521 : i32
        %sign3A_523 = arith.extui %sign3A_522 : i1 to i32
        %sign3A_524 = arith.constant 0 : i32
        %sign3A_525 = arith.cmpi slt, %jit3A_512, %sign3A_524 : i32
        %sign3A_526 = arith.extui %sign3A_525 : i1 to i32
        %sign3A_527 = arith.subi %sign3A_523, %sign3A_526 : i32
        %ne3A_528 = arith.cmpi ne, %sign3A_520, %sign3A_527 : i32
        %rem3A_529 = arith.remsi %add3A_511, %jit3A_512 : i32
        %ne3A_530 = arith.constant 0 : i32
        %ne3A_531 = arith.cmpi ne, %rem3A_529, %ne3A_530 : i32
        %and3A_532 = arith.andi %ne3A_528, %ne3A_531 : i1
        %sub3A_533 = arith.constant 1 : i32
        %sub3A_534 = arith.subi %div3A_513, %sub3A_533 : i32
        %select_n3A_535 = arith.select %and3A_532, %sub3A_534, %div3A_513 : i32
        %jit3A_536 = arith.constant 16384 : i32
        %eq3A_537 = arith.constant 0 : i32
        %eq3A_538 = arith.cmpi eq, %jit3A_536, %eq3A_537 : i32
        %jit3A_539 = arith.constant 1 : i32
        %select_n3A_540 = arith.select %eq3A_538, %jit3A_539, %jit3A_536 : i32
        %rem3A_541 = arith.remsi %add3A_511, %select_n3A_540 : i32
        %ne3A_542 = arith.constant 0 : i32
        %ne3A_543 = arith.cmpi ne, %rem3A_541, %ne3A_542 : i32
        %lt3A_544 = arith.constant 0 : i32
        %lt3A_545 = arith.cmpi slt, %rem3A_541, %lt3A_544 : i32
        %lt3A_546 = arith.constant 0 : i32
        %lt3A_547 = arith.cmpi slt, %select_n3A_540, %lt3A_546 : i32
        %ne3A_548 = arith.xori %lt3A_545, %lt3A_547 : i1
        %and3A_549 = arith.andi %ne3A_548, %ne3A_543 : i1
        %add3A_550 = arith.addi %rem3A_541, %select_n3A_540 : i32
        %select_n3A_551 = arith.select %and3A_549, %add3A_550, %rem3A_541 : i32
        %dma_wait3A_552 = arith.constant 0 : i32
        %dma_wait3A_553 = tpu.memref_slice %arg4[%select_n3A_535, %dma_wait3A_552, %select_n3A_551] : memref<50x64x16384xf32, #tpu.memory_space<hbm>> -> memref<1x64x128xf32, #tpu.memory_space<hbm>>
        %dma_wait3A_554 = tpu.memref_squeeze %dma_wait3A_553 : memref<1x64x128xf32, #tpu.memory_space<hbm>> -> memref<64x128xf32, #tpu.memory_space<hbm>>
        %dma_wait3A_555 = arith.constant 0 : i32
        %dma_wait3A_556 = tpu.memref_slice %arg4[%select_n3A_535, %dma_wait3A_555, %select_n3A_551] : memref<50x64x16384xf32, #tpu.memory_space<hbm>> -> memref<1x64x128xf32, #tpu.memory_space<hbm>>
        %dma_wait3A_557 = tpu.memref_squeeze %dma_wait3A_556 : memref<1x64x128xf32, #tpu.memory_space<hbm>> -> memref<64x128xf32, #tpu.memory_space<hbm>>
        tpu.wait_dma2 semaphore(%arg19 : memref<!tpu.dma_semaphore, #tpu.memory_space<semaphore_mem>>) src(%arg11 : memref<64x128xf32, #tpu.memory_space<vmem>>) dst(%dma_wait3A_557 : memref<64x128xf32, #tpu.memory_space<hbm>>)
      } else {
      }
      %dma_wait3A_289 = arith.constant 0 : i32
      %dma_wait3A_290 = tpu.memref_slice %arg5[%add3A_283, %dma_wait3A_289] : memref<200x128xi32, #tpu.memory_space<vmem>> -> memref<1x128xi32, #tpu.memory_space<vmem>>
      %dma_wait3A_291 = tpu.memref_squeeze %dma_wait3A_290 : memref<1x128xi32, #tpu.memory_space<vmem>> -> memref<128xi32, #tpu.memory_space<vmem>>
      %dma_wait3A_292 = arith.constant 0 : i32
      %dma_wait3A_293 = arith.constant 0 : i32
      %dma_wait3A_294 = tpu.memref_slice %arg2[%dma_wait3A_292, %dma_wait3A_293] : memref<1000000x128xf32, #tpu.memory_space<hbm>> -> memref<1000000x128xf32, #tpu.memory_space<hbm>>
      tpu.wait_indirect_dma semaphore(%arg15 : memref<!tpu.dma_semaphore, #tpu.memory_space<semaphore_mem>>) src(%dma_wait3A_294 : memref<1000000x128xf32, #tpu.memory_space<hbm>>) dst(%arg7 : memref<128x128xf32, #tpu.memory_space<vmem>>)
      %add3A_295 = arith.constant 4 : i32
      %add3A_296 = arith.addi %add3A_283, %add3A_295 : i32
      %sub3A_297 = arith.constant 1 : i32
      %sub3A_298 = arith.subi %add3A_296, %sub3A_297 : i32
      %lt3A_299 = arith.constant 200 : i32
      %lt3A_300 = arith.cmpi slt, %sub3A_298, %lt3A_299 : i32
      %convert_element_type3A_301 = arith.extui %lt3A_300 : i1 to i32
      %cond3A_302 = arith.constant 0 : i32
      %cond3A_303 = arith.cmpi ne, %convert_element_type3A_301, %cond3A_302 : i32
      scf.if %cond3A_303 {
        %add3A_507 = arith.constant 4 : i32
        %add3A_508 = arith.addi %add3A_283, %add3A_507 : i32
        %sub3A_509 = arith.constant 1 : i32
        %sub3A_510 = arith.subi %add3A_508, %sub3A_509 : i32
        %dma_start3A_511 = arith.constant 0 : i32
        %dma_start3A_512 = tpu.memref_slice %arg5[%sub3A_510, %dma_start3A_511] : memref<200x128xi32, #tpu.memory_space<vmem>> -> memref<1x128xi32, #tpu.memory_space<vmem>>
        %dma_start3A_513 = tpu.memref_squeeze %dma_start3A_512 : memref<1x128xi32, #tpu.memory_space<vmem>> -> memref<128xi32, #tpu.memory_space<vmem>>
        %dma_start3A_514 = arith.constant 0 : i32
        %dma_start3A_515 = arith.constant 0 : i32
        %dma_start3A_516 = tpu.memref_slice %arg2[%dma_start3A_514, %dma_start3A_515] : memref<1000000x128xf32, #tpu.memory_space<hbm>> -> memref<1000000x128xf32, #tpu.memory_space<hbm>>
        tpu.enqueue_indirect_dma source(%dma_start3A_516 : memref<1000000x128xf32, #tpu.memory_space<hbm>>) target(%arg6 : memref<128x128xf32, #tpu.memory_space<vmem>>) offsets(%dma_start3A_513 : memref<128xi32, #tpu.memory_space<vmem>>) semaphore(%arg14 : memref<!tpu.dma_semaphore, #tpu.memory_space<semaphore_mem>>)
      } else {
      }
      %iota3A_304 = tpu.iota {dimensions = array<i32: 0>} : vector<16xi32>
      %parallel_loop3A_305 = arith.constant 0 : i32
      %parallel_loop3A_306 = arith.constant 32 : i32
      %parallel_loop3A_307 = arith.constant 1 : i32
      scf.for %parallel_loop3A_507 = %parallel_loop3A_305 to %parallel_loop3A_306 step %parallel_loop3A_307  : i32 {
        %parallel_loop3A_508 = arith.constant 3 : i32
        %parallel_loop3A_509 = arith.andi %parallel_loop3A_507, %parallel_loop3A_508 : i32
        %parallel_loop3A_510 = arith.constant 16 : i32
        %parallel_loop3A_511 = arith.muli %parallel_loop3A_509, %parallel_loop3A_510 : i32
        %parallel_loop3A_512 = arith.constant 2 : i32
        %parallel_loop3A_513 = arith.shrsi %parallel_loop3A_507, %parallel_loop3A_512 : i32
        %parallel_loop3A_514 = arith.constant 16 : i32
        %parallel_loop3A_515 = arith.muli %parallel_loop3A_513, %parallel_loop3A_514 : i32
        %parallel_loop3A_516 = vector.broadcast %parallel_loop3A_515 : i32 to vector<16xi32>
        %parallel_loop3A_517 = arith.addi %iota3A_304, %parallel_loop3A_516 : vector<16xi32>
        %parallel_loop3A_518 = arith.constant 0 : i32
        %parallel_loop3A_519 = vector.broadcast %parallel_loop3A_518 : i32 to vector<16xi32>
        %parallel_loop3A_520 = arith.addi %iota3A_304, %parallel_loop3A_519 : vector<16xi32>
        %parallel_loop3A_521 = arith.constant 15 : i32
        %parallel_loop3A_522 = vector.broadcast %parallel_loop3A_521 : i32 to vector<16xi32>
        %parallel_loop3A_523 = arith.andi %parallel_loop3A_520, %parallel_loop3A_522 : vector<16xi32>
        %parallel_loop3A_524 = vector.broadcast %parallel_loop3A_511 : i32 to vector<16xi32>
        %parallel_loop3A_525 = arith.addi %parallel_loop3A_523, %parallel_loop3A_524 : vector<16xi32>
        %parallel_loop3A_526 = tpu.vector_load_idx %arg7[%parallel_loop3A_517, %parallel_loop3A_525] : memref<128x128xf32, #tpu.memory_space<vmem>>[vector<16xi32>, vector<16xi32>], vector<16xf32>,
        tpu.vector_store_idx %arg11[%parallel_loop3A_525, %parallel_loop3A_517], %parallel_loop3A_526 : memref<64x128xf32, #tpu.memory_space<vmem>>[vector<16xi32>, vector<16xi32>], vector<16xf32>,
        %parallel_loop3A_527 = arith.constant 1 : i32
        %parallel_loop3A_528 = vector.broadcast %parallel_loop3A_527 : i32 to vector<16xi32>
        %parallel_loop3A_529 = arith.addi %iota3A_304, %parallel_loop3A_528 : vector<16xi32>
        %parallel_loop3A_530 = arith.constant 15 : i32
        %parallel_loop3A_531 = vector.broadcast %parallel_loop3A_530 : i32 to vector<16xi32>
        %parallel_loop3A_532 = arith.andi %parallel_loop3A_529, %parallel_loop3A_531 : vector<16xi32>
        %parallel_loop3A_533 = vector.broadcast %parallel_loop3A_511 : i32 to vector<16xi32>
        %parallel_loop3A_534 = arith.addi %parallel_loop3A_532, %parallel_loop3A_533 : vector<16xi32>
        %parallel_loop3A_535 = tpu.vector_load_idx %arg7[%parallel_loop3A_517, %parallel_loop3A_534] : memref<128x128xf32, #tpu.memory_space<vmem>>[vector<16xi32>, vector<16xi32>], vector<16xf32>,
        tpu.vector_store_idx %arg11[%parallel_loop3A_534, %parallel_loop3A_517], %parallel_loop3A_535 : memref<64x128xf32, #tpu.memory_space<vmem>>[vector<16xi32>, vector<16xi32>], vector<16xf32>,
        %parallel_loop3A_536 = arith.constant 2 : i32
        %parallel_loop3A_537 = vector.broadcast %parallel_loop3A_536 : i32 to vector<16xi32>
        %parallel_loop3A_538 = arith.addi %iota3A_304, %parallel_loop3A_537 : vector<16xi32>
        %parallel_loop3A_539 = arith.constant 15 : i32
        %parallel_loop3A_540 = vector.broadcast %parallel_loop3A_539 : i32 to vector<16xi32>
        %parallel_loop3A_541 = arith.andi %parallel_loop3A_538, %parallel_loop3A_540 : vector<16xi32>
        %parallel_loop3A_542 = vector.broadcast %parallel_loop3A_511 : i32 to vector<16xi32>
        %parallel_loop3A_543 = arith.addi %parallel_loop3A_541, %parallel_loop3A_542 : vector<16xi32>
        %parallel_loop3A_544 = tpu.vector_load_idx %arg7[%parallel_loop3A_517, %parallel_loop3A_543] : memref<128x128xf32, #tpu.memory_space<vmem>>[vector<16xi32>, vector<16xi32>], vector<16xf32>,
        tpu.vector_store_idx %arg11[%parallel_loop3A_543, %parallel_loop3A_517], %parallel_loop3A_544 : memref<64x128xf32, #tpu.memory_space<vmem>>[vector<16xi32>, vector<16xi32>], vector<16xf32>,
        %parallel_loop3A_545 = arith.constant 3 : i32
        %parallel_loop3A_546 = vector.broadcast %parallel_loop3A_545 : i32 to vector<16xi32>
        %parallel_loop3A_547 = arith.addi %iota3A_304, %parallel_loop3A_546 : vector<16xi32>
        %parallel_loop3A_548 = arith.constant 15 : i32
        %parallel_loop3A_549 = vector.broadcast %parallel_loop3A_548 : i32 to vector<16xi32>
        %parallel_loop3A_550 = arith.andi %parallel_loop3A_547, %parallel_loop3A_549 : vector<16xi32>
        %parallel_loop3A_551 = vector.broadcast %parallel_loop3A_511 : i32 to vector<16xi32>
        %parallel_loop3A_552 = arith.addi %parallel_loop3A_550, %parallel_loop3A_551 : vector<16xi32>
        %parallel_loop3A_553 = tpu.vector_load_idx %arg7[%parallel_loop3A_517, %parallel_loop3A_552] : memref<128x128xf32, #tpu.memory_space<vmem>>[vector<16xi32>, vector<16xi32>], vector<16xf32>,
        tpu.vector_store_idx %arg11[%parallel_loop3A_552, %parallel_loop3A_517], %parallel_loop3A_553 : memref<64x128xf32, #tpu.memory_space<vmem>>[vector<16xi32>, vector<16xi32>], vector<16xf32>,
        %parallel_loop3A_554 = arith.constant 4 : i32
        %parallel_loop3A_555 = vector.broadcast %parallel_loop3A_554 : i32 to vector<16xi32>
        %parallel_loop3A_556 = arith.addi %iota3A_304, %parallel_loop3A_555 : vector<16xi32>
        %parallel_loop3A_557 = arith.constant 15 : i32
        %parallel_loop3A_558 = vector.broadcast %parallel_loop3A_557 : i32 to vector<16xi32>
        %parallel_loop3A_559 = arith.andi %parallel_loop3A_556, %parallel_loop3A_558 : vector<16xi32>
        %parallel_loop3A_560 = vector.broadcast %parallel_loop3A_511 : i32 to vector<16xi32>
        %parallel_loop3A_561 = arith.addi %parallel_loop3A_559, %parallel_loop3A_560 : vector<16xi32>
        %parallel_loop3A_562 = tpu.vector_load_idx %arg7[%parallel_loop3A_517, %parallel_loop3A_561] : memref<128x128xf32, #tpu.memory_space<vmem>>[vector<16xi32>, vector<16xi32>], vector<16xf32>,
        tpu.vector_store_idx %arg11[%parallel_loop3A_561, %parallel_loop3A_517], %parallel_loop3A_562 : memref<64x128xf32, #tpu.memory_space<vmem>>[vector<16xi32>, vector<16xi32>], vector<16xf32>,
        %parallel_loop3A_563 = arith.constant 5 : i32
        %parallel_loop3A_564 = vector.broadcast %parallel_loop3A_563 : i32 to vector<16xi32>
        %parallel_loop3A_565 = arith.addi %iota3A_304, %parallel_loop3A_564 : vector<16xi32>
        %parallel_loop3A_566 = arith.constant 15 : i32
        %parallel_loop3A_567 = vector.broadcast %parallel_loop3A_566 : i32 to vector<16xi32>
        %parallel_loop3A_568 = arith.andi %parallel_loop3A_565, %parallel_loop3A_567 : vector<16xi32>
        %parallel_loop3A_569 = vector.broadcast %parallel_loop3A_511 : i32 to vector<16xi32>
        %parallel_loop3A_570 = arith.addi %parallel_loop3A_568, %parallel_loop3A_569 : vector<16xi32>
        %parallel_loop3A_571 = tpu.vector_load_idx %arg7[%parallel_loop3A_517, %parallel_loop3A_570] : memref<128x128xf32, #tpu.memory_space<vmem>>[vector<16xi32>, vector<16xi32>], vector<16xf32>,
        tpu.vector_store_idx %arg11[%parallel_loop3A_570, %parallel_loop3A_517], %parallel_loop3A_571 : memref<64x128xf32, #tpu.memory_space<vmem>>[vector<16xi32>, vector<16xi32>], vector<16xf32>,
        %parallel_loop3A_572 = arith.constant 6 : i32
        %parallel_loop3A_573 = vector.broadcast %parallel_loop3A_572 : i32 to vector<16xi32>
        %parallel_loop3A_574 = arith.addi %iota3A_304, %parallel_loop3A_573 : vector<16xi32>
        %parallel_loop3A_575 = arith.constant 15 : i32
        %parallel_loop3A_576 = vector.broadcast %parallel_loop3A_575 : i32 to vector<16xi32>
        %parallel_loop3A_577 = arith.andi %parallel_loop3A_574, %parallel_loop3A_576 : vector<16xi32>
        %parallel_loop3A_578 = vector.broadcast %parallel_loop3A_511 : i32 to vector<16xi32>
        %parallel_loop3A_579 = arith.addi %parallel_loop3A_577, %parallel_loop3A_578 : vector<16xi32>
        %parallel_loop3A_580 = tpu.vector_load_idx %arg7[%parallel_loop3A_517, %parallel_loop3A_579] : memref<128x128xf32, #tpu.memory_space<vmem>>[vector<16xi32>, vector<16xi32>], vector<16xf32>,
        tpu.vector_store_idx %arg11[%parallel_loop3A_579, %parallel_loop3A_517], %parallel_loop3A_580 : memref<64x128xf32, #tpu.memory_space<vmem>>[vector<16xi32>, vector<16xi32>], vector<16xf32>,
        %parallel_loop3A_581 = arith.constant 7 : i32
        %parallel_loop3A_582 = vector.broadcast %parallel_loop3A_581 : i32 to vector<16xi32>
        %parallel_loop3A_583 = arith.addi %iota3A_304, %parallel_loop3A_582 : vector<16xi32>
        %parallel_loop3A_584 = arith.constant 15 : i32
        %parallel_loop3A_585 = vector.broadcast %parallel_loop3A_584 : i32 to vector<16xi32>
        %parallel_loop3A_586 = arith.andi %parallel_loop3A_583, %parallel_loop3A_585 : vector<16xi32>
        %parallel_loop3A_587 = vector.broadcast %parallel_loop3A_511 : i32 to vector<16xi32>
        %parallel_loop3A_588 = arith.addi %parallel_loop3A_586, %parallel_loop3A_587 : vector<16xi32>
        %parallel_loop3A_589 = tpu.vector_load_idx %arg7[%parallel_loop3A_517, %parallel_loop3A_588] : memref<128x128xf32, #tpu.memory_space<vmem>>[vector<16xi32>, vector<16xi32>], vector<16xf32>,
        tpu.vector_store_idx %arg11[%parallel_loop3A_588, %parallel_loop3A_517], %parallel_loop3A_589 : memref<64x128xf32, #tpu.memory_space<vmem>>[vector<16xi32>, vector<16xi32>], vector<16xf32>,
        %parallel_loop3A_590 = arith.constant 8 : i32
        %parallel_loop3A_591 = vector.broadcast %parallel_loop3A_590 : i32 to vector<16xi32>
        %parallel_loop3A_592 = arith.addi %iota3A_304, %parallel_loop3A_591 : vector<16xi32>
        %parallel_loop3A_593 = arith.constant 15 : i32
        %parallel_loop3A_594 = vector.broadcast %parallel_loop3A_593 : i32 to vector<16xi32>
        %parallel_loop3A_595 = arith.andi %parallel_loop3A_592, %parallel_loop3A_594 : vector<16xi32>
        %parallel_loop3A_596 = vector.broadcast %parallel_loop3A_511 : i32 to vector<16xi32>
        %parallel_loop3A_597 = arith.addi %parallel_loop3A_595, %parallel_loop3A_596 : vector<16xi32>
        %parallel_loop3A_598 = tpu.vector_load_idx %arg7[%parallel_loop3A_517, %parallel_loop3A_597] : memref<128x128xf32, #tpu.memory_space<vmem>>[vector<16xi32>, vector<16xi32>], vector<16xf32>,
        tpu.vector_store_idx %arg11[%parallel_loop3A_597, %parallel_loop3A_517], %parallel_loop3A_598 : memref<64x128xf32, #tpu.memory_space<vmem>>[vector<16xi32>, vector<16xi32>], vector<16xf32>,
        %parallel_loop3A_599 = arith.constant 9 : i32
        %parallel_loop3A_600 = vector.broadcast %parallel_loop3A_599 : i32 to vector<16xi32>
        %parallel_loop3A_601 = arith.addi %iota3A_304, %parallel_loop3A_600 : vector<16xi32>
        %parallel_loop3A_602 = arith.constant 15 : i32
        %parallel_loop3A_603 = vector.broadcast %parallel_loop3A_602 : i32 to vector<16xi32>
        %parallel_loop3A_604 = arith.andi %parallel_loop3A_601, %parallel_loop3A_603 : vector<16xi32>
        %parallel_loop3A_605 = vector.broadcast %parallel_loop3A_511 : i32 to vector<16xi32>
        %parallel_loop3A_606 = arith.addi %parallel_loop3A_604, %parallel_loop3A_605 : vector<16xi32>
        %parallel_loop3A_607 = tpu.vector_load_idx %arg7[%parallel_loop3A_517, %parallel_loop3A_606] : memref<128x128xf32, #tpu.memory_space<vmem>>[vector<16xi32>, vector<16xi32>], vector<16xf32>,
        tpu.vector_store_idx %arg11[%parallel_loop3A_606, %parallel_loop3A_517], %parallel_loop3A_607 : memref<64x128xf32, #tpu.memory_space<vmem>>[vector<16xi32>, vector<16xi32>], vector<16xf32>,
        %parallel_loop3A_608 = arith.constant 10 : i32
        %parallel_loop3A_609 = vector.broadcast %parallel_loop3A_608 : i32 to vector<16xi32>
        %parallel_loop3A_610 = arith.addi %iota3A_304, %parallel_loop3A_609 : vector<16xi32>
        %parallel_loop3A_611 = arith.constant 15 : i32
        %parallel_loop3A_612 = vector.broadcast %parallel_loop3A_611 : i32 to vector<16xi32>
        %parallel_loop3A_613 = arith.andi %parallel_loop3A_610, %parallel_loop3A_612 : vector<16xi32>
        %parallel_loop3A_614 = vector.broadcast %parallel_loop3A_511 : i32 to vector<16xi32>
        %parallel_loop3A_615 = arith.addi %parallel_loop3A_613, %parallel_loop3A_614 : vector<16xi32>
        %parallel_loop3A_616 = tpu.vector_load_idx %arg7[%parallel_loop3A_517, %parallel_loop3A_615] : memref<128x128xf32, #tpu.memory_space<vmem>>[vector<16xi32>, vector<16xi32>], vector<16xf32>,
        tpu.vector_store_idx %arg11[%parallel_loop3A_615, %parallel_loop3A_517], %parallel_loop3A_616 : memref<64x128xf32, #tpu.memory_space<vmem>>[vector<16xi32>, vector<16xi32>], vector<16xf32>,
        %parallel_loop3A_617 = arith.constant 11 : i32
        %parallel_loop3A_618 = vector.broadcast %parallel_loop3A_617 : i32 to vector<16xi32>
        %parallel_loop3A_619 = arith.addi %iota3A_304, %parallel_loop3A_618 : vector<16xi32>
        %parallel_loop3A_620 = arith.constant 15 : i32
        %parallel_loop3A_621 = vector.broadcast %parallel_loop3A_620 : i32 to vector<16xi32>
        %parallel_loop3A_622 = arith.andi %parallel_loop3A_619, %parallel_loop3A_621 : vector<16xi32>
        %parallel_loop3A_623 = vector.broadcast %parallel_loop3A_511 : i32 to vector<16xi32>
        %parallel_loop3A_624 = arith.addi %parallel_loop3A_622, %parallel_loop3A_623 : vector<16xi32>
        %parallel_loop3A_625 = tpu.vector_load_idx %arg7[%parallel_loop3A_517, %parallel_loop3A_624] : memref<128x128xf32, #tpu.memory_space<vmem>>[vector<16xi32>, vector<16xi32>], vector<16xf32>,
        tpu.vector_store_idx %arg11[%parallel_loop3A_624, %parallel_loop3A_517], %parallel_loop3A_625 : memref<64x128xf32, #tpu.memory_space<vmem>>[vector<16xi32>, vector<16xi32>], vector<16xf32>,
        %parallel_loop3A_626 = arith.constant 12 : i32
        %parallel_loop3A_627 = vector.broadcast %parallel_loop3A_626 : i32 to vector<16xi32>
        %parallel_loop3A_628 = arith.addi %iota3A_304, %parallel_loop3A_627 : vector<16xi32>
        %parallel_loop3A_629 = arith.constant 15 : i32
        %parallel_loop3A_630 = vector.broadcast %parallel_loop3A_629 : i32 to vector<16xi32>
        %parallel_loop3A_631 = arith.andi %parallel_loop3A_628, %parallel_loop3A_630 : vector<16xi32>
        %parallel_loop3A_632 = vector.broadcast %parallel_loop3A_511 : i32 to vector<16xi32>
        %parallel_loop3A_633 = arith.addi %parallel_loop3A_631, %parallel_loop3A_632 : vector<16xi32>
        %parallel_loop3A_634 = tpu.vector_load_idx %arg7[%parallel_loop3A_517, %parallel_loop3A_633] : memref<128x128xf32, #tpu.memory_space<vmem>>[vector<16xi32>, vector<16xi32>], vector<16xf32>,
        tpu.vector_store_idx %arg11[%parallel_loop3A_633, %parallel_loop3A_517], %parallel_loop3A_634 : memref<64x128xf32, #tpu.memory_space<vmem>>[vector<16xi32>, vector<16xi32>], vector<16xf32>,
        %parallel_loop3A_635 = arith.constant 13 : i32
        %parallel_loop3A_636 = vector.broadcast %parallel_loop3A_635 : i32 to vector<16xi32>
        %parallel_loop3A_637 = arith.addi %iota3A_304, %parallel_loop3A_636 : vector<16xi32>
        %parallel_loop3A_638 = arith.constant 15 : i32
        %parallel_loop3A_639 = vector.broadcast %parallel_loop3A_638 : i32 to vector<16xi32>
        %parallel_loop3A_640 = arith.andi %parallel_loop3A_637, %parallel_loop3A_639 : vector<16xi32>
        %parallel_loop3A_641 = vector.broadcast %parallel_loop3A_511 : i32 to vector<16xi32>
        %parallel_loop3A_642 = arith.addi %parallel_loop3A_640, %parallel_loop3A_641 : vector<16xi32>
        %parallel_loop3A_643 = tpu.vector_load_idx %arg7[%parallel_loop3A_517, %parallel_loop3A_642] : memref<128x128xf32, #tpu.memory_space<vmem>>[vector<16xi32>, vector<16xi32>], vector<16xf32>,
        tpu.vector_store_idx %arg11[%parallel_loop3A_642, %parallel_loop3A_517], %parallel_loop3A_643 : memref<64x128xf32, #tpu.memory_space<vmem>>[vector<16xi32>, vector<16xi32>], vector<16xf32>,
        %parallel_loop3A_644 = arith.constant 14 : i32
        %parallel_loop3A_645 = vector.broadcast %parallel_loop3A_644 : i32 to vector<16xi32>
        %parallel_loop3A_646 = arith.addi %iota3A_304, %parallel_loop3A_645 : vector<16xi32>
        %parallel_loop3A_647 = arith.constant 15 : i32
        %parallel_loop3A_648 = vector.broadcast %parallel_loop3A_647 : i32 to vector<16xi32>
        %parallel_loop3A_649 = arith.andi %parallel_loop3A_646, %parallel_loop3A_648 : vector<16xi32>
        %parallel_loop3A_650 = vector.broadcast %parallel_loop3A_511 : i32 to vector<16xi32>
        %parallel_loop3A_651 = arith.addi %parallel_loop3A_649, %parallel_loop3A_650 : vector<16xi32>
        %parallel_loop3A_652 = tpu.vector_load_idx %arg7[%parallel_loop3A_517, %parallel_loop3A_651] : memref<128x128xf32, #tpu.memory_space<vmem>>[vector<16xi32>, vector<16xi32>], vector<16xf32>,
        tpu.vector_store_idx %arg11[%parallel_loop3A_651, %parallel_loop3A_517], %parallel_loop3A_652 : memref<64x128xf32, #tpu.memory_space<vmem>>[vector<16xi32>, vector<16xi32>], vector<16xf32>,
        %parallel_loop3A_653 = arith.constant 15 : i32
        %parallel_loop3A_654 = vector.broadcast %parallel_loop3A_653 : i32 to vector<16xi32>
        %parallel_loop3A_655 = arith.addi %iota3A_304, %parallel_loop3A_654 : vector<16xi32>
        %parallel_loop3A_656 = arith.constant 15 : i32
        %parallel_loop3A_657 = vector.broadcast %parallel_loop3A_656 : i32 to vector<16xi32>
        %parallel_loop3A_658 = arith.andi %parallel_loop3A_655, %parallel_loop3A_657 : vector<16xi32>
        %parallel_loop3A_659 = vector.broadcast %parallel_loop3A_511 : i32 to vector<16xi32>
        %parallel_loop3A_660 = arith.addi %parallel_loop3A_658, %parallel_loop3A_659 : vector<16xi32>
        %parallel_loop3A_661 = tpu.vector_load_idx %arg7[%parallel_loop3A_517, %parallel_loop3A_660] : memref<128x128xf32, #tpu.memory_space<vmem>>[vector<16xi32>, vector<16xi32>], vector<16xf32>,
        tpu.vector_store_idx %arg11[%parallel_loop3A_660, %parallel_loop3A_517], %parallel_loop3A_661 : memref<64x128xf32, #tpu.memory_space<vmem>>[vector<16xi32>, vector<16xi32>], vector<16xf32>,
      } {sc.loop_unroll_factor = 1 : i64, sc.parallel_access}
      %mul3A_308 = arith.constant 128 : i32
      %mul3A_309 = arith.muli %add3A_283, %mul3A_308 : i32
      %add3A_310 = arith.addi %mul3A_2, %mul3A_309 : i32
      %jit3A_311 = arith.constant 16384 : i32
      %div3A_312 = arith.divsi %add3A_310, %jit3A_311 : i32
      %sign3A_313 = arith.constant 0 : i32
      %sign3A_314 = arith.cmpi sgt, %add3A_310, %sign3A_313 : i32
      %sign3A_315 = arith.extui %sign3A_314 : i1 to i32
      %sign3A_316 = arith.constant 0 : i32
      %sign3A_317 = arith.cmpi slt, %add3A_310, %sign3A_316 : i32
      %sign3A_318 = arith.extui %sign3A_317 : i1 to i32
      %sign3A_319 = arith.subi %sign3A_315, %sign3A_318 : i32
      %sign3A_320 = arith.constant 0 : i32
      %sign3A_321 = arith.cmpi sgt, %jit3A_311, %sign3A_320 : i32
      %sign3A_322 = arith.extui %sign3A_321 : i1 to i32
      %sign3A_323 = arith.constant 0 : i32
      %sign3A_324 = arith.cmpi slt, %jit3A_311, %sign3A_323 : i32
      %sign3A_325 = arith.extui %sign3A_324 : i1 to i32
      %sign3A_326 = arith.subi %sign3A_322, %sign3A_325 : i32
      %ne3A_327 = arith.cmpi ne, %sign3A_319, %sign3A_326 : i32
      %rem3A_328 = arith.remsi %add3A_310, %jit3A_311 : i32
      %ne3A_329 = arith.constant 0 : i32
      %ne3A_330 = arith.cmpi ne, %rem3A_328, %ne3A_329 : i32
      %and3A_331 = arith.andi %ne3A_327, %ne3A_330 : i1
      %sub3A_332 = arith.constant 1 : i32
      %sub3A_333 = arith.subi %div3A_312, %sub3A_332 : i32
      %select_n3A_334 = arith.select %and3A_331, %sub3A_333, %div3A_312 : i32
      %jit3A_335 = arith.constant 16384 : i32
      %eq3A_336 = arith.constant 0 : i32
      %eq3A_337 = arith.cmpi eq, %jit3A_335, %eq3A_336 : i32
      %jit3A_338 = arith.constant 1 : i32
      %select_n3A_339 = arith.select %eq3A_337, %jit3A_338, %jit3A_335 : i32
      %rem3A_340 = arith.remsi %add3A_310, %select_n3A_339 : i32
      %ne3A_341 = arith.constant 0 : i32
      %ne3A_342 = arith.cmpi ne, %rem3A_340, %ne3A_341 : i32
      %lt3A_343 = arith.constant 0 : i32
      %lt3A_344 = arith.cmpi slt, %rem3A_340, %lt3A_343 : i32
      %lt3A_345 = arith.constant 0 : i32
      %lt3A_346 = arith.cmpi slt, %select_n3A_339, %lt3A_345 : i32
      %ne3A_347 = arith.xori %lt3A_344, %lt3A_346 : i1
      %and3A_348 = arith.andi %ne3A_347, %ne3A_342 : i1
      %add3A_349 = arith.addi %rem3A_340, %select_n3A_339 : i32
      %select_n3A_350 = arith.select %and3A_348, %add3A_349, %rem3A_340 : i32
      %dma_start3A_351 = arith.constant 0 : i32
      %dma_start3A_352 = tpu.memref_slice %arg4[%select_n3A_334, %dma_start3A_351, %select_n3A_350] : memref<50x64x16384xf32, #tpu.memory_space<hbm>> -> memref<1x64x128xf32, #tpu.memory_space<hbm>>
      %dma_start3A_353 = tpu.memref_squeeze %dma_start3A_352 : memref<1x64x128xf32, #tpu.memory_space<hbm>> -> memref<64x128xf32, #tpu.memory_space<hbm>>
      %dma_start3A_354 = arith.constant 0 : i32
      %dma_start3A_355 = tpu.memref_slice %arg4[%select_n3A_334, %dma_start3A_354, %select_n3A_350] : memref<50x64x16384xf32, #tpu.memory_space<hbm>> -> memref<1x64x128xf32, #tpu.memory_space<hbm>>
      %dma_start3A_356 = tpu.memref_squeeze %dma_start3A_355 : memref<1x64x128xf32, #tpu.memory_space<hbm>> -> memref<64x128xf32, #tpu.memory_space<hbm>>
      tpu.enqueue_dma source(%arg11 : memref<64x128xf32, #tpu.memory_space<vmem>>) target(%dma_start3A_356 : memref<64x128xf32, #tpu.memory_space<hbm>>) target_semaphore(%arg19 : memref<!tpu.dma_semaphore, #tpu.memory_space<semaphore_mem>>)
      %add3A_357 = arith.constant 2 : i32
      %add3A_358 = arith.addi %mul3A_211, %add3A_357 : i32
      %ge3A_359 = arith.constant 4 : i32
      %ge3A_360 = arith.cmpi sge, %add3A_358, %ge3A_359 : i32
      %convert_element_type3A_361 = arith.extui %ge3A_360 : i1 to i32
      %cond3A_362 = arith.constant 0 : i32
      %cond3A_363 = arith.cmpi ne, %convert_element_type3A_361, %cond3A_362 : i32
      scf.if %cond3A_363 {
        %sub3A_507 = arith.constant 4 : i32
        %sub3A_508 = arith.subi %add3A_358, %sub3A_507 : i32
        %mul3A_509 = arith.constant 128 : i32
        %mul3A_510 = arith.muli %sub3A_508, %mul3A_509 : i32
        %add3A_511 = arith.addi %mul3A_2, %mul3A_510 : i32
        %jit3A_512 = arith.constant 16384 : i32
        %div3A_513 = arith.divsi %add3A_511, %jit3A_512 : i32
        %sign3A_514 = arith.constant 0 : i32
        %sign3A_515 = arith.cmpi sgt, %add3A_511, %sign3A_514 : i32
        %sign3A_516 = arith.extui %sign3A_515 : i1 to i32
        %sign3A_517 = arith.constant 0 : i32
        %sign3A_518 = arith.cmpi slt, %add3A_511, %sign3A_517 : i32
        %sign3A_519 = arith.extui %sign3A_518 : i1 to i32
        %sign3A_520 = arith.subi %sign3A_516, %sign3A_519 : i32
        %sign3A_521 = arith.constant 0 : i32
        %sign3A_522 = arith.cmpi sgt, %jit3A_512, %sign3A_521 : i32
        %sign3A_523 = arith.extui %sign3A_522 : i1 to i32
        %sign3A_524 = arith.constant 0 : i32
        %sign3A_525 = arith.cmpi slt, %jit3A_512, %sign3A_524 : i32
        %sign3A_526 = arith.extui %sign3A_525 : i1 to i32
        %sign3A_527 = arith.subi %sign3A_523, %sign3A_526 : i32
        %ne3A_528 = arith.cmpi ne, %sign3A_520, %sign3A_527 : i32
        %rem3A_529 = arith.remsi %add3A_511, %jit3A_512 : i32
        %ne3A_530 = arith.constant 0 : i32
        %ne3A_531 = arith.cmpi ne, %rem3A_529, %ne3A_530 : i32
        %and3A_532 = arith.andi %ne3A_528, %ne3A_531 : i1
        %sub3A_533 = arith.constant 1 : i32
        %sub3A_534 = arith.subi %div3A_513, %sub3A_533 : i32
        %select_n3A_535 = arith.select %and3A_532, %sub3A_534, %div3A_513 : i32
        %jit3A_536 = arith.constant 16384 : i32
        %eq3A_537 = arith.constant 0 : i32
        %eq3A_538 = arith.cmpi eq, %jit3A_536, %eq3A_537 : i32
        %jit3A_539 = arith.constant 1 : i32
        %select_n3A_540 = arith.select %eq3A_538, %jit3A_539, %jit3A_536 : i32
        %rem3A_541 = arith.remsi %add3A_511, %select_n3A_540 : i32
        %ne3A_542 = arith.constant 0 : i32
        %ne3A_543 = arith.cmpi ne, %rem3A_541, %ne3A_542 : i32
        %lt3A_544 = arith.constant 0 : i32
        %lt3A_545 = arith.cmpi slt, %rem3A_541, %lt3A_544 : i32
        %lt3A_546 = arith.constant 0 : i32
        %lt3A_547 = arith.cmpi slt, %select_n3A_540, %lt3A_546 : i32
        %ne3A_548 = arith.xori %lt3A_545, %lt3A_547 : i1
        %and3A_549 = arith.andi %ne3A_548, %ne3A_543 : i1
        %add3A_550 = arith.addi %rem3A_541, %select_n3A_540 : i32
        %select_n3A_551 = arith.select %and3A_549, %add3A_550, %rem3A_541 : i32
        %dma_wait3A_552 = arith.constant 0 : i32
        %dma_wait3A_553 = tpu.memref_slice %arg4[%select_n3A_535, %dma_wait3A_552, %select_n3A_551] : memref<50x64x16384xf32, #tpu.memory_space<hbm>> -> memref<1x64x128xf32, #tpu.memory_space<hbm>>
        %dma_wait3A_554 = tpu.memref_squeeze %dma_wait3A_553 : memref<1x64x128xf32, #tpu.memory_space<hbm>> -> memref<64x128xf32, #tpu.memory_space<hbm>>
        %dma_wait3A_555 = arith.constant 0 : i32
        %dma_wait3A_556 = tpu.memref_slice %arg4[%select_n3A_535, %dma_wait3A_555, %select_n3A_551] : memref<50x64x16384xf32, #tpu.memory_space<hbm>> -> memref<1x64x128xf32, #tpu.memory_space<hbm>>
        %dma_wait3A_557 = tpu.memref_squeeze %dma_wait3A_556 : memref<1x64x128xf32, #tpu.memory_space<hbm>> -> memref<64x128xf32, #tpu.memory_space<hbm>>
        tpu.wait_dma2 semaphore(%arg20 : memref<!tpu.dma_semaphore, #tpu.memory_space<semaphore_mem>>) src(%arg12 : memref<64x128xf32, #tpu.memory_space<vmem>>) dst(%dma_wait3A_557 : memref<64x128xf32, #tpu.memory_space<hbm>>)
      } else {
      }
      %dma_wait3A_364 = arith.constant 0 : i32
      %dma_wait3A_365 = tpu.memref_slice %arg5[%add3A_358, %dma_wait3A_364] : memref<200x128xi32, #tpu.memory_space<vmem>> -> memref<1x128xi32, #tpu.memory_space<vmem>>
      %dma_wait3A_366 = tpu.memref_squeeze %dma_wait3A_365 : memref<1x128xi32, #tpu.memory_space<vmem>> -> memref<128xi32, #tpu.memory_space<vmem>>
      %dma_wait3A_367 = arith.constant 0 : i32
      %dma_wait3A_368 = arith.constant 0 : i32
      %dma_wait3A_369 = tpu.memref_slice %arg2[%dma_wait3A_367, %dma_wait3A_368] : memref<1000000x128xf32, #tpu.memory_space<hbm>> -> memref<1000000x128xf32, #tpu.memory_space<hbm>>
      tpu.wait_indirect_dma semaphore(%arg16 : memref<!tpu.dma_semaphore, #tpu.memory_space<semaphore_mem>>) src(%dma_wait3A_369 : memref<1000000x128xf32, #tpu.memory_space<hbm>>) dst(%arg8 : memref<128x128xf32, #tpu.memory_space<vmem>>)
      %add3A_370 = arith.constant 4 : i32
      %add3A_371 = arith.addi %add3A_358, %add3A_370 : i32
      %sub3A_372 = arith.constant 1 : i32
      %sub3A_373 = arith.subi %add3A_371, %sub3A_372 : i32
      %lt3A_374 = arith.constant 200 : i32
      %lt3A_375 = arith.cmpi slt, %sub3A_373, %lt3A_374 : i32
      %convert_element_type3A_376 = arith.extui %lt3A_375 : i1 to i32
      %cond3A_377 = arith.constant 0 : i32
      %cond3A_378 = arith.cmpi ne, %convert_element_type3A_376, %cond3A_377 : i32
      scf.if %cond3A_378 {
        %add3A_507 = arith.constant 4 : i32
        %add3A_508 = arith.addi %add3A_358, %add3A_507 : i32
        %sub3A_509 = arith.constant 1 : i32
        %sub3A_510 = arith.subi %add3A_508, %sub3A_509 : i32
        %dma_start3A_511 = arith.constant 0 : i32
        %dma_start3A_512 = tpu.memref_slice %arg5[%sub3A_510, %dma_start3A_511] : memref<200x128xi32, #tpu.memory_space<vmem>> -> memref<1x128xi32, #tpu.memory_space<vmem>>
        %dma_start3A_513 = tpu.memref_squeeze %dma_start3A_512 : memref<1x128xi32, #tpu.memory_space<vmem>> -> memref<128xi32, #tpu.memory_space<vmem>>
        %dma_start3A_514 = arith.constant 0 : i32
        %dma_start3A_515 = arith.constant 0 : i32
        %dma_start3A_516 = tpu.memref_slice %arg2[%dma_start3A_514, %dma_start3A_515] : memref<1000000x128xf32, #tpu.memory_space<hbm>> -> memref<1000000x128xf32, #tpu.memory_space<hbm>>
        tpu.enqueue_indirect_dma source(%dma_start3A_516 : memref<1000000x128xf32, #tpu.memory_space<hbm>>) target(%arg7 : memref<128x128xf32, #tpu.memory_space<vmem>>) offsets(%dma_start3A_513 : memref<128xi32, #tpu.memory_space<vmem>>) semaphore(%arg15 : memref<!tpu.dma_semaphore, #tpu.memory_space<semaphore_mem>>)
      } else {
      }
      %iota3A_379 = tpu.iota {dimensions = array<i32: 0>} : vector<16xi32>
      %parallel_loop3A_380 = arith.constant 0 : i32
      %parallel_loop3A_381 = arith.constant 32 : i32
      %parallel_loop3A_382 = arith.constant 1 : i32
      scf.for %parallel_loop3A_507 = %parallel_loop3A_380 to %parallel_loop3A_381 step %parallel_loop3A_382  : i32 {
        %parallel_loop3A_508 = arith.constant 3 : i32
        %parallel_loop3A_509 = arith.andi %parallel_loop3A_507, %parallel_loop3A_508 : i32
        %parallel_loop3A_510 = arith.constant 16 : i32
        %parallel_loop3A_511 = arith.muli %parallel_loop3A_509, %parallel_loop3A_510 : i32
        %parallel_loop3A_512 = arith.constant 2 : i32
        %parallel_loop3A_513 = arith.shrsi %parallel_loop3A_507, %parallel_loop3A_512 : i32
        %parallel_loop3A_514 = arith.constant 16 : i32
        %parallel_loop3A_515 = arith.muli %parallel_loop3A_513, %parallel_loop3A_514 : i32
        %parallel_loop3A_516 = vector.broadcast %parallel_loop3A_515 : i32 to vector<16xi32>
        %parallel_loop3A_517 = arith.addi %iota3A_379, %parallel_loop3A_516 : vector<16xi32>
        %parallel_loop3A_518 = arith.constant 0 : i32
        %parallel_loop3A_519 = vector.broadcast %parallel_loop3A_518 : i32 to vector<16xi32>
        %parallel_loop3A_520 = arith.addi %iota3A_379, %parallel_loop3A_519 : vector<16xi32>
        %parallel_loop3A_521 = arith.constant 15 : i32
        %parallel_loop3A_522 = vector.broadcast %parallel_loop3A_521 : i32 to vector<16xi32>
        %parallel_loop3A_523 = arith.andi %parallel_loop3A_520, %parallel_loop3A_522 : vector<16xi32>
        %parallel_loop3A_524 = vector.broadcast %parallel_loop3A_511 : i32 to vector<16xi32>
        %parallel_loop3A_525 = arith.addi %parallel_loop3A_523, %parallel_loop3A_524 : vector<16xi32>
        %parallel_loop3A_526 = tpu.vector_load_idx %arg8[%parallel_loop3A_517, %parallel_loop3A_525] : memref<128x128xf32, #tpu.memory_space<vmem>>[vector<16xi32>, vector<16xi32>], vector<16xf32>,
        tpu.vector_store_idx %arg12[%parallel_loop3A_525, %parallel_loop3A_517], %parallel_loop3A_526 : memref<64x128xf32, #tpu.memory_space<vmem>>[vector<16xi32>, vector<16xi32>], vector<16xf32>,
        %parallel_loop3A_527 = arith.constant 1 : i32
        %parallel_loop3A_528 = vector.broadcast %parallel_loop3A_527 : i32 to vector<16xi32>
        %parallel_loop3A_529 = arith.addi %iota3A_379, %parallel_loop3A_528 : vector<16xi32>
        %parallel_loop3A_530 = arith.constant 15 : i32
        %parallel_loop3A_531 = vector.broadcast %parallel_loop3A_530 : i32 to vector<16xi32>
        %parallel_loop3A_532 = arith.andi %parallel_loop3A_529, %parallel_loop3A_531 : vector<16xi32>
        %parallel_loop3A_533 = vector.broadcast %parallel_loop3A_511 : i32 to vector<16xi32>
        %parallel_loop3A_534 = arith.addi %parallel_loop3A_532, %parallel_loop3A_533 : vector<16xi32>
        %parallel_loop3A_535 = tpu.vector_load_idx %arg8[%parallel_loop3A_517, %parallel_loop3A_534] : memref<128x128xf32, #tpu.memory_space<vmem>>[vector<16xi32>, vector<16xi32>], vector<16xf32>,
        tpu.vector_store_idx %arg12[%parallel_loop3A_534, %parallel_loop3A_517], %parallel_loop3A_535 : memref<64x128xf32, #tpu.memory_space<vmem>>[vector<16xi32>, vector<16xi32>], vector<16xf32>,
        %parallel_loop3A_536 = arith.constant 2 : i32
        %parallel_loop3A_537 = vector.broadcast %parallel_loop3A_536 : i32 to vector<16xi32>
        %parallel_loop3A_538 = arith.addi %iota3A_379, %parallel_loop3A_537 : vector<16xi32>
        %parallel_loop3A_539 = arith.constant 15 : i32
        %parallel_loop3A_540 = vector.broadcast %parallel_loop3A_539 : i32 to vector<16xi32>
        %parallel_loop3A_541 = arith.andi %parallel_loop3A_538, %parallel_loop3A_540 : vector<16xi32>
        %parallel_loop3A_542 = vector.broadcast %parallel_loop3A_511 : i32 to vector<16xi32>
        %parallel_loop3A_543 = arith.addi %parallel_loop3A_541, %parallel_loop3A_542 : vector<16xi32>
        %parallel_loop3A_544 = tpu.vector_load_idx %arg8[%parallel_loop3A_517, %parallel_loop3A_543] : memref<128x128xf32, #tpu.memory_space<vmem>>[vector<16xi32>, vector<16xi32>], vector<16xf32>,
        tpu.vector_store_idx %arg12[%parallel_loop3A_543, %parallel_loop3A_517], %parallel_loop3A_544 : memref<64x128xf32, #tpu.memory_space<vmem>>[vector<16xi32>, vector<16xi32>], vector<16xf32>,
        %parallel_loop3A_545 = arith.constant 3 : i32
        %parallel_loop3A_546 = vector.broadcast %parallel_loop3A_545 : i32 to vector<16xi32>
        %parallel_loop3A_547 = arith.addi %iota3A_379, %parallel_loop3A_546 : vector<16xi32>
        %parallel_loop3A_548 = arith.constant 15 : i32
        %parallel_loop3A_549 = vector.broadcast %parallel_loop3A_548 : i32 to vector<16xi32>
        %parallel_loop3A_550 = arith.andi %parallel_loop3A_547, %parallel_loop3A_549 : vector<16xi32>
        %parallel_loop3A_551 = vector.broadcast %parallel_loop3A_511 : i32 to vector<16xi32>
        %parallel_loop3A_552 = arith.addi %parallel_loop3A_550, %parallel_loop3A_551 : vector<16xi32>
        %parallel_loop3A_553 = tpu.vector_load_idx %arg8[%parallel_loop3A_517, %parallel_loop3A_552] : memref<128x128xf32, #tpu.memory_space<vmem>>[vector<16xi32>, vector<16xi32>], vector<16xf32>,
        tpu.vector_store_idx %arg12[%parallel_loop3A_552, %parallel_loop3A_517], %parallel_loop3A_553 : memref<64x128xf32, #tpu.memory_space<vmem>>[vector<16xi32>, vector<16xi32>], vector<16xf32>,
        %parallel_loop3A_554 = arith.constant 4 : i32
        %parallel_loop3A_555 = vector.broadcast %parallel_loop3A_554 : i32 to vector<16xi32>
        %parallel_loop3A_556 = arith.addi %iota3A_379, %parallel_loop3A_555 : vector<16xi32>
        %parallel_loop3A_557 = arith.constant 15 : i32
        %parallel_loop3A_558 = vector.broadcast %parallel_loop3A_557 : i32 to vector<16xi32>
        %parallel_loop3A_559 = arith.andi %parallel_loop3A_556, %parallel_loop3A_558 : vector<16xi32>
        %parallel_loop3A_560 = vector.broadcast %parallel_loop3A_511 : i32 to vector<16xi32>
        %parallel_loop3A_561 = arith.addi %parallel_loop3A_559, %parallel_loop3A_560 : vector<16xi32>
        %parallel_loop3A_562 = tpu.vector_load_idx %arg8[%parallel_loop3A_517, %parallel_loop3A_561] : memref<128x128xf32, #tpu.memory_space<vmem>>[vector<16xi32>, vector<16xi32>], vector<16xf32>,
        tpu.vector_store_idx %arg12[%parallel_loop3A_561, %parallel_loop3A_517], %parallel_loop3A_562 : memref<64x128xf32, #tpu.memory_space<vmem>>[vector<16xi32>, vector<16xi32>], vector<16xf32>,
        %parallel_loop3A_563 = arith.constant 5 : i32
        %parallel_loop3A_564 = vector.broadcast %parallel_loop3A_563 : i32 to vector<16xi32>
        %parallel_loop3A_565 = arith.addi %iota3A_379, %parallel_loop3A_564 : vector<16xi32>
        %parallel_loop3A_566 = arith.constant 15 : i32
        %parallel_loop3A_567 = vector.broadcast %parallel_loop3A_566 : i32 to vector<16xi32>
        %parallel_loop3A_568 = arith.andi %parallel_loop3A_565, %parallel_loop3A_567 : vector<16xi32>
        %parallel_loop3A_569 = vector.broadcast %parallel_loop3A_511 : i32 to vector<16xi32>
        %parallel_loop3A_570 = arith.addi %parallel_loop3A_568, %parallel_loop3A_569 : vector<16xi32>
        %parallel_loop3A_571 = tpu.vector_load_idx %arg8[%parallel_loop3A_517, %parallel_loop3A_570] : memref<128x128xf32, #tpu.memory_space<vmem>>[vector<16xi32>, vector<16xi32>], vector<16xf32>,
        tpu.vector_store_idx %arg12[%parallel_loop3A_570, %parallel_loop3A_517], %parallel_loop3A_571 : memref<64x128xf32, #tpu.memory_space<vmem>>[vector<16xi32>, vector<16xi32>], vector<16xf32>,
        %parallel_loop3A_572 = arith.constant 6 : i32
        %parallel_loop3A_573 = vector.broadcast %parallel_loop3A_572 : i32 to vector<16xi32>
        %parallel_loop3A_574 = arith.addi %iota3A_379, %parallel_loop3A_573 : vector<16xi32>
        %parallel_loop3A_575 = arith.constant 15 : i32
        %parallel_loop3A_576 = vector.broadcast %parallel_loop3A_575 : i32 to vector<16xi32>
        %parallel_loop3A_577 = arith.andi %parallel_loop3A_574, %parallel_loop3A_576 : vector<16xi32>
        %parallel_loop3A_578 = vector.broadcast %parallel_loop3A_511 : i32 to vector<16xi32>
        %parallel_loop3A_579 = arith.addi %parallel_loop3A_577, %parallel_loop3A_578 : vector<16xi32>
        %parallel_loop3A_580 = tpu.vector_load_idx %arg8[%parallel_loop3A_517, %parallel_loop3A_579] : memref<128x128xf32, #tpu.memory_space<vmem>>[vector<16xi32>, vector<16xi32>], vector<16xf32>,
        tpu.vector_store_idx %arg12[%parallel_loop3A_579, %parallel_loop3A_517], %parallel_loop3A_580 : memref<64x128xf32, #tpu.memory_space<vmem>>[vector<16xi32>, vector<16xi32>], vector<16xf32>,
        %parallel_loop3A_581 = arith.constant 7 : i32
        %parallel_loop3A_582 = vector.broadcast %parallel_loop3A_581 : i32 to vector<16xi32>
        %parallel_loop3A_583 = arith.addi %iota3A_379, %parallel_loop3A_582 : vector<16xi32>
        %parallel_loop3A_584 = arith.constant 15 : i32
        %parallel_loop3A_585 = vector.broadcast %parallel_loop3A_584 : i32 to vector<16xi32>
        %parallel_loop3A_586 = arith.andi %parallel_loop3A_583, %parallel_loop3A_585 : vector<16xi32>
        %parallel_loop3A_587 = vector.broadcast %parallel_loop3A_511 : i32 to vector<16xi32>
        %parallel_loop3A_588 = arith.addi %parallel_loop3A_586, %parallel_loop3A_587 : vector<16xi32>
        %parallel_loop3A_589 = tpu.vector_load_idx %arg8[%parallel_loop3A_517, %parallel_loop3A_588] : memref<128x128xf32, #tpu.memory_space<vmem>>[vector<16xi32>, vector<16xi32>], vector<16xf32>,
        tpu.vector_store_idx %arg12[%parallel_loop3A_588, %parallel_loop3A_517], %parallel_loop3A_589 : memref<64x128xf32, #tpu.memory_space<vmem>>[vector<16xi32>, vector<16xi32>], vector<16xf32>,
        %parallel_loop3A_590 = arith.constant 8 : i32
        %parallel_loop3A_591 = vector.broadcast %parallel_loop3A_590 : i32 to vector<16xi32>
        %parallel_loop3A_592 = arith.addi %iota3A_379, %parallel_loop3A_591 : vector<16xi32>
        %parallel_loop3A_593 = arith.constant 15 : i32
        %parallel_loop3A_594 = vector.broadcast %parallel_loop3A_593 : i32 to vector<16xi32>
        %parallel_loop3A_595 = arith.andi %parallel_loop3A_592, %parallel_loop3A_594 : vector<16xi32>
        %parallel_loop3A_596 = vector.broadcast %parallel_loop3A_511 : i32 to vector<16xi32>
        %parallel_loop3A_597 = arith.addi %parallel_loop3A_595, %parallel_loop3A_596 : vector<16xi32>
        %parallel_loop3A_598 = tpu.vector_load_idx %arg8[%parallel_loop3A_517, %parallel_loop3A_597] : memref<128x128xf32, #tpu.memory_space<vmem>>[vector<16xi32>, vector<16xi32>], vector<16xf32>,
        tpu.vector_store_idx %arg12[%parallel_loop3A_597, %parallel_loop3A_517], %parallel_loop3A_598 : memref<64x128xf32, #tpu.memory_space<vmem>>[vector<16xi32>, vector<16xi32>], vector<16xf32>,
        %parallel_loop3A_599 = arith.constant 9 : i32
        %parallel_loop3A_600 = vector.broadcast %parallel_loop3A_599 : i32 to vector<16xi32>
        %parallel_loop3A_601 = arith.addi %iota3A_379, %parallel_loop3A_600 : vector<16xi32>
        %parallel_loop3A_602 = arith.constant 15 : i32
        %parallel_loop3A_603 = vector.broadcast %parallel_loop3A_602 : i32 to vector<16xi32>
        %parallel_loop3A_604 = arith.andi %parallel_loop3A_601, %parallel_loop3A_603 : vector<16xi32>
        %parallel_loop3A_605 = vector.broadcast %parallel_loop3A_511 : i32 to vector<16xi32>
        %parallel_loop3A_606 = arith.addi %parallel_loop3A_604, %parallel_loop3A_605 : vector<16xi32>
        %parallel_loop3A_607 = tpu.vector_load_idx %arg8[%parallel_loop3A_517, %parallel_loop3A_606] : memref<128x128xf32, #tpu.memory_space<vmem>>[vector<16xi32>, vector<16xi32>], vector<16xf32>,
        tpu.vector_store_idx %arg12[%parallel_loop3A_606, %parallel_loop3A_517], %parallel_loop3A_607 : memref<64x128xf32, #tpu.memory_space<vmem>>[vector<16xi32>, vector<16xi32>], vector<16xf32>,
        %parallel_loop3A_608 = arith.constant 10 : i32
        %parallel_loop3A_609 = vector.broadcast %parallel_loop3A_608 : i32 to vector<16xi32>
        %parallel_loop3A_610 = arith.addi %iota3A_379, %parallel_loop3A_609 : vector<16xi32>
        %parallel_loop3A_611 = arith.constant 15 : i32
        %parallel_loop3A_612 = vector.broadcast %parallel_loop3A_611 : i32 to vector<16xi32>
        %parallel_loop3A_613 = arith.andi %parallel_loop3A_610, %parallel_loop3A_612 : vector<16xi32>
        %parallel_loop3A_614 = vector.broadcast %parallel_loop3A_511 : i32 to vector<16xi32>
        %parallel_loop3A_615 = arith.addi %parallel_loop3A_613, %parallel_loop3A_614 : vector<16xi32>
        %parallel_loop3A_616 = tpu.vector_load_idx %arg8[%parallel_loop3A_517, %parallel_loop3A_615] : memref<128x128xf32, #tpu.memory_space<vmem>>[vector<16xi32>, vector<16xi32>], vector<16xf32>,
        tpu.vector_store_idx %arg12[%parallel_loop3A_615, %parallel_loop3A_517], %parallel_loop3A_616 : memref<64x128xf32, #tpu.memory_space<vmem>>[vector<16xi32>, vector<16xi32>], vector<16xf32>,
        %parallel_loop3A_617 = arith.constant 11 : i32
        %parallel_loop3A_618 = vector.broadcast %parallel_loop3A_617 : i32 to vector<16xi32>
        %parallel_loop3A_619 = arith.addi %iota3A_379, %parallel_loop3A_618 : vector<16xi32>
        %parallel_loop3A_620 = arith.constant 15 : i32
        %parallel_loop3A_621 = vector.broadcast %parallel_loop3A_620 : i32 to vector<16xi32>
        %parallel_loop3A_622 = arith.andi %parallel_loop3A_619, %parallel_loop3A_621 : vector<16xi32>
        %parallel_loop3A_623 = vector.broadcast %parallel_loop3A_511 : i32 to vector<16xi32>
        %parallel_loop3A_624 = arith.addi %parallel_loop3A_622, %parallel_loop3A_623 : vector<16xi32>
        %parallel_loop3A_625 = tpu.vector_load_idx %arg8[%parallel_loop3A_517, %parallel_loop3A_624] : memref<128x128xf32, #tpu.memory_space<vmem>>[vector<16xi32>, vector<16xi32>], vector<16xf32>,
        tpu.vector_store_idx %arg12[%parallel_loop3A_624, %parallel_loop3A_517], %parallel_loop3A_625 : memref<64x128xf32, #tpu.memory_space<vmem>>[vector<16xi32>, vector<16xi32>], vector<16xf32>,
        %parallel_loop3A_626 = arith.constant 12 : i32
        %parallel_loop3A_627 = vector.broadcast %parallel_loop3A_626 : i32 to vector<16xi32>
        %parallel_loop3A_628 = arith.addi %iota3A_379, %parallel_loop3A_627 : vector<16xi32>
        %parallel_loop3A_629 = arith.constant 15 : i32
        %parallel_loop3A_630 = vector.broadcast %parallel_loop3A_629 : i32 to vector<16xi32>
        %parallel_loop3A_631 = arith.andi %parallel_loop3A_628, %parallel_loop3A_630 : vector<16xi32>
        %parallel_loop3A_632 = vector.broadcast %parallel_loop3A_511 : i32 to vector<16xi32>
        %parallel_loop3A_633 = arith.addi %parallel_loop3A_631, %parallel_loop3A_632 : vector<16xi32>
        %parallel_loop3A_634 = tpu.vector_load_idx %arg8[%parallel_loop3A_517, %parallel_loop3A_633] : memref<128x128xf32, #tpu.memory_space<vmem>>[vector<16xi32>, vector<16xi32>], vector<16xf32>,
        tpu.vector_store_idx %arg12[%parallel_loop3A_633, %parallel_loop3A_517], %parallel_loop3A_634 : memref<64x128xf32, #tpu.memory_space<vmem>>[vector<16xi32>, vector<16xi32>], vector<16xf32>,
        %parallel_loop3A_635 = arith.constant 13 : i32
        %parallel_loop3A_636 = vector.broadcast %parallel_loop3A_635 : i32 to vector<16xi32>
        %parallel_loop3A_637 = arith.addi %iota3A_379, %parallel_loop3A_636 : vector<16xi32>
        %parallel_loop3A_638 = arith.constant 15 : i32
        %parallel_loop3A_639 = vector.broadcast %parallel_loop3A_638 : i32 to vector<16xi32>
        %parallel_loop3A_640 = arith.andi %parallel_loop3A_637, %parallel_loop3A_639 : vector<16xi32>
        %parallel_loop3A_641 = vector.broadcast %parallel_loop3A_511 : i32 to vector<16xi32>
        %parallel_loop3A_642 = arith.addi %parallel_loop3A_640, %parallel_loop3A_641 : vector<16xi32>
        %parallel_loop3A_643 = tpu.vector_load_idx %arg8[%parallel_loop3A_517, %parallel_loop3A_642] : memref<128x128xf32, #tpu.memory_space<vmem>>[vector<16xi32>, vector<16xi32>], vector<16xf32>,
        tpu.vector_store_idx %arg12[%parallel_loop3A_642, %parallel_loop3A_517], %parallel_loop3A_643 : memref<64x128xf32, #tpu.memory_space<vmem>>[vector<16xi32>, vector<16xi32>], vector<16xf32>,
        %parallel_loop3A_644 = arith.constant 14 : i32
        %parallel_loop3A_645 = vector.broadcast %parallel_loop3A_644 : i32 to vector<16xi32>
        %parallel_loop3A_646 = arith.addi %iota3A_379, %parallel_loop3A_645 : vector<16xi32>
        %parallel_loop3A_647 = arith.constant 15 : i32
        %parallel_loop3A_648 = vector.broadcast %parallel_loop3A_647 : i32 to vector<16xi32>
        %parallel_loop3A_649 = arith.andi %parallel_loop3A_646, %parallel_loop3A_648 : vector<16xi32>
        %parallel_loop3A_650 = vector.broadcast %parallel_loop3A_511 : i32 to vector<16xi32>
        %parallel_loop3A_651 = arith.addi %parallel_loop3A_649, %parallel_loop3A_650 : vector<16xi32>
        %parallel_loop3A_652 = tpu.vector_load_idx %arg8[%parallel_loop3A_517, %parallel_loop3A_651] : memref<128x128xf32, #tpu.memory_space<vmem>>[vector<16xi32>, vector<16xi32>], vector<16xf32>,
        tpu.vector_store_idx %arg12[%parallel_loop3A_651, %parallel_loop3A_517], %parallel_loop3A_652 : memref<64x128xf32, #tpu.memory_space<vmem>>[vector<16xi32>, vector<16xi32>], vector<16xf32>,
        %parallel_loop3A_653 = arith.constant 15 : i32
        %parallel_loop3A_654 = vector.broadcast %parallel_loop3A_653 : i32 to vector<16xi32>
        %parallel_loop3A_655 = arith.addi %iota3A_379, %parallel_loop3A_654 : vector<16xi32>
        %parallel_loop3A_656 = arith.constant 15 : i32
        %parallel_loop3A_657 = vector.broadcast %parallel_loop3A_656 : i32 to vector<16xi32>
        %parallel_loop3A_658 = arith.andi %parallel_loop3A_655, %parallel_loop3A_657 : vector<16xi32>
        %parallel_loop3A_659 = vector.broadcast %parallel_loop3A_511 : i32 to vector<16xi32>
        %parallel_loop3A_660 = arith.addi %parallel_loop3A_658, %parallel_loop3A_659 : vector<16xi32>
        %parallel_loop3A_661 = tpu.vector_load_idx %arg8[%parallel_loop3A_517, %parallel_loop3A_660] : memref<128x128xf32, #tpu.memory_space<vmem>>[vector<16xi32>, vector<16xi32>], vector<16xf32>,
        tpu.vector_store_idx %arg12[%parallel_loop3A_660, %parallel_loop3A_517], %parallel_loop3A_661 : memref<64x128xf32, #tpu.memory_space<vmem>>[vector<16xi32>, vector<16xi32>], vector<16xf32>,
      } {sc.loop_unroll_factor = 1 : i64, sc.parallel_access}
      %mul3A_383 = arith.constant 128 : i32
      %mul3A_384 = arith.muli %add3A_358, %mul3A_383 : i32
      %add3A_385 = arith.addi %mul3A_2, %mul3A_384 : i32
      %jit3A_386 = arith.constant 16384 : i32
      %div3A_387 = arith.divsi %add3A_385, %jit3A_386 : i32
      %sign3A_388 = arith.constant 0 : i32
      %sign3A_389 = arith.cmpi sgt, %add3A_385, %sign3A_388 : i32
      %sign3A_390 = arith.extui %sign3A_389 : i1 to i32
      %sign3A_391 = arith.constant 0 : i32
      %sign3A_392 = arith.cmpi slt, %add3A_385, %sign3A_391 : i32
      %sign3A_393 = arith.extui %sign3A_392 : i1 to i32
      %sign3A_394 = arith.subi %sign3A_390, %sign3A_393 : i32
      %sign3A_395 = arith.constant 0 : i32
      %sign3A_396 = arith.cmpi sgt, %jit3A_386, %sign3A_395 : i32
      %sign3A_397 = arith.extui %sign3A_396 : i1 to i32
      %sign3A_398 = arith.constant 0 : i32
      %sign3A_399 = arith.cmpi slt, %jit3A_386, %sign3A_398 : i32
      %sign3A_400 = arith.extui %sign3A_399 : i1 to i32
      %sign3A_401 = arith.subi %sign3A_397, %sign3A_400 : i32
      %ne3A_402 = arith.cmpi ne, %sign3A_394, %sign3A_401 : i32
      %rem3A_403 = arith.remsi %add3A_385, %jit3A_386 : i32
      %ne3A_404 = arith.constant 0 : i32
      %ne3A_405 = arith.cmpi ne, %rem3A_403, %ne3A_404 : i32
      %and3A_406 = arith.andi %ne3A_402, %ne3A_405 : i1
      %sub3A_407 = arith.constant 1 : i32
      %sub3A_408 = arith.subi %div3A_387, %sub3A_407 : i32
      %select_n3A_409 = arith.select %and3A_406, %sub3A_408, %div3A_387 : i32
      %jit3A_410 = arith.constant 16384 : i32
      %eq3A_411 = arith.constant 0 : i32
      %eq3A_412 = arith.cmpi eq, %jit3A_410, %eq3A_411 : i32
      %jit3A_413 = arith.constant 1 : i32
      %select_n3A_414 = arith.select %eq3A_412, %jit3A_413, %jit3A_410 : i32
      %rem3A_415 = arith.remsi %add3A_385, %select_n3A_414 : i32
      %ne3A_416 = arith.constant 0 : i32
      %ne3A_417 = arith.cmpi ne, %rem3A_415, %ne3A_416 : i32
      %lt3A_418 = arith.constant 0 : i32
      %lt3A_419 = arith.cmpi slt, %rem3A_415, %lt3A_418 : i32
      %lt3A_420 = arith.constant 0 : i32
      %lt3A_421 = arith.cmpi slt, %select_n3A_414, %lt3A_420 : i32
      %ne3A_422 = arith.xori %lt3A_419, %lt3A_421 : i1
      %and3A_423 = arith.andi %ne3A_422, %ne3A_417 : i1
      %add3A_424 = arith.addi %rem3A_415, %select_n3A_414 : i32
      %select_n3A_425 = arith.select %and3A_423, %add3A_424, %rem3A_415 : i32
      %dma_start3A_426 = arith.constant 0 : i32
      %dma_start3A_427 = tpu.memref_slice %arg4[%select_n3A_409, %dma_start3A_426, %select_n3A_425] : memref<50x64x16384xf32, #tpu.memory_space<hbm>> -> memref<1x64x128xf32, #tpu.memory_space<hbm>>
      %dma_start3A_428 = tpu.memref_squeeze %dma_start3A_427 : memref<1x64x128xf32, #tpu.memory_space<hbm>> -> memref<64x128xf32, #tpu.memory_space<hbm>>
      %dma_start3A_429 = arith.constant 0 : i32
      %dma_start3A_430 = tpu.memref_slice %arg4[%select_n3A_409, %dma_start3A_429, %select_n3A_425] : memref<50x64x16384xf32, #tpu.memory_space<hbm>> -> memref<1x64x128xf32, #tpu.memory_space<hbm>>
      %dma_start3A_431 = tpu.memref_squeeze %dma_start3A_430 : memref<1x64x128xf32, #tpu.memory_space<hbm>> -> memref<64x128xf32, #tpu.memory_space<hbm>>
      tpu.enqueue_dma source(%arg12 : memref<64x128xf32, #tpu.memory_space<vmem>>) target(%dma_start3A_431 : memref<64x128xf32, #tpu.memory_space<hbm>>) target_semaphore(%arg20 : memref<!tpu.dma_semaphore, #tpu.memory_space<semaphore_mem>>)
      %add3A_432 = arith.constant 3 : i32
      %add3A_433 = arith.addi %mul3A_211, %add3A_432 : i32
      %ge3A_434 = arith.constant 4 : i32
      %ge3A_435 = arith.cmpi sge, %add3A_433, %ge3A_434 : i32
      %convert_element_type3A_436 = arith.extui %ge3A_435 : i1 to i32
      %cond3A_437 = arith.constant 0 : i32
      %cond3A_438 = arith.cmpi ne, %convert_element_type3A_436, %cond3A_437 : i32
      scf.if %cond3A_438 {
        %sub3A_507 = arith.constant 4 : i32
        %sub3A_508 = arith.subi %add3A_433, %sub3A_507 : i32
        %mul3A_509 = arith.constant 128 : i32
        %mul3A_510 = arith.muli %sub3A_508, %mul3A_509 : i32
        %add3A_511 = arith.addi %mul3A_2, %mul3A_510 : i32
        %jit3A_512 = arith.constant 16384 : i32
        %div3A_513 = arith.divsi %add3A_511, %jit3A_512 : i32
        %sign3A_514 = arith.constant 0 : i32
        %sign3A_515 = arith.cmpi sgt, %add3A_511, %sign3A_514 : i32
        %sign3A_516 = arith.extui %sign3A_515 : i1 to i32
        %sign3A_517 = arith.constant 0 : i32
        %sign3A_518 = arith.cmpi slt, %add3A_511, %sign3A_517 : i32
        %sign3A_519 = arith.extui %sign3A_518 : i1 to i32
        %sign3A_520 = arith.subi %sign3A_516, %sign3A_519 : i32
        %sign3A_521 = arith.constant 0 : i32
        %sign3A_522 = arith.cmpi sgt, %jit3A_512, %sign3A_521 : i32
        %sign3A_523 = arith.extui %sign3A_522 : i1 to i32
        %sign3A_524 = arith.constant 0 : i32
        %sign3A_525 = arith.cmpi slt, %jit3A_512, %sign3A_524 : i32
        %sign3A_526 = arith.extui %sign3A_525 : i1 to i32
        %sign3A_527 = arith.subi %sign3A_523, %sign3A_526 : i32
        %ne3A_528 = arith.cmpi ne, %sign3A_520, %sign3A_527 : i32
        %rem3A_529 = arith.remsi %add3A_511, %jit3A_512 : i32
        %ne3A_530 = arith.constant 0 : i32
        %ne3A_531 = arith.cmpi ne, %rem3A_529, %ne3A_530 : i32
        %and3A_532 = arith.andi %ne3A_528, %ne3A_531 : i1
        %sub3A_533 = arith.constant 1 : i32
        %sub3A_534 = arith.subi %div3A_513, %sub3A_533 : i32
        %select_n3A_535 = arith.select %and3A_532, %sub3A_534, %div3A_513 : i32
        %jit3A_536 = arith.constant 16384 : i32
        %eq3A_537 = arith.constant 0 : i32
        %eq3A_538 = arith.cmpi eq, %jit3A_536, %eq3A_537 : i32
        %jit3A_539 = arith.constant 1 : i32
        %select_n3A_540 = arith.select %eq3A_538, %jit3A_539, %jit3A_536 : i32
        %rem3A_541 = arith.remsi %add3A_511, %select_n3A_540 : i32
        %ne3A_542 = arith.constant 0 : i32
        %ne3A_543 = arith.cmpi ne, %rem3A_541, %ne3A_542 : i32
        %lt3A_544 = arith.constant 0 : i32
        %lt3A_545 = arith.cmpi slt, %rem3A_541, %lt3A_544 : i32
        %lt3A_546 = arith.constant 0 : i32
        %lt3A_547 = arith.cmpi slt, %select_n3A_540, %lt3A_546 : i32
        %ne3A_548 = arith.xori %lt3A_545, %lt3A_547 : i1
        %and3A_549 = arith.andi %ne3A_548, %ne3A_543 : i1
        %add3A_550 = arith.addi %rem3A_541, %select_n3A_540 : i32
        %select_n3A_551 = arith.select %and3A_549, %add3A_550, %rem3A_541 : i32
        %dma_wait3A_552 = arith.constant 0 : i32
        %dma_wait3A_553 = tpu.memref_slice %arg4[%select_n3A_535, %dma_wait3A_552, %select_n3A_551] : memref<50x64x16384xf32, #tpu.memory_space<hbm>> -> memref<1x64x128xf32, #tpu.memory_space<hbm>>
        %dma_wait3A_554 = tpu.memref_squeeze %dma_wait3A_553 : memref<1x64x128xf32, #tpu.memory_space<hbm>> -> memref<64x128xf32, #tpu.memory_space<hbm>>
        %dma_wait3A_555 = arith.constant 0 : i32
        %dma_wait3A_556 = tpu.memref_slice %arg4[%select_n3A_535, %dma_wait3A_555, %select_n3A_551] : memref<50x64x16384xf32, #tpu.memory_space<hbm>> -> memref<1x64x128xf32, #tpu.memory_space<hbm>>
        %dma_wait3A_557 = tpu.memref_squeeze %dma_wait3A_556 : memref<1x64x128xf32, #tpu.memory_space<hbm>> -> memref<64x128xf32, #tpu.memory_space<hbm>>
        tpu.wait_dma2 semaphore(%arg21 : memref<!tpu.dma_semaphore, #tpu.memory_space<semaphore_mem>>) src(%arg13 : memref<64x128xf32, #tpu.memory_space<vmem>>) dst(%dma_wait3A_557 : memref<64x128xf32, #tpu.memory_space<hbm>>)
      } else {
      }
      %dma_wait3A_439 = arith.constant 0 : i32
      %dma_wait3A_440 = tpu.memref_slice %arg5[%add3A_433, %dma_wait3A_439] : memref<200x128xi32, #tpu.memory_space<vmem>> -> memref<1x128xi32, #tpu.memory_space<vmem>>
      %dma_wait3A_441 = tpu.memref_squeeze %dma_wait3A_440 : memref<1x128xi32, #tpu.memory_space<vmem>> -> memref<128xi32, #tpu.memory_space<vmem>>
      %dma_wait3A_442 = arith.constant 0 : i32
      %dma_wait3A_443 = arith.constant 0 : i32
      %dma_wait3A_444 = tpu.memref_slice %arg2[%dma_wait3A_442, %dma_wait3A_443] : memref<1000000x128xf32, #tpu.memory_space<hbm>> -> memref<1000000x128xf32, #tpu.memory_space<hbm>>
      tpu.wait_indirect_dma semaphore(%arg17 : memref<!tpu.dma_semaphore, #tpu.memory_space<semaphore_mem>>) src(%dma_wait3A_444 : memref<1000000x128xf32, #tpu.memory_space<hbm>>) dst(%arg9 : memref<128x128xf32, #tpu.memory_space<vmem>>)
      %add3A_445 = arith.constant 4 : i32
      %add3A_446 = arith.addi %add3A_433, %add3A_445 : i32
      %sub3A_447 = arith.constant 1 : i32
      %sub3A_448 = arith.subi %add3A_446, %sub3A_447 : i32
      %lt3A_449 = arith.constant 200 : i32
      %lt3A_450 = arith.cmpi slt, %sub3A_448, %lt3A_449 : i32
      %convert_element_type3A_451 = arith.extui %lt3A_450 : i1 to i32
      %cond3A_452 = arith.constant 0 : i32
      %cond3A_453 = arith.cmpi ne, %convert_element_type3A_451, %cond3A_452 : i32
      scf.if %cond3A_453 {
        %add3A_507 = arith.constant 4 : i32
        %add3A_508 = arith.addi %add3A_433, %add3A_507 : i32
        %sub3A_509 = arith.constant 1 : i32
        %sub3A_510 = arith.subi %add3A_508, %sub3A_509 : i32
        %dma_start3A_511 = arith.constant 0 : i32
        %dma_start3A_512 = tpu.memref_slice %arg5[%sub3A_510, %dma_start3A_511] : memref<200x128xi32, #tpu.memory_space<vmem>> -> memref<1x128xi32, #tpu.memory_space<vmem>>
        %dma_start3A_513 = tpu.memref_squeeze %dma_start3A_512 : memref<1x128xi32, #tpu.memory_space<vmem>> -> memref<128xi32, #tpu.memory_space<vmem>>
        %dma_start3A_514 = arith.constant 0 : i32
        %dma_start3A_515 = arith.constant 0 : i32
        %dma_start3A_516 = tpu.memref_slice %arg2[%dma_start3A_514, %dma_start3A_515] : memref<1000000x128xf32, #tpu.memory_space<hbm>> -> memref<1000000x128xf32, #tpu.memory_space<hbm>>
        tpu.enqueue_indirect_dma source(%dma_start3A_516 : memref<1000000x128xf32, #tpu.memory_space<hbm>>) target(%arg8 : memref<128x128xf32, #tpu.memory_space<vmem>>) offsets(%dma_start3A_513 : memref<128xi32, #tpu.memory_space<vmem>>) semaphore(%arg16 : memref<!tpu.dma_semaphore, #tpu.memory_space<semaphore_mem>>)
      } else {
      }
      %iota3A_454 = tpu.iota {dimensions = array<i32: 0>} : vector<16xi32>
      %parallel_loop3A_455 = arith.constant 0 : i32
      %parallel_loop3A_456 = arith.constant 32 : i32
      %parallel_loop3A_457 = arith.constant 1 : i32
      scf.for %parallel_loop3A_507 = %parallel_loop3A_455 to %parallel_loop3A_456 step %parallel_loop3A_457  : i32 {
        %parallel_loop3A_508 = arith.constant 3 : i32
        %parallel_loop3A_509 = arith.andi %parallel_loop3A_507, %parallel_loop3A_508 : i32
        %parallel_loop3A_510 = arith.constant 16 : i32
        %parallel_loop3A_511 = arith.muli %parallel_loop3A_509, %parallel_loop3A_510 : i32
        %parallel_loop3A_512 = arith.constant 2 : i32
        %parallel_loop3A_513 = arith.shrsi %parallel_loop3A_507, %parallel_loop3A_512 : i32
        %parallel_loop3A_514 = arith.constant 16 : i32
        %parallel_loop3A_515 = arith.muli %parallel_loop3A_513, %parallel_loop3A_514 : i32
        %parallel_loop3A_516 = vector.broadcast %parallel_loop3A_515 : i32 to vector<16xi32>
        %parallel_loop3A_517 = arith.addi %iota3A_454, %parallel_loop3A_516 : vector<16xi32>
        %parallel_loop3A_518 = arith.constant 0 : i32
        %parallel_loop3A_519 = vector.broadcast %parallel_loop3A_518 : i32 to vector<16xi32>
        %parallel_loop3A_520 = arith.addi %iota3A_454, %parallel_loop3A_519 : vector<16xi32>
        %parallel_loop3A_521 = arith.constant 15 : i32
        %parallel_loop3A_522 = vector.broadcast %parallel_loop3A_521 : i32 to vector<16xi32>
        %parallel_loop3A_523 = arith.andi %parallel_loop3A_520, %parallel_loop3A_522 : vector<16xi32>
        %parallel_loop3A_524 = vector.broadcast %parallel_loop3A_511 : i32 to vector<16xi32>
        %parallel_loop3A_525 = arith.addi %parallel_loop3A_523, %parallel_loop3A_524 : vector<16xi32>
        %parallel_loop3A_526 = tpu.vector_load_idx %arg9[%parallel_loop3A_517, %parallel_loop3A_525] : memref<128x128xf32, #tpu.memory_space<vmem>>[vector<16xi32>, vector<16xi32>], vector<16xf32>,
        tpu.vector_store_idx %arg13[%parallel_loop3A_525, %parallel_loop3A_517], %parallel_loop3A_526 : memref<64x128xf32, #tpu.memory_space<vmem>>[vector<16xi32>, vector<16xi32>], vector<16xf32>,
        %parallel_loop3A_527 = arith.constant 1 : i32
        %parallel_loop3A_528 = vector.broadcast %parallel_loop3A_527 : i32 to vector<16xi32>
        %parallel_loop3A_529 = arith.addi %iota3A_454, %parallel_loop3A_528 : vector<16xi32>
        %parallel_loop3A_530 = arith.constant 15 : i32
        %parallel_loop3A_531 = vector.broadcast %parallel_loop3A_530 : i32 to vector<16xi32>
        %parallel_loop3A_532 = arith.andi %parallel_loop3A_529, %parallel_loop3A_531 : vector<16xi32>
        %parallel_loop3A_533 = vector.broadcast %parallel_loop3A_511 : i32 to vector<16xi32>
        %parallel_loop3A_534 = arith.addi %parallel_loop3A_532, %parallel_loop3A_533 : vector<16xi32>
        %parallel_loop3A_535 = tpu.vector_load_idx %arg9[%parallel_loop3A_517, %parallel_loop3A_534] : memref<128x128xf32, #tpu.memory_space<vmem>>[vector<16xi32>, vector<16xi32>], vector<16xf32>,
        tpu.vector_store_idx %arg13[%parallel_loop3A_534, %parallel_loop3A_517], %parallel_loop3A_535 : memref<64x128xf32, #tpu.memory_space<vmem>>[vector<16xi32>, vector<16xi32>], vector<16xf32>,
        %parallel_loop3A_536 = arith.constant 2 : i32
        %parallel_loop3A_537 = vector.broadcast %parallel_loop3A_536 : i32 to vector<16xi32>
        %parallel_loop3A_538 = arith.addi %iota3A_454, %parallel_loop3A_537 : vector<16xi32>
        %parallel_loop3A_539 = arith.constant 15 : i32
        %parallel_loop3A_540 = vector.broadcast %parallel_loop3A_539 : i32 to vector<16xi32>
        %parallel_loop3A_541 = arith.andi %parallel_loop3A_538, %parallel_loop3A_540 : vector<16xi32>
        %parallel_loop3A_542 = vector.broadcast %parallel_loop3A_511 : i32 to vector<16xi32>
        %parallel_loop3A_543 = arith.addi %parallel_loop3A_541, %parallel_loop3A_542 : vector<16xi32>
        %parallel_loop3A_544 = tpu.vector_load_idx %arg9[%parallel_loop3A_517, %parallel_loop3A_543] : memref<128x128xf32, #tpu.memory_space<vmem>>[vector<16xi32>, vector<16xi32>], vector<16xf32>,
        tpu.vector_store_idx %arg13[%parallel_loop3A_543, %parallel_loop3A_517], %parallel_loop3A_544 : memref<64x128xf32, #tpu.memory_space<vmem>>[vector<16xi32>, vector<16xi32>], vector<16xf32>,
        %parallel_loop3A_545 = arith.constant 3 : i32
        %parallel_loop3A_546 = vector.broadcast %parallel_loop3A_545 : i32 to vector<16xi32>
        %parallel_loop3A_547 = arith.addi %iota3A_454, %parallel_loop3A_546 : vector<16xi32>
        %parallel_loop3A_548 = arith.constant 15 : i32
        %parallel_loop3A_549 = vector.broadcast %parallel_loop3A_548 : i32 to vector<16xi32>
        %parallel_loop3A_550 = arith.andi %parallel_loop3A_547, %parallel_loop3A_549 : vector<16xi32>
        %parallel_loop3A_551 = vector.broadcast %parallel_loop3A_511 : i32 to vector<16xi32>
        %parallel_loop3A_552 = arith.addi %parallel_loop3A_550, %parallel_loop3A_551 : vector<16xi32>
        %parallel_loop3A_553 = tpu.vector_load_idx %arg9[%parallel_loop3A_517, %parallel_loop3A_552] : memref<128x128xf32, #tpu.memory_space<vmem>>[vector<16xi32>, vector<16xi32>], vector<16xf32>,
        tpu.vector_store_idx %arg13[%parallel_loop3A_552, %parallel_loop3A_517], %parallel_loop3A_553 : memref<64x128xf32, #tpu.memory_space<vmem>>[vector<16xi32>, vector<16xi32>], vector<16xf32>,
        %parallel_loop3A_554 = arith.constant 4 : i32
        %parallel_loop3A_555 = vector.broadcast %parallel_loop3A_554 : i32 to vector<16xi32>
        %parallel_loop3A_556 = arith.addi %iota3A_454, %parallel_loop3A_555 : vector<16xi32>
        %parallel_loop3A_557 = arith.constant 15 : i32
        %parallel_loop3A_558 = vector.broadcast %parallel_loop3A_557 : i32 to vector<16xi32>
        %parallel_loop3A_559 = arith.andi %parallel_loop3A_556, %parallel_loop3A_558 : vector<16xi32>
        %parallel_loop3A_560 = vector.broadcast %parallel_loop3A_511 : i32 to vector<16xi32>
        %parallel_loop3A_561 = arith.addi %parallel_loop3A_559, %parallel_loop3A_560 : vector<16xi32>
        %parallel_loop3A_562 = tpu.vector_load_idx %arg9[%parallel_loop3A_517, %parallel_loop3A_561] : memref<128x128xf32, #tpu.memory_space<vmem>>[vector<16xi32>, vector<16xi32>], vector<16xf32>,
        tpu.vector_store_idx %arg13[%parallel_loop3A_561, %parallel_loop3A_517], %parallel_loop3A_562 : memref<64x128xf32, #tpu.memory_space<vmem>>[vector<16xi32>, vector<16xi32>], vector<16xf32>,
        %parallel_loop3A_563 = arith.constant 5 : i32
        %parallel_loop3A_564 = vector.broadcast %parallel_loop3A_563 : i32 to vector<16xi32>
        %parallel_loop3A_565 = arith.addi %iota3A_454, %parallel_loop3A_564 : vector<16xi32>
        %parallel_loop3A_566 = arith.constant 15 : i32
        %parallel_loop3A_567 = vector.broadcast %parallel_loop3A_566 : i32 to vector<16xi32>
        %parallel_loop3A_568 = arith.andi %parallel_loop3A_565, %parallel_loop3A_567 : vector<16xi32>
        %parallel_loop3A_569 = vector.broadcast %parallel_loop3A_511 : i32 to vector<16xi32>
        %parallel_loop3A_570 = arith.addi %parallel_loop3A_568, %parallel_loop3A_569 : vector<16xi32>
        %parallel_loop3A_571 = tpu.vector_load_idx %arg9[%parallel_loop3A_517, %parallel_loop3A_570] : memref<128x128xf32, #tpu.memory_space<vmem>>[vector<16xi32>, vector<16xi32>], vector<16xf32>,
        tpu.vector_store_idx %arg13[%parallel_loop3A_570, %parallel_loop3A_517], %parallel_loop3A_571 : memref<64x128xf32, #tpu.memory_space<vmem>>[vector<16xi32>, vector<16xi32>], vector<16xf32>,
        %parallel_loop3A_572 = arith.constant 6 : i32
        %parallel_loop3A_573 = vector.broadcast %parallel_loop3A_572 : i32 to vector<16xi32>
        %parallel_loop3A_574 = arith.addi %iota3A_454, %parallel_loop3A_573 : vector<16xi32>
        %parallel_loop3A_575 = arith.constant 15 : i32
        %parallel_loop3A_576 = vector.broadcast %parallel_loop3A_575 : i32 to vector<16xi32>
        %parallel_loop3A_577 = arith.andi %parallel_loop3A_574, %parallel_loop3A_576 : vector<16xi32>
        %parallel_loop3A_578 = vector.broadcast %parallel_loop3A_511 : i32 to vector<16xi32>
        %parallel_loop3A_579 = arith.addi %parallel_loop3A_577, %parallel_loop3A_578 : vector<16xi32>
        %parallel_loop3A_580 = tpu.vector_load_idx %arg9[%parallel_loop3A_517, %parallel_loop3A_579] : memref<128x128xf32, #tpu.memory_space<vmem>>[vector<16xi32>, vector<16xi32>], vector<16xf32>,
        tpu.vector_store_idx %arg13[%parallel_loop3A_579, %parallel_loop3A_517], %parallel_loop3A_580 : memref<64x128xf32, #tpu.memory_space<vmem>>[vector<16xi32>, vector<16xi32>], vector<16xf32>,
        %parallel_loop3A_581 = arith.constant 7 : i32
        %parallel_loop3A_582 = vector.broadcast %parallel_loop3A_581 : i32 to vector<16xi32>
        %parallel_loop3A_583 = arith.addi %iota3A_454, %parallel_loop3A_582 : vector<16xi32>
        %parallel_loop3A_584 = arith.constant 15 : i32
        %parallel_loop3A_585 = vector.broadcast %parallel_loop3A_584 : i32 to vector<16xi32>
        %parallel_loop3A_586 = arith.andi %parallel_loop3A_583, %parallel_loop3A_585 : vector<16xi32>
        %parallel_loop3A_587 = vector.broadcast %parallel_loop3A_511 : i32 to vector<16xi32>
        %parallel_loop3A_588 = arith.addi %parallel_loop3A_586, %parallel_loop3A_587 : vector<16xi32>
        %parallel_loop3A_589 = tpu.vector_load_idx %arg9[%parallel_loop3A_517, %parallel_loop3A_588] : memref<128x128xf32, #tpu.memory_space<vmem>>[vector<16xi32>, vector<16xi32>], vector<16xf32>,
        tpu.vector_store_idx %arg13[%parallel_loop3A_588, %parallel_loop3A_517], %parallel_loop3A_589 : memref<64x128xf32, #tpu.memory_space<vmem>>[vector<16xi32>, vector<16xi32>], vector<16xf32>,
        %parallel_loop3A_590 = arith.constant 8 : i32
        %parallel_loop3A_591 = vector.broadcast %parallel_loop3A_590 : i32 to vector<16xi32>
        %parallel_loop3A_592 = arith.addi %iota3A_454, %parallel_loop3A_591 : vector<16xi32>
        %parallel_loop3A_593 = arith.constant 15 : i32
        %parallel_loop3A_594 = vector.broadcast %parallel_loop3A_593 : i32 to vector<16xi32>
        %parallel_loop3A_595 = arith.andi %parallel_loop3A_592, %parallel_loop3A_594 : vector<16xi32>
        %parallel_loop3A_596 = vector.broadcast %parallel_loop3A_511 : i32 to vector<16xi32>
        %parallel_loop3A_597 = arith.addi %parallel_loop3A_595, %parallel_loop3A_596 : vector<16xi32>
        %parallel_loop3A_598 = tpu.vector_load_idx %arg9[%parallel_loop3A_517, %parallel_loop3A_597] : memref<128x128xf32, #tpu.memory_space<vmem>>[vector<16xi32>, vector<16xi32>], vector<16xf32>,
        tpu.vector_store_idx %arg13[%parallel_loop3A_597, %parallel_loop3A_517], %parallel_loop3A_598 : memref<64x128xf32, #tpu.memory_space<vmem>>[vector<16xi32>, vector<16xi32>], vector<16xf32>,
        %parallel_loop3A_599 = arith.constant 9 : i32
        %parallel_loop3A_600 = vector.broadcast %parallel_loop3A_599 : i32 to vector<16xi32>
        %parallel_loop3A_601 = arith.addi %iota3A_454, %parallel_loop3A_600 : vector<16xi32>
        %parallel_loop3A_602 = arith.constant 15 : i32
        %parallel_loop3A_603 = vector.broadcast %parallel_loop3A_602 : i32 to vector<16xi32>
        %parallel_loop3A_604 = arith.andi %parallel_loop3A_601, %parallel_loop3A_603 : vector<16xi32>
        %parallel_loop3A_605 = vector.broadcast %parallel_loop3A_511 : i32 to vector<16xi32>
        %parallel_loop3A_606 = arith.addi %parallel_loop3A_604, %parallel_loop3A_605 : vector<16xi32>
        %parallel_loop3A_607 = tpu.vector_load_idx %arg9[%parallel_loop3A_517, %parallel_loop3A_606] : memref<128x128xf32, #tpu.memory_space<vmem>>[vector<16xi32>, vector<16xi32>], vector<16xf32>,
        tpu.vector_store_idx %arg13[%parallel_loop3A_606, %parallel_loop3A_517], %parallel_loop3A_607 : memref<64x128xf32, #tpu.memory_space<vmem>>[vector<16xi32>, vector<16xi32>], vector<16xf32>,
        %parallel_loop3A_608 = arith.constant 10 : i32
        %parallel_loop3A_609 = vector.broadcast %parallel_loop3A_608 : i32 to vector<16xi32>
        %parallel_loop3A_610 = arith.addi %iota3A_454, %parallel_loop3A_609 : vector<16xi32>
        %parallel_loop3A_611 = arith.constant 15 : i32
        %parallel_loop3A_612 = vector.broadcast %parallel_loop3A_611 : i32 to vector<16xi32>
        %parallel_loop3A_613 = arith.andi %parallel_loop3A_610, %parallel_loop3A_612 : vector<16xi32>
        %parallel_loop3A_614 = vector.broadcast %parallel_loop3A_511 : i32 to vector<16xi32>
        %parallel_loop3A_615 = arith.addi %parallel_loop3A_613, %parallel_loop3A_614 : vector<16xi32>
        %parallel_loop3A_616 = tpu.vector_load_idx %arg9[%parallel_loop3A_517, %parallel_loop3A_615] : memref<128x128xf32, #tpu.memory_space<vmem>>[vector<16xi32>, vector<16xi32>], vector<16xf32>,
        tpu.vector_store_idx %arg13[%parallel_loop3A_615, %parallel_loop3A_517], %parallel_loop3A_616 : memref<64x128xf32, #tpu.memory_space<vmem>>[vector<16xi32>, vector<16xi32>], vector<16xf32>,
        %parallel_loop3A_617 = arith.constant 11 : i32
        %parallel_loop3A_618 = vector.broadcast %parallel_loop3A_617 : i32 to vector<16xi32>
        %parallel_loop3A_619 = arith.addi %iota3A_454, %parallel_loop3A_618 : vector<16xi32>
        %parallel_loop3A_620 = arith.constant 15 : i32
        %parallel_loop3A_621 = vector.broadcast %parallel_loop3A_620 : i32 to vector<16xi32>
        %parallel_loop3A_622 = arith.andi %parallel_loop3A_619, %parallel_loop3A_621 : vector<16xi32>
        %parallel_loop3A_623 = vector.broadcast %parallel_loop3A_511 : i32 to vector<16xi32>
        %parallel_loop3A_624 = arith.addi %parallel_loop3A_622, %parallel_loop3A_623 : vector<16xi32>
        %parallel_loop3A_625 = tpu.vector_load_idx %arg9[%parallel_loop3A_517, %parallel_loop3A_624] : memref<128x128xf32, #tpu.memory_space<vmem>>[vector<16xi32>, vector<16xi32>], vector<16xf32>,
        tpu.vector_store_idx %arg13[%parallel_loop3A_624, %parallel_loop3A_517], %parallel_loop3A_625 : memref<64x128xf32, #tpu.memory_space<vmem>>[vector<16xi32>, vector<16xi32>], vector<16xf32>,
        %parallel_loop3A_626 = arith.constant 12 : i32
        %parallel_loop3A_627 = vector.broadcast %parallel_loop3A_626 : i32 to vector<16xi32>
        %parallel_loop3A_628 = arith.addi %iota3A_454, %parallel_loop3A_627 : vector<16xi32>
        %parallel_loop3A_629 = arith.constant 15 : i32
        %parallel_loop3A_630 = vector.broadcast %parallel_loop3A_629 : i32 to vector<16xi32>
        %parallel_loop3A_631 = arith.andi %parallel_loop3A_628, %parallel_loop3A_630 : vector<16xi32>
        %parallel_loop3A_632 = vector.broadcast %parallel_loop3A_511 : i32 to vector<16xi32>
        %parallel_loop3A_633 = arith.addi %parallel_loop3A_631, %parallel_loop3A_632 : vector<16xi32>
        %parallel_loop3A_634 = tpu.vector_load_idx %arg9[%parallel_loop3A_517, %parallel_loop3A_633] : memref<128x128xf32, #tpu.memory_space<vmem>>[vector<16xi32>, vector<16xi32>], vector<16xf32>,
        tpu.vector_store_idx %arg13[%parallel_loop3A_633, %parallel_loop3A_517], %parallel_loop3A_634 : memref<64x128xf32, #tpu.memory_space<vmem>>[vector<16xi32>, vector<16xi32>], vector<16xf32>,
        %parallel_loop3A_635 = arith.constant 13 : i32
        %parallel_loop3A_636 = vector.broadcast %parallel_loop3A_635 : i32 to vector<16xi32>
        %parallel_loop3A_637 = arith.addi %iota3A_454, %parallel_loop3A_636 : vector<16xi32>
        %parallel_loop3A_638 = arith.constant 15 : i32
        %parallel_loop3A_639 = vector.broadcast %parallel_loop3A_638 : i32 to vector<16xi32>
        %parallel_loop3A_640 = arith.andi %parallel_loop3A_637, %parallel_loop3A_639 : vector<16xi32>
        %parallel_loop3A_641 = vector.broadcast %parallel_loop3A_511 : i32 to vector<16xi32>
        %parallel_loop3A_642 = arith.addi %parallel_loop3A_640, %parallel_loop3A_641 : vector<16xi32>
        %parallel_loop3A_643 = tpu.vector_load_idx %arg9[%parallel_loop3A_517, %parallel_loop3A_642] : memref<128x128xf32, #tpu.memory_space<vmem>>[vector<16xi32>, vector<16xi32>], vector<16xf32>,
        tpu.vector_store_idx %arg13[%parallel_loop3A_642, %parallel_loop3A_517], %parallel_loop3A_643 : memref<64x128xf32, #tpu.memory_space<vmem>>[vector<16xi32>, vector<16xi32>], vector<16xf32>,
        %parallel_loop3A_644 = arith.constant 14 : i32
        %parallel_loop3A_645 = vector.broadcast %parallel_loop3A_644 : i32 to vector<16xi32>
        %parallel_loop3A_646 = arith.addi %iota3A_454, %parallel_loop3A_645 : vector<16xi32>
        %parallel_loop3A_647 = arith.constant 15 : i32
        %parallel_loop3A_648 = vector.broadcast %parallel_loop3A_647 : i32 to vector<16xi32>
        %parallel_loop3A_649 = arith.andi %parallel_loop3A_646, %parallel_loop3A_648 : vector<16xi32>
        %parallel_loop3A_650 = vector.broadcast %parallel_loop3A_511 : i32 to vector<16xi32>
        %parallel_loop3A_651 = arith.addi %parallel_loop3A_649, %parallel_loop3A_650 : vector<16xi32>
        %parallel_loop3A_652 = tpu.vector_load_idx %arg9[%parallel_loop3A_517, %parallel_loop3A_651] : memref<128x128xf32, #tpu.memory_space<vmem>>[vector<16xi32>, vector<16xi32>], vector<16xf32>,
        tpu.vector_store_idx %arg13[%parallel_loop3A_651, %parallel_loop3A_517], %parallel_loop3A_652 : memref<64x128xf32, #tpu.memory_space<vmem>>[vector<16xi32>, vector<16xi32>], vector<16xf32>,
        %parallel_loop3A_653 = arith.constant 15 : i32
        %parallel_loop3A_654 = vector.broadcast %parallel_loop3A_653 : i32 to vector<16xi32>
        %parallel_loop3A_655 = arith.addi %iota3A_454, %parallel_loop3A_654 : vector<16xi32>
        %parallel_loop3A_656 = arith.constant 15 : i32
        %parallel_loop3A_657 = vector.broadcast %parallel_loop3A_656 : i32 to vector<16xi32>
        %parallel_loop3A_658 = arith.andi %parallel_loop3A_655, %parallel_loop3A_657 : vector<16xi32>
        %parallel_loop3A_659 = vector.broadcast %parallel_loop3A_511 : i32 to vector<16xi32>
        %parallel_loop3A_660 = arith.addi %parallel_loop3A_658, %parallel_loop3A_659 : vector<16xi32>
        %parallel_loop3A_661 = tpu.vector_load_idx %arg9[%parallel_loop3A_517, %parallel_loop3A_660] : memref<128x128xf32, #tpu.memory_space<vmem>>[vector<16xi32>, vector<16xi32>], vector<16xf32>,
        tpu.vector_store_idx %arg13[%parallel_loop3A_660, %parallel_loop3A_517], %parallel_loop3A_661 : memref<64x128xf32, #tpu.memory_space<vmem>>[vector<16xi32>, vector<16xi32>], vector<16xf32>,
      } {sc.loop_unroll_factor = 1 : i64, sc.parallel_access}
      %mul3A_458 = arith.constant 128 : i32
      %mul3A_459 = arith.muli %add3A_433, %mul3A_458 : i32
      %add3A_460 = arith.addi %mul3A_2, %mul3A_459 : i32
      %jit3A_461 = arith.constant 16384 : i32
      %div3A_462 = arith.divsi %add3A_460, %jit3A_461 : i32
      %sign3A_463 = arith.constant 0 : i32
      %sign3A_464 = arith.cmpi sgt, %add3A_460, %sign3A_463 : i32
      %sign3A_465 = arith.extui %sign3A_464 : i1 to i32
      %sign3A_466 = arith.constant 0 : i32
      %sign3A_467 = arith.cmpi slt, %add3A_460, %sign3A_466 : i32
      %sign3A_468 = arith.extui %sign3A_467 : i1 to i32
      %sign3A_469 = arith.subi %sign3A_465, %sign3A_468 : i32
      %sign3A_470 = arith.constant 0 : i32
      %sign3A_471 = arith.cmpi sgt, %jit3A_461, %sign3A_470 : i32
      %sign3A_472 = arith.extui %sign3A_471 : i1 to i32
      %sign3A_473 = arith.constant 0 : i32
      %sign3A_474 = arith.cmpi slt, %jit3A_461, %sign3A_473 : i32
      %sign3A_475 = arith.extui %sign3A_474 : i1 to i32
      %sign3A_476 = arith.subi %sign3A_472, %sign3A_475 : i32
      %ne3A_477 = arith.cmpi ne, %sign3A_469, %sign3A_476 : i32
      %rem3A_478 = arith.remsi %add3A_460, %jit3A_461 : i32
      %ne3A_479 = arith.constant 0 : i32
      %ne3A_480 = arith.cmpi ne, %rem3A_478, %ne3A_479 : i32
      %and3A_481 = arith.andi %ne3A_477, %ne3A_480 : i1
      %sub3A_482 = arith.constant 1 : i32
      %sub3A_483 = arith.subi %div3A_462, %sub3A_482 : i32
      %select_n3A_484 = arith.select %and3A_481, %sub3A_483, %div3A_462 : i32
      %jit3A_485 = arith.constant 16384 : i32
      %eq3A_486 = arith.constant 0 : i32
      %eq3A_487 = arith.cmpi eq, %jit3A_485, %eq3A_486 : i32
      %jit3A_488 = arith.constant 1 : i32
      %select_n3A_489 = arith.select %eq3A_487, %jit3A_488, %jit3A_485 : i32
      %rem3A_490 = arith.remsi %add3A_460, %select_n3A_489 : i32
      %ne3A_491 = arith.constant 0 : i32
      %ne3A_492 = arith.cmpi ne, %rem3A_490, %ne3A_491 : i32
      %lt3A_493 = arith.constant 0 : i32
      %lt3A_494 = arith.cmpi slt, %rem3A_490, %lt3A_493 : i32
      %lt3A_495 = arith.constant 0 : i32
      %lt3A_496 = arith.cmpi slt, %select_n3A_489, %lt3A_495 : i32
      %ne3A_497 = arith.xori %lt3A_494, %lt3A_496 : i1
      %and3A_498 = arith.andi %ne3A_497, %ne3A_492 : i1
      %add3A_499 = arith.addi %rem3A_490, %select_n3A_489 : i32
      %select_n3A_500 = arith.select %and3A_498, %add3A_499, %rem3A_490 : i32
      %dma_start3A_501 = arith.constant 0 : i32
      %dma_start3A_502 = tpu.memref_slice %arg4[%select_n3A_484, %dma_start3A_501, %select_n3A_500] : memref<50x64x16384xf32, #tpu.memory_space<hbm>> -> memref<1x64x128xf32, #tpu.memory_space<hbm>>
      %dma_start3A_503 = tpu.memref_squeeze %dma_start3A_502 : memref<1x64x128xf32, #tpu.memory_space<hbm>> -> memref<64x128xf32, #tpu.memory_space<hbm>>
      %dma_start3A_504 = arith.constant 0 : i32
      %dma_start3A_505 = tpu.memref_slice %arg4[%select_n3A_484, %dma_start3A_504, %select_n3A_500] : memref<50x64x16384xf32, #tpu.memory_space<hbm>> -> memref<1x64x128xf32, #tpu.memory_space<hbm>>
      %dma_start3A_506 = tpu.memref_squeeze %dma_start3A_505 : memref<1x64x128xf32, #tpu.memory_space<hbm>> -> memref<64x128xf32, #tpu.memory_space<hbm>>
      tpu.enqueue_dma source(%arg13 : memref<64x128xf32, #tpu.memory_space<vmem>>) target(%dma_start3A_506 : memref<64x128xf32, #tpu.memory_space<hbm>>) target_semaphore(%arg21 : memref<!tpu.dma_semaphore, #tpu.memory_space<semaphore_mem>>)
    }
    %scan3A_27 = arith.constant 50 : i32
    %add3A_28 = arith.constant 25088 : i32
    %add3A_29 = arith.addi %mul3A_2, %add3A_28 : i32
    %jit3A = arith.constant 16384 : i32
    %div3A = arith.divsi %add3A_29, %jit3A : i32
    %sign3A = arith.constant 0 : i32
    %sign3A_30 = arith.cmpi sgt, %add3A_29, %sign3A : i32
    %sign3A_31 = arith.extui %sign3A_30 : i1 to i32
    %sign3A_32 = arith.constant 0 : i32
    %sign3A_33 = arith.cmpi slt, %add3A_29, %sign3A_32 : i32
    %sign3A_34 = arith.extui %sign3A_33 : i1 to i32
    %sign3A_35 = arith.subi %sign3A_31, %sign3A_34 : i32
    %sign3A_36 = arith.constant 0 : i32
    %sign3A_37 = arith.cmpi sgt, %jit3A, %sign3A_36 : i32
    %sign3A_38 = arith.extui %sign3A_37 : i1 to i32
    %sign3A_39 = arith.constant 0 : i32
    %sign3A_40 = arith.cmpi slt, %jit3A, %sign3A_39 : i32
    %sign3A_41 = arith.extui %sign3A_40 : i1 to i32
    %sign3A_42 = arith.subi %sign3A_38, %sign3A_41 : i32
    %ne3A = arith.cmpi ne, %sign3A_35, %sign3A_42 : i32
    %rem3A = arith.remsi %add3A_29, %jit3A : i32
    %ne3A_43 = arith.constant 0 : i32
    %ne3A_44 = arith.cmpi ne, %rem3A, %ne3A_43 : i32
    %and3A = arith.andi %ne3A, %ne3A_44 : i1
    %sub3A = arith.constant 1 : i32
    %sub3A_45 = arith.subi %div3A, %sub3A : i32
    %select_n3A = arith.select %and3A, %sub3A_45, %div3A : i32
    %jit3A_46 = arith.constant 16384 : i32
    %eq3A = arith.constant 0 : i32
    %eq3A_47 = arith.cmpi eq, %jit3A_46, %eq3A : i32
    %jit3A_48 = arith.constant 1 : i32
    %select_n3A_49 = arith.select %eq3A_47, %jit3A_48, %jit3A_46 : i32
    %rem3A_50 = arith.remsi %add3A_29, %select_n3A_49 : i32
    %ne3A_51 = arith.constant 0 : i32
    %ne3A_52 = arith.cmpi ne, %rem3A_50, %ne3A_51 : i32
    %lt3A = arith.constant 0 : i32
    %lt3A_53 = arith.cmpi slt, %rem3A_50, %lt3A : i32
    %lt3A_54 = arith.constant 0 : i32
    %lt3A_55 = arith.cmpi slt, %select_n3A_49, %lt3A_54 : i32
    %ne3A_56 = arith.xori %lt3A_53, %lt3A_55 : i1
    %and3A_57 = arith.andi %ne3A_56, %ne3A_52 : i1
    %add3A_58 = arith.addi %rem3A_50, %select_n3A_49 : i32
    %select_n3A_59 = arith.select %and3A_57, %add3A_58, %rem3A_50 : i32
    %dma_wait3A = arith.constant 0 : i32
    %dma_wait3A_60 = tpu.memref_slice %arg4[%select_n3A, %dma_wait3A, %select_n3A_59] : memref<50x64x16384xf32, #tpu.memory_space<hbm>> -> memref<1x64x128xf32, #tpu.memory_space<hbm>>
    %dma_wait3A_61 = tpu.memref_squeeze %dma_wait3A_60 : memref<1x64x128xf32, #tpu.memory_space<hbm>> -> memref<64x128xf32, #tpu.memory_space<hbm>>
    %dma_wait3A_62 = arith.constant 0 : i32
    %dma_wait3A_63 = tpu.memref_slice %arg4[%select_n3A, %dma_wait3A_62, %select_n3A_59] : memref<50x64x16384xf32, #tpu.memory_space<hbm>> -> memref<1x64x128xf32, #tpu.memory_space<hbm>>
    %dma_wait3A_64 = tpu.memref_squeeze %dma_wait3A_63 : memref<1x64x128xf32, #tpu.memory_space<hbm>> -> memref<64x128xf32, #tpu.memory_space<hbm>>
    tpu.wait_dma2 semaphore(%arg18 : memref<!tpu.dma_semaphore, #tpu.memory_space<semaphore_mem>>) src(%arg10 : memref<64x128xf32, #tpu.memory_space<vmem>>) dst(%dma_wait3A_64 : memref<64x128xf32, #tpu.memory_space<hbm>>)
    %add3A_65 = arith.constant 25216 : i32
    %add3A_66 = arith.addi %mul3A_2, %add3A_65 : i32
    %jit3A_67 = arith.constant 16384 : i32
    %div3A_68 = arith.divsi %add3A_66, %jit3A_67 : i32
    %sign3A_69 = arith.constant 0 : i32
    %sign3A_70 = arith.cmpi sgt, %add3A_66, %sign3A_69 : i32
    %sign3A_71 = arith.extui %sign3A_70 : i1 to i32
    %sign3A_72 = arith.constant 0 : i32
    %sign3A_73 = arith.cmpi slt, %add3A_66, %sign3A_72 : i32
    %sign3A_74 = arith.extui %sign3A_73 : i1 to i32
    %sign3A_75 = arith.subi %sign3A_71, %sign3A_74 : i32
    %sign3A_76 = arith.constant 0 : i32
    %sign3A_77 = arith.cmpi sgt, %jit3A_67, %sign3A_76 : i32
    %sign3A_78 = arith.extui %sign3A_77 : i1 to i32
    %sign3A_79 = arith.constant 0 : i32
    %sign3A_80 = arith.cmpi slt, %jit3A_67, %sign3A_79 : i32
    %sign3A_81 = arith.extui %sign3A_80 : i1 to i32
    %sign3A_82 = arith.subi %sign3A_78, %sign3A_81 : i32
    %ne3A_83 = arith.cmpi ne, %sign3A_75, %sign3A_82 : i32
    %rem3A_84 = arith.remsi %add3A_66, %jit3A_67 : i32
    %ne3A_85 = arith.constant 0 : i32
    %ne3A_86 = arith.cmpi ne, %rem3A_84, %ne3A_85 : i32
    %and3A_87 = arith.andi %ne3A_83, %ne3A_86 : i1
    %sub3A_88 = arith.constant 1 : i32
    %sub3A_89 = arith.subi %div3A_68, %sub3A_88 : i32
    %select_n3A_90 = arith.select %and3A_87, %sub3A_89, %div3A_68 : i32
    %jit3A_91 = arith.constant 16384 : i32
    %eq3A_92 = arith.constant 0 : i32
    %eq3A_93 = arith.cmpi eq, %jit3A_91, %eq3A_92 : i32
    %jit3A_94 = arith.constant 1 : i32
    %select_n3A_95 = arith.select %eq3A_93, %jit3A_94, %jit3A_91 : i32
    %rem3A_96 = arith.remsi %add3A_66, %select_n3A_95 : i32
    %ne3A_97 = arith.constant 0 : i32
    %ne3A_98 = arith.cmpi ne, %rem3A_96, %ne3A_97 : i32
    %lt3A_99 = arith.constant 0 : i32
    %lt3A_100 = arith.cmpi slt, %rem3A_96, %lt3A_99 : i32
    %lt3A_101 = arith.constant 0 : i32
    %lt3A_102 = arith.cmpi slt, %select_n3A_95, %lt3A_101 : i32
    %ne3A_103 = arith.xori %lt3A_100, %lt3A_102 : i1
    %and3A_104 = arith.andi %ne3A_103, %ne3A_98 : i1
    %add3A_105 = arith.addi %rem3A_96, %select_n3A_95 : i32
    %select_n3A_106 = arith.select %and3A_104, %add3A_105, %rem3A_96 : i32
    %dma_wait3A_107 = arith.constant 0 : i32
    %dma_wait3A_108 = tpu.memref_slice %arg4[%select_n3A_90, %dma_wait3A_107, %select_n3A_106] : memref<50x64x16384xf32, #tpu.memory_space<hbm>> -> memref<1x64x128xf32, #tpu.memory_space<hbm>>
    %dma_wait3A_109 = tpu.memref_squeeze %dma_wait3A_108 : memref<1x64x128xf32, #tpu.memory_space<hbm>> -> memref<64x128xf32, #tpu.memory_space<hbm>>
    %dma_wait3A_110 = arith.constant 0 : i32
    %dma_wait3A_111 = tpu.memref_slice %arg4[%select_n3A_90, %dma_wait3A_110, %select_n3A_106] : memref<50x64x16384xf32, #tpu.memory_space<hbm>> -> memref<1x64x128xf32, #tpu.memory_space<hbm>>
    %dma_wait3A_112 = tpu.memref_squeeze %dma_wait3A_111 : memref<1x64x128xf32, #tpu.memory_space<hbm>> -> memref<64x128xf32, #tpu.memory_space<hbm>>
    tpu.wait_dma2 semaphore(%arg19 : memref<!tpu.dma_semaphore, #tpu.memory_space<semaphore_mem>>) src(%arg11 : memref<64x128xf32, #tpu.memory_space<vmem>>) dst(%dma_wait3A_112 : memref<64x128xf32, #tpu.memory_space<hbm>>)
    %add3A_113 = arith.constant 25344 : i32
    %add3A_114 = arith.addi %mul3A_2, %add3A_113 : i32
    %jit3A_115 = arith.constant 16384 : i32
    %div3A_116 = arith.divsi %add3A_114, %jit3A_115 : i32
    %sign3A_117 = arith.constant 0 : i32
    %sign3A_118 = arith.cmpi sgt, %add3A_114, %sign3A_117 : i32
    %sign3A_119 = arith.extui %sign3A_118 : i1 to i32
    %sign3A_120 = arith.constant 0 : i32
    %sign3A_121 = arith.cmpi slt, %add3A_114, %sign3A_120 : i32
    %sign3A_122 = arith.extui %sign3A_121 : i1 to i32
    %sign3A_123 = arith.subi %sign3A_119, %sign3A_122 : i32
    %sign3A_124 = arith.constant 0 : i32
    %sign3A_125 = arith.cmpi sgt, %jit3A_115, %sign3A_124 : i32
    %sign3A_126 = arith.extui %sign3A_125 : i1 to i32
    %sign3A_127 = arith.constant 0 : i32
    %sign3A_128 = arith.cmpi slt, %jit3A_115, %sign3A_127 : i32
    %sign3A_129 = arith.extui %sign3A_128 : i1 to i32
    %sign3A_130 = arith.subi %sign3A_126, %sign3A_129 : i32
    %ne3A_131 = arith.cmpi ne, %sign3A_123, %sign3A_130 : i32
    %rem3A_132 = arith.remsi %add3A_114, %jit3A_115 : i32
    %ne3A_133 = arith.constant 0 : i32
    %ne3A_134 = arith.cmpi ne, %rem3A_132, %ne3A_133 : i32
    %and3A_135 = arith.andi %ne3A_131, %ne3A_134 : i1
    %sub3A_136 = arith.constant 1 : i32
    %sub3A_137 = arith.subi %div3A_116, %sub3A_136 : i32
    %select_n3A_138 = arith.select %and3A_135, %sub3A_137, %div3A_116 : i32
    %jit3A_139 = arith.constant 16384 : i32
    %eq3A_140 = arith.constant 0 : i32
    %eq3A_141 = arith.cmpi eq, %jit3A_139, %eq3A_140 : i32
    %jit3A_142 = arith.constant 1 : i32
    %select_n3A_143 = arith.select %eq3A_141, %jit3A_142, %jit3A_139 : i32
    %rem3A_144 = arith.remsi %add3A_114, %select_n3A_143 : i32
    %ne3A_145 = arith.constant 0 : i32
    %ne3A_146 = arith.cmpi ne, %rem3A_144, %ne3A_145 : i32
    %lt3A_147 = arith.constant 0 : i32
    %lt3A_148 = arith.cmpi slt, %rem3A_144, %lt3A_147 : i32
    %lt3A_149 = arith.constant 0 : i32
    %lt3A_150 = arith.cmpi slt, %select_n3A_143, %lt3A_149 : i32
    %ne3A_151 = arith.xori %lt3A_148, %lt3A_150 : i1
    %and3A_152 = arith.andi %ne3A_151, %ne3A_146 : i1
    %add3A_153 = arith.addi %rem3A_144, %select_n3A_143 : i32
    %select_n3A_154 = arith.select %and3A_152, %add3A_153, %rem3A_144 : i32
    %dma_wait3A_155 = arith.constant 0 : i32
    %dma_wait3A_156 = tpu.memref_slice %arg4[%select_n3A_138, %dma_wait3A_155, %select_n3A_154] : memref<50x64x16384xf32, #tpu.memory_space<hbm>> -> memref<1x64x128xf32, #tpu.memory_space<hbm>>
    %dma_wait3A_157 = tpu.memref_squeeze %dma_wait3A_156 : memref<1x64x128xf32, #tpu.memory_space<hbm>> -> memref<64x128xf32, #tpu.memory_space<hbm>>
    %dma_wait3A_158 = arith.constant 0 : i32
    %dma_wait3A_159 = tpu.memref_slice %arg4[%select_n3A_138, %dma_wait3A_158, %select_n3A_154] : memref<50x64x16384xf32, #tpu.memory_space<hbm>> -> memref<1x64x128xf32, #tpu.memory_space<hbm>>
    %dma_wait3A_160 = tpu.memref_squeeze %dma_wait3A_159 : memref<1x64x128xf32, #tpu.memory_space<hbm>> -> memref<64x128xf32, #tpu.memory_space<hbm>>
    tpu.wait_dma2 semaphore(%arg20 : memref<!tpu.dma_semaphore, #tpu.memory_space<semaphore_mem>>) src(%arg12 : memref<64x128xf32, #tpu.memory_space<vmem>>) dst(%dma_wait3A_160 : memref<64x128xf32, #tpu.memory_space<hbm>>)
    %add3A_161 = arith.constant 25472 : i32
    %add3A_162 = arith.addi %mul3A_2, %add3A_161 : i32
    %jit3A_163 = arith.constant 16384 : i32
    %div3A_164 = arith.divsi %add3A_162, %jit3A_163 : i32
    %sign3A_165 = arith.constant 0 : i32
    %sign3A_166 = arith.cmpi sgt, %add3A_162, %sign3A_165 : i32
    %sign3A_167 = arith.extui %sign3A_166 : i1 to i32
    %sign3A_168 = arith.constant 0 : i32
    %sign3A_169 = arith.cmpi slt, %add3A_162, %sign3A_168 : i32
    %sign3A_170 = arith.extui %sign3A_169 : i1 to i32
    %sign3A_171 = arith.subi %sign3A_167, %sign3A_170 : i32
    %sign3A_172 = arith.constant 0 : i32
    %sign3A_173 = arith.cmpi sgt, %jit3A_163, %sign3A_172 : i32
    %sign3A_174 = arith.extui %sign3A_173 : i1 to i32
    %sign3A_175 = arith.constant 0 : i32
    %sign3A_176 = arith.cmpi slt, %jit3A_163, %sign3A_175 : i32
    %sign3A_177 = arith.extui %sign3A_176 : i1 to i32
    %sign3A_178 = arith.subi %sign3A_174, %sign3A_177 : i32
    %ne3A_179 = arith.cmpi ne, %sign3A_171, %sign3A_178 : i32
    %rem3A_180 = arith.remsi %add3A_162, %jit3A_163 : i32
    %ne3A_181 = arith.constant 0 : i32
    %ne3A_182 = arith.cmpi ne, %rem3A_180, %ne3A_181 : i32
    %and3A_183 = arith.andi %ne3A_179, %ne3A_182 : i1
    %sub3A_184 = arith.constant 1 : i32
    %sub3A_185 = arith.subi %div3A_164, %sub3A_184 : i32
    %select_n3A_186 = arith.select %and3A_183, %sub3A_185, %div3A_164 : i32
    %jit3A_187 = arith.constant 16384 : i32
    %eq3A_188 = arith.constant 0 : i32
    %eq3A_189 = arith.cmpi eq, %jit3A_187, %eq3A_188 : i32
    %jit3A_190 = arith.constant 1 : i32
    %select_n3A_191 = arith.select %eq3A_189, %jit3A_190, %jit3A_187 : i32
    %rem3A_192 = arith.remsi %add3A_162, %select_n3A_191 : i32
    %ne3A_193 = arith.constant 0 : i32
    %ne3A_194 = arith.cmpi ne, %rem3A_192, %ne3A_193 : i32
    %lt3A_195 = arith.constant 0 : i32
    %lt3A_196 = arith.cmpi slt, %rem3A_192, %lt3A_195 : i32
    %lt3A_197 = arith.constant 0 : i32
    %lt3A_198 = arith.cmpi slt, %select_n3A_191, %lt3A_197 : i32
    %ne3A_199 = arith.xori %lt3A_196, %lt3A_198 : i1
    %and3A_200 = arith.andi %ne3A_199, %ne3A_194 : i1
    %add3A_201 = arith.addi %rem3A_192, %select_n3A_191 : i32
    %select_n3A_202 = arith.select %and3A_200, %add3A_201, %rem3A_192 : i32
    %dma_wait3A_203 = arith.constant 0 : i32
    %dma_wait3A_204 = tpu.memref_slice %arg4[%select_n3A_186, %dma_wait3A_203, %select_n3A_202] : memref<50x64x16384xf32, #tpu.memory_space<hbm>> -> memref<1x64x128xf32, #tpu.memory_space<hbm>>
    %dma_wait3A_205 = tpu.memref_squeeze %dma_wait3A_204 : memref<1x64x128xf32, #tpu.memory_space<hbm>> -> memref<64x128xf32, #tpu.memory_space<hbm>>
    %dma_wait3A_206 = arith.constant 0 : i32
    %dma_wait3A_207 = tpu.memref_slice %arg4[%select_n3A_186, %dma_wait3A_206, %select_n3A_202] : memref<50x64x16384xf32, #tpu.memory_space<hbm>> -> memref<1x64x128xf32, #tpu.memory_space<hbm>>
    %dma_wait3A_208 = tpu.memref_squeeze %dma_wait3A_207 : memref<1x64x128xf32, #tpu.memory_space<hbm>> -> memref<64x128xf32, #tpu.memory_space<hbm>>
    tpu.wait_dma2 semaphore(%arg21 : memref<!tpu.dma_semaphore, #tpu.memory_space<semaphore_mem>>) src(%arg13 : memref<64x128xf32, #tpu.memory_space<vmem>>) dst(%dma_wait3A_208 : memref<64x128xf32, #tpu.memory_space<hbm>>)
    return
  }
}

</mosaic_0001>

<sc_bundles>
// kernel: _gather.3.cloned.1.call-start
scs
__scs_entry_jumppad:
0x0: {  	(pc) =	sbr.rel $0x88, $3  }
0x1: {  	(tag) =	ssettag $0x0;
	lr =	simm.s32 $0x1  }
0x2: {  	[smem:$0x3F9F] =	sst lr;
	_ =	strace $0xD0000000  }
0x3: {  	_ = 	snop  }
0x4: {  	_ = 	snop  }
0x5: {  	_ = 	snop  }
0x6: {  	_ = 	snop  }
0x7: {  	_ = 	snop  }
__scs_overlays_trampoline_lowered:
0x8: {  	[smem:$0x3FAE] =	sst s0  }
0x9: {  	[smem:$0x3FAF] =	sst s1  }
0xa: {  	[smem:$0x3FB0] =	sst s2  }
0xb: {  	[smem:$0x3FB1] =	sst s3  }
0xc: {  	[smem:$0x3FB2] =	sst s4  }
0xd: {  	[smem:$0x3FB3] =	sst s5  }
0xe: {  	[smem:$0x3FB4] =	sst s6  }
0xf: {  	[smem:$0x3FB5] =	sst s7  }
0x10: {  	[smem:$0x3FB6] =	sst s8  }
0x11: {  	[smem:$0x3FB7] =	sst s9;
	s0 =	simm.s32 @!p0 $0x0  }
0x12: {  	s1 =	sld [smem:$0x3F9D];
	s0 =	simm.s32 @p0 $0x1  }
0x13: {  	[smem:$0x3FB8] =	sst s0;
	s0 =	simm.s32 @!p1 $0x0  }
0x14: {  	s2 =	sld [smem:$0x3F9C];
	s0 =	simm.s32 @p1 $0x1  }
0x15: {  	[smem:$0x3FB9] =	sst s0;
	s0 =	simm.s32 @!p2 $0x0  }
0x16: {  	s3 =	sld [smem:$0x3FDB];
	s0 =	simm.s32 @p2 $0x1  }
0x17: {  	s4 =	simm.s32 $0x1BF5;
	[smem:$0x3FBB] =	sst s0  }
0x18: {  	s0 =	sld [smem:$0x3F9E];
	_ =	swait.ge [sflag:s4], $0x0  }
0x19: {  	s7 =	sld [smem:$0x3F9F]  }
0x1a: {  	s8 =	sadd.s32 $0xFFFFE003, lr  }
0x1b: {  	s9 =	sadd.s32 $0xFFFFFEF7, lr;
	s5 =	simm.s32 $0xFFFFFFFF;
	p2 =	slt.u32 s8, $0xFFFFF086  }
0x1c: {  	p1 =	slt.u32 s9, $0xF7A;
	s5 =	simm.s32 @!p2 $0x0  }
0x1d: {  	s5 =	simm.s32 @p1 $0x1;
	p0 =	seq.s32 s7, s2  }
0x1e: {  	s7 =	smul.u32 @!p0 $0xF7A, s2;
	p2 =	seq.s32 @!p0 s5, $0x0  }
0x1f: {  	s9 =	smul.u32 $0xF7A, s1;
	s8 =	simm.s32 @!p0 $0x1BF5;
	p2 =	por !p2, p0  }
0x20: {  	[sflag:s8] =	ssyncset.s32 @!p0 $0xFFFFF086;
	s6 =	sadd.s32 @!p0 s3, s7;
	s7 =	simm.s32 @!p0 $0x108  }
0x21: {  	s3 =	sadd.s32 s3, s9;
	s6 =	sadd.s32 @!p0 $0x88, s6;
	s7 =	simm.s32 @p2 $0x1082  }
0x22: {  	[simem:s7], [sflag:s8] =	dma.local @!p0 [hbm:s6], $0xF7A  }
0x23: {  	s9 =	sor.u32 $0xD0000000, s2;
	s6 =	simm.s32 $0x108;
	_ =	swait.ge @!p0 [sflag:s8], $0x0  }
0x24: {  	s3 =	sadd.s32 $0x88, s3;
	s6 =	simm.s32 @!p1 $0x1082;
	[sflag:s4] =	ssyncset.s32 $0xFFFFF086  }
0x25: {  	[simem:s6], [sflag:s4] =	dma.local [hbm:s3], $0xF7A  }
0x26: {  	[smem:$0x3F9F] =	sst s1;
	(tag) =	ssettag s2;
	_ =	strace s9  }
0x27: {  	s1 =	sld [smem:$0x3FAF]  }
0x28: {  	s2 =	sld [smem:$0x3FB0]  }
0x29: {  	s4 =	sld [smem:$0x3FB2]  }
0x2a: {  	p0 =	seq.s32 s5, $0x0;
	s5 =	sld [smem:$0x3FB3]  }
0x2b: {  	s6 =	sld [smem:$0x3FB4]  }
0x2c: {  	s7 =	sld [smem:$0x3FB5]  }
0x2d: {  	s3 =	simm.s32 $0x108;
	s8 =	sld [smem:$0x3FB6]  }
0x2e: {  	s3 =	simm.s32 @!p0 $0x1082;
	s9 =	sld [smem:$0x3FB7]  }
0x2f: {  	lr =	sadd.s32 s0, s3;
	s0 =	sld [smem:$0x3FAE]  }
0x30: {  	s3 =	sld [smem:$0x3FB1]  }
0x31: {  	[smem:$0x3FBA] =	sst s10  }
0x32: {  	s10 =	sld [smem:$0x3FB8];
	_ =	sdelay $0x3  }
0x33: {  	p0 =	seq.s32 s10, $0x1;
	s10 =	sld [smem:$0x3FBA];
	_ =	sdelay $0x3  }
0x34: {  	[smem:$0x3FBA] =	sst s10  }
0x35: {  	s10 =	sld [smem:$0x3FB9];
	_ =	sdelay $0x3  }
0x36: {  	p1 =	seq.s32 s10, $0x1;
	s10 =	sld [smem:$0x3FBA];
	_ =	sdelay $0x3  }
0x37: {  	[smem:$0x3FBA] =	sst s10  }
0x38: {  	s10 =	sld [smem:$0x3FBB]  }
0x39: {  	_ = 	snop;
	(pc) =	sbr.ind lr, $3  }
0x3a: {  	_ = 	snop  }
0x3b: {  	_ = 	snop  }
0x3c: {  	p2 =	seq.s32 s10, $0x1;
	s10 =	sld [smem:$0x3FBA]  }
0x3d: {  	_ =	shalt  }
0x3e: {  	_ =	shalt  }
0x3f: {  	_ =	shalt  }
0x40: {  	_ =	shalt  }
0x41: {  	_ =	shalt  }
0x42: {  	_ =	shalt  }
0x43: {  	_ =	shalt  }
0x44: {  	_ =	shalt  }
0x45: {  	_ =	shalt  }
0x46: {  	_ =	shalt  }
0x47: {  	_ =	shalt  }
0x48: {  	_ =	shalt  }
0x49: {  	_ =	shalt  }
0x4a: {  	_ =	shalt  }
0x4b: {  	_ =	shalt  }
0x4c: {  	_ =	shalt  }
0x4d: {  	_ =	shalt  }
0x4e: {  	_ =	shalt  }
0x4f: {  	_ =	shalt  }
0x50: {  	_ =	shalt  }
0x51: {  	_ =	shalt  }
0x52: {  	_ =	shalt  }
0x53: {  	_ =	shalt  }
0x54: {  	_ =	shalt  }
0x55: {  	_ =	shalt  }
0x56: {  	_ =	shalt  }
0x57: {  	_ =	shalt  }
0x58: {  	_ =	shalt  }
0x59: {  	_ =	shalt  }
0x5a: {  	_ =	shalt  }
0x5b: {  	_ =	shalt  }
0x5c: {  	_ =	shalt  }
0x5d: {  	_ =	shalt  }
0x5e: {  	_ =	shalt  }
0x5f: {  	_ =	shalt  }
0x60: {  	_ =	shalt  }
0x61: {  	_ =	shalt  }
0x62: {  	_ =	shalt  }
0x63: {  	_ =	shalt  }
0x64: {  	_ =	shalt  }
0x65: {  	_ =	shalt  }
0x66: {  	_ =	shalt  }
0x67: {  	_ =	shalt  }
0x68: {  	_ =	shalt  }
0x69: {  	_ =	shalt  }
0x6a: {  	_ =	shalt  }
0x6b: {  	_ =	shalt  }
0x6c: {  	_ =	shalt  }
0x6d: {  	_ =	shalt  }
0x6e: {  	_ =	shalt  }
0x6f: {  	_ =	shalt  }
0x70: {  	_ =	shalt  }
0x71: {  	_ =	shalt  }
0x72: {  	_ =	shalt  }
0x73: {  	_ =	shalt  }
0x74: {  	_ =	shalt  }
0x75: {  	_ =	shalt  }
0x76: {  	_ =	shalt  }
0x77: {  	_ =	shalt  }
0x78: {  	_ =	shalt  }
0x79: {  	_ =	shalt  }
0x7a: {  	_ =	shalt  }
0x7b: {  	_ =	shalt  }
0x7c: {  	_ =	shalt  }
0x7d: {  	_ =	shalt  }
0x7e: {  	_ =	shalt  }
0x7f: {  	_ =	shalt  }
0x80: {  	_ =	shalt  }
0x81: {  	_ =	shalt  }
0x82: {  	_ =	shalt  }
0x83: {  	_ =	shalt  }
0x84: {  	_ =	shalt  }
0x85: {  	_ =	shalt  }
0x86: {  	_ =	shalt  }
0x87: {  	_ =	shalt  }
.Lfunc_end0:
.L_simem_size_0:
called_computation_lowered:
.L_overlay_start_0:
0x88: {  	s2 =	sld [smem:$0x3FD9]  }
0x89: {  	s3 =	sld [smem:$0x3FFE];
	_ =	sdelay $0x1  }
0x8a: {  	s1 =	srdreg.scid  }
0x8b: {  	s0 =	sand.u32 $0x1, s1  }
0x8c: {  	s18 =	sshll.u32 s0, $0xA;
	s2 =	sadd.s32 s3, s2  }
0x8d: {  	s2 =	sadd.s32 s2, s18  }
0x8e: {  	[smem:$0x3FC6] =	sst s2  }
0x8f: {  	_ = 	snop  }
0x90: {  	s2 =	sld [smem:$0x3FC9]  }
0x91: {  	s19 =	sld [smem:$0x3FC8]  }
0x92: {  	s4 =	sld [smem:$0x3FD0];
	(tm) =	ssettm $0x1  }
0x93: {  	s5 =	sld [smem:$0x3FFB];
	_ =	sdelay $0x3  }
0x94: {  	_ =	strace s5  }
0x95: {  	s5 =	sld [smem:$0x3FFC];
	_ =	sdelay $0x3  }
0x96: {  	_ =	strace s5  }
0x97: {  	s5 =	sld [smem:$0x3FFD];
	_ =	sdelay $0x3  }
0x98: {  	_ =	strace s5  }
0x99: {  	_ =	strace $0x8FFFFFFF  }
0x9a: {  	s20 =	sld [smem:$0x3FDB];
	_ =	sdelay $0x1  }
0x9b: {  	s6 =	simm.s32 $_scs_section_size  }
0x9c: {  	s7 =	simm.s32 $_size__tile_overlayer_lowered;
	s8 =	simm.s32 $_tile_overlayer_lowered  }
0x9d: {  	s23 =	simm.s32 $0x1BFF;
	s22 =	sshll.u32 s8, $0x1;
	s5 =	sadd.s32 s6, s20  }
0x9e: {  	s9 =	simm.s32 $0x0;
	s21 =	sshll.u32 s7, $0x1;
	s7 =	sadd.s32 s22, s5  }
0x9f: {  	[timem:s9], [sflag:s23] =	dma.local [hbm:s7], s21  }
0xa0: {  	_ =	swait.ge [sflag:s23], s21  }
0xa1: {  	s6 =	ssub.s32 $0x0, s21;
	[sflag:s23] =	ssyncset.done $0x0  }
0xa2: {  	[sflag:s23] =	ssyncadd.s32 s6;
	_ =	sdelay $0x1  }
0xa3: {  	s24 =	simm.s32 $0x1B8B  }
0xa4: {  	_ =	swait.ge [sflag:s24], $0x1  }
0xa5: {  	[sflag:s24] =	ssyncset.done $0x0  }
0xa6: {  	s25 =	simm.s32 $0x1B8E;
	[sflag:s24] =	ssyncadd.s32 $0xFFFFFFFF  }
0xa7: {  	s26 =	simm.s32 $execute0_lowered;
	[smem:$0x3FD2] =	sst s25  }
0xa8: {  	s6 =	sshll.u32 s26, $0x1;
	_ =	strace $0x80000046;
	[dreg:$0x1] =	wrdreg $0xFFFFFFFF  }
0xa9: {  	s28 =	simm.s32 $_size_execute0_lowered;
	s5 =	sadd.s32 s5, s6;
	[dreg:$0x0] =	wrdreg $0x0  }
0xaa: {  	s6 =	sshll.u32 s28, $0x1;
	[dreg:$0x2] =	wrdreg s5  }
0xab: {  	[dreg:$0x3] =	wrdreg s6  }
0xac: {  	[dreg:$0x4] =	wrdreg $0xC0  }
0xad: {  	_ =	task [dreg:s9], $0x5FFFF  }
0xae: {  	[dreg:$0x1] =	wrdreg $0xFFFFFFFF  }
0xaf: {  	[dreg:$0x0] =	wrdreg $0x60  }
0xb0: {  	[dreg:$0x2] =	wrdreg s19  }
0xb1: {  	[dreg:$0x3] =	wrdreg s2  }
0xb2: {  	[dreg:$0x4] =	wrdreg s4  }
0xb3: {  	[dreg:$0x5] =	wrdreg $0x9  }
0xb4: {  	_ =	task.clear_ibuf [dreg:s9], $0x6FFFF;
	_ =	strace $0x90000046  }
0xb5: {  	s29 =	simm.s32 $0x9;
	_ =	strace $0x80000048  }
0xb6: {  	_ =	swait.ge [sflag:s29], $0x1  }
0xb7: {  	[sflag:s29] =	ssyncadd.s32 $0xFFFFFFFF  }
0xb8: {  	_ =	strace $0x90000048  }
0xb9: {  	_ =	sfence  }
0xba: {  	s30 =	sld [smem:$0x0];
	_ =	sdelay $0x2  }
0xbb: {  	s31 =	sshll.u32 s1, $0xD;
	s1 =	sshrl.u32 s1, $0x2  }
0xbc: {  	s3 =	sand.u32 $0x4000, s31;
	s1 =	sadd.s32 s1, s30  }
0xbd: {  	s0 =	sor.u32 s3, s0;
	s1 =	sshll.u32 s1, $0x11  }
0xbe: {  	s0 =	sor.u32 s1, s0  }
0xbf: {  	s0 =	sadd.s32 $0x8F2B, s0  }
0xc0: {  	[sflag:s0] =	ssyncadd.remote.s32 $0x1  }
0xc1: {  	_ =	sfence.sel $0xFFFF  }
0xc2: {  	[dreg:$0x0] =	wrdreg $0xFFFFFFFF;
	(pc) =	sbr.abs _section_cstart, $3  }
0xc3: {  	[dreg:$0x1] =	wrdreg $0xFFFFFFFF  }
0xc4: {  	_ =	task.clear_ibuf [dreg:s9], $0x2FFFF;
	_ =	strace $0x9FFFFFFF  }
0xc5: {  	(tm) =	ssettm $0x7FFFFFFF  }
tec
execute0_lowered:
.L_overlay_start_1:
0x0: {  	(tag) =	ssettag $0x1  }
0x1: {  	v0 =	vimm.s32 $0xFEDCBA9  }
0x2: {  	v2 =	vimm.s32 $0x87654321;
	v3 =	vimm.s32 $0x98765432;
	v4 =	vimm.s32 $0x210FEDCB  }
0x3: {  	v5 =	vimm.s32 $0xA9876543;
	v15 =	vimm.s32 $0xCBA98765;
	v17 =	vimm.s32 $0x6543210F  }
0x4: {  	v18 =	vimm.s32 $0xEDCBA987;
	v19 =	vimm.s32 $0xFEDCBA98;
	v20 =	vimm.s32 $0x76543210  }
0x5: {  	v1 =	vunpack.c.l.s4.s8 v0;
	v0 =	vlaneseq.u32;
	v3 =	vunpack.c.l.s4.s8 v3  }
0x6: {  	v4 =	vunpack.c.l.s4.s8 v4;
	v17 =	vunpack.c.l.s4.s8 v17;
	v18 =	vunpack.c.l.s4.s8 v18  }
0x7: {  	v19 =	vunpack.c.l.s4.s8 v19;
	v7 =	vunpack.c.0.s8.s32 v1;
	v1 =	vunpack.c.l.s4.s8 v2  }
0x8: {  	v2 =	vimm.s32 $0x10FEDCBA;
	v10 =	vunpack.c.0.s8.s32 v3;
	v11 =	vunpack.c.0.s8.s32 v4  }
0x9: {  	v17 =	vunpack.c.0.s8.s32 v17;
	v18 =	vunpack.c.0.s8.s32 v18;
	v2 =	vunpack.c.l.s4.s8 v2  }
0xa: {  	v19 =	vunpack.c.0.s8.s32 v19;
	v8 =	vunpack.c.0.s8.s32 v1;
	v1 =	vunpack.c.l.s4.s8 v5  }
0xb: {  	v23 =	vcombine.low v18, v17;
	v9 =	vunpack.c.0.s8.s32 v2;
	v2 =	vimm.s32 $0x3210FEDC  }
0xc: {  	v19 =	vand.u32 $0xF, v19;
	v12 =	vunpack.c.0.s8.s32 v1;
	v1 =	vunpack.c.l.s4.s8 v2  }
0xd: {  	v2 =	vimm.s32 $0xBA987654;
	v3 =	vcombine.low v8, v7;
	v63 =	vcombine.low v7, v8  }
0xe: {  	s0 =	rddreg [dreg:$0x0];
	v8 =	vand.u32 $0xF, v23;
	v4 =	vcombine.low v10, v9;
	v2 =	vunpack.c.l.s4.s8 v2  }
0xf: {  	s1 =	rddreg [dreg:$0x1];
	v10 =	vcombine.low v9, v10;
	v5 =	vcombine.low v12, v11;
	v13 =	vunpack.c.0.s8.s32 v1  }
0x10: {  	s2 =	srdreg.scid;
	s4 =	stileid.u32;
	v1 =	vimm.s32 $0x43210FED;
	v11 =	vcombine.low v11, v12;
	v14 =	vunpack.c.0.s8.s32 v2  }
0x11: {  	s3 =	rddreg [dreg:$0x2];
	s6 =	simm.s32 $0x0;
	s9 =	simm.s32 $0x80;
	v6 =	vunpack.c.l.s4.s8 v1;
	v2 =	vand.u32 $0xF, v4;
	v4 =	vunpack.c.l.s4.s8 v15  }
0x12: {  	s10 =	simm.s32 $0x6400;
	s11 =	simm.s32 $0xA400;
	s13 =	simm.s32 $0xE400;
	v9 =	vand.u32 $0xF, v63;
	v1 =	vand.u32 $0xF, v3;
	v10 =	vand.u32 $0xF, v10  }
0x13: {  	s14 =	simm.s32 $0x1;
	s15 =	simm.s32 $0x12400;
	s16 =	simm.s32 $0x16400;
	v3 =	vand.u32 $0xF, v5;
	v15 =	vunpack.c.0.s8.s32 v6;
	v16 =	vunpack.c.0.s8.s32 v4  }
0x14: {  	s17 =	simm.s32 $0x400;
	s18 =	simm.s32 $0x20000;
	s19 =	simm.s32 $0x2;
	v4 =	vimm.s32 $0x543210FE;
	v6 =	vimm.s32 $0xDCBA9876;
	v12 =	vcombine.low v13, v14  }
0x15: {  	s20 =	simm.s32 $0x18400;
	s2 =	sand.u32 $0x1, s2;
	s4 =	sshll.u32 s4, $0x1;
	v11 =	vand.u32 $0xF, v11;
	v4 =	vunpack.c.l.s4.s8 v4;
	v6 =	vunpack.c.l.s4.s8 v6  }
0x16: {  	s21 =	simm.s32 $0x3;
	s4 =	sor.u32 s2, s4;
	s2 =	ssub.s32 $0x2, s2;
	v5 =	vcombine.low v14, v13;
	v13 =	vcombine.low v15, v16;
	v12 =	vand.u32 $0xF, v12  }
0x17: {  	s22 =	simm.s32 $0x1A400;
	s5 =	smul.u32 $0x6400, s4;
	s28 =	sshrl.u32 s2, $0x1;
	v21 =	vunpack.c.0.s8.s32 v4;
	v22 =	vunpack.c.0.s8.s32 v6;
	v6 =	vunpack.c.l.s4.s8 v20  }
0x18: {  	s23 =	simm.s32 $0x4;
	s24 =	simm.s32 $0x1C400;
	s2 =	ssub.s32 s2, s28;
	v4 =	vand.u32 $0xF, v5;
	v5 =	vcombine.low v16, v15;
	v15 =	vcombine.low v17, v18  }
0x19: {  	[smem:$0x7FF] =	sst s6;
	s30 =	sshrl.u32 s5, $0x3;
	s31 =	smax.u32 s2, $0x1;
	v6 =	vunpack.c.0.s8.s32 v6;
	v62 =	vcombine.low v22, v21;
	v14 =	vcombine.low v21, v22  }
0x1a: {  	_ =	strace $0x80000047;
	s1 =	sadd.s32 s1, s30;
	[dreg:$0x5] =	wrdreg s31;
	v13 =	vand.u32 $0xF, v13;
	v5 =	vand.u32 $0xF, v5;
	v15 =	vand.u32 $0xF, v15  }
0x1b: {  	s29 =	simm.s32 $0x8;
	s2 =	simm.s32 $0x0;
	[dreg:$0x4] =	wrdreg s1;
	v6 =	vcombine.low v19, v6;
	v7 =	vand.u32 $0xF, v62;
	v14 =	vand.u32 $0xF, v14  }
.LBB2_1:
0x1c: {  	[dreg:$0x6] =	wrdreg s2  }
0x1d: {  	s1 =	simm.s32 $0x0;
	s26 =	rddreg [dreg:$0x4];
	s28 =	simm.s32 $0x9  }
0x1e: {  	[tilespmem:s1], [sflag:$0x9] =	stream.linear.gather [hbm4b:s26+s1], $0x6400, $0x38;
	[tilespmem:$0x1E400] =	vst v63  }
0x1f: {  	_ =	swait.ge [sflag:s28], $0x6400  }
0x20: {  	[sflag:s28] =	ssyncset.done $0x0  }
0x21: {  	[sflag:s28] =	ssyncadd.s32 $0xFFFF9C00  }
0x22: {  	[tilespmem:s10], [sflag:$0x1] =	stream.indirect.gather [hbm4b:s0+s9], $0x80, s1, s9, $0xb8;
	[tilespmem:$0x1E400] =	vst v63  }
0x23: {  	_ = 	snop  }
0x24: {  	[tilespmem:s11], [sflag:$0x2] =	stream.indirect.gather [hbm4b:s0+s9], $0x80, s9, s9, $0xb8;
	[tilespmem:$0x1E400] =	vst v63  }
0x25: {  	s30 =	simm.s32 $0x100;
	s31 =	simm.s32 $0x0  }
0x26: {  	[tilespmem:s13], [sflag:$0x3] =	stream.indirect.gather [hbm4b:s0+s9], $0x80, s30, s9, $0xb8;
	[tilespmem:$0x1E400] =	vst v63  }
.LBB2_2:
0x27: {  	p0 =	seq.s32 s31, $0x0;
	s1 =	simm.s32 $0x0  }
0x28: {  	s2 =	simm.s32 @!p0 $0x5;
	s4 =	sand.u32 $0x70, s1  }
0x29: {  	s8 =	sand.u32 $0x30, s1;
	_ =	swait.ge @!p0 [sflag:s2], $0x2000;
	v25 =	vor.u32 s4, v0  }
0x2a: {  	v16 =	vor.u32 s8, v0;
	[sflag:s2] =	ssyncset.done @!p0 $0x0;
	v24 =	vshll.u32 v25, $0x7  }
0x2b: {  	s30 =	sshll.u32 s31, $0x2;
	[sflag:s2] =	ssyncadd.s32 @!p0 $0xFFFFE000;
	v17 =	vor.u32 v16, v24  }
0x2c: {  	s1 =	sor.u32 $0x3, s30;
	_ =	swait.ge [sflag:s14], $0x4000  }
0x2d: {  	s2 =	sshll.u32 s1, $0x7;
	[sflag:s14] =	ssyncset.done $0x0  }
0x2e: {  	s1 =	sand.u32 $0x3FFFFF80, s2;
	[sflag:s14] =	ssyncadd.s32 $0xFFFFC000  }
0x2f: {  	v16 =	vshll.u32 v16, $0x7;
	[tilespmem:s15], [sflag:$0x4] =	stream.indirect.gather [hbm4b:s0+s9], $0x80, s1, s9, $0xb8;
	[tilespmem:$0x1E400] =	vst v63  }
0x30: {  	v18 =	vor.u32 s8, v1;
	v16 =	vor.u32 v25, v16;
	v17 =	vld.idx.msk [tilespmem:v17+s10+$0x0], $0xffff  }
0x31: {  	v19 =	vor.u32 v18, v24;
	_ =	sdelay $0x3  }
0x32: {  	[tilespmem:v16+s16+$0x0] =	vst.idx.msk $0xffff, v17;
	v16 =	vshll.u32 v18, $0x7  }
0x33: {  	v17 =	vor.u32 s8, v2;
	v18 =	vld.idx.msk [tilespmem:v19+s10+$0x0], $0xffff;
	v16 =	vor.u32 v25, v16  }
0x34: {  	v19 =	vor.u32 v17, v24;
	_ =	sdelay $0x3  }
0x35: {  	s4 =	simm.s32 $0x4;
	[tilespmem:v16+s16+$0x0] =	vst.idx.msk $0xffff, v18;
	v16 =	vshll.u32 v17, $0x7  }
0x36: {  	s6 =	simm.s32 $0x10;
	s1 =	sand.u32 $0x70, s4;
	v18 =	vor.u32 s8, v3;
	v19 =	vld.idx.msk [tilespmem:v19+s10+$0x0], $0xffff;
	v20 =	vor.u32 v25, v16  }
0x37: {  	s4 =	sand.u32 $0x30, s6;
	v16 =	vor.u32 s1, v0;
	v21 =	vor.u32 v18, v24  }
0x38: {  	v22 =	vor.u32 s4, v0;
	v17 =	vshll.u32 v16, $0x7  }
0x39: {  	v23 =	vor.u32 v22, v17;
	_ =	sdelay $0x1  }
0x3a: {  	v18 =	vshll.u32 v18, $0x7;
	[tilespmem:v20+s16+$0x0] =	vst.idx.msk $0xffff, v19  }
0x3b: {  	v18 =	vor.u32 v25, v18;
	v19 =	vor.u32 s8, v4;
	v20 =	vld.idx.msk [tilespmem:v21+s10+$0x0], $0xffff  }
0x3c: {  	v21 =	vshll.u32 v22, $0x7;
	v22 =	vor.u32 v19, v24  }
0x3d: {  	v26 =	vor.u32 s4, v1;
	v23 =	vld.idx.msk [tilespmem:v23+s10+$0x0], $0xffff;
	v21 =	vor.u32 v16, v21  }
0x3e: {  	v27 =	vor.u32 v26, v17;
	_ =	sdelay $0x1  }
0x3f: {  	[tilespmem:v18+s16+$0x0] =	vst.idx.msk $0xffff, v20;
	v18 =	vshll.u32 v19, $0x7  }
0x40: {  	v19 =	vor.u32 s8, v5;
	v20 =	vld.idx.msk [tilespmem:v22+s10+$0x0], $0xffff;
	v18 =	vor.u32 v25, v18  }
0x41: {  	[tilespmem:v21+s16+$0x0] =	vst.idx.msk $0xffff, v23;
	v21 =	vshll.u32 v26, $0x7;
	v22 =	vor.u32 v19, v24  }
0x42: {  	v23 =	vor.u32 s4, v2;
	v26 =	vld.idx.msk [tilespmem:v27+s10+$0x0], $0xffff;
	v21 =	vor.u32 v16, v21  }
0x43: {  	v27 =	vor.u32 v23, v17;
	_ =	sdelay $0x1  }
0x44: {  	[tilespmem:v18+s16+$0x0] =	vst.idx.msk $0xffff, v20;
	v18 =	vshll.u32 v19, $0x7  }
0x45: {  	s7 =	simm.s32 $0x8;
	v20 =	vor.u32 s8, v7;
	v22 =	vld.idx.msk [tilespmem:v22+s10+$0x0], $0xffff;
	v28 =	vor.u32 v25, v18  }
0x46: {  	s7 =	sand.u32 $0x70, s7;
	s6 =	simm.s32 $0x20;
	[tilespmem:v21+s16+$0x0] =	vst.idx.msk $0xffff, v26;
	v18 =	vshll.u32 v23, $0x7;
	v21 =	vor.u32 v20, v24  }
0x47: {  	s1 =	sand.u32 $0x30, s6;
	v23 =	vor.u32 s4, v3;
	v26 =	vld.idx.msk [tilespmem:v27+s10+$0x0], $0xffff;
	v27 =	vor.u32 v16, v18;
	v18 =	vor.u32 s7, v0  }
0x48: {  	v29 =	vor.u32 s1, v0;
	v30 =	vor.u32 v23, v17;
	v19 =	vshll.u32 v18, $0x7  }
0x49: {  	v31 =	vor.u32 v29, v19  }
0x4a: {  	v20 =	vshll.u32 v20, $0x7;
	[tilespmem:v28+s16+$0x0] =	vst.idx.msk $0xffff, v22  }
0x4b: {  	v20 =	vor.u32 v25, v20;
	v22 =	vor.u32 s8, v8;
	v21 =	vld.idx.msk [tilespmem:v21+s10+$0x0], $0xffff  }
0x4c: {  	v23 =	vshll.u32 v23, $0x7;
	[tilespmem:v27+s16+$0x0] =	vst.idx.msk $0xffff, v26;
	v26 =	vor.u32 v22, v24  }
0x4d: {  	v23 =	vor.u32 v16, v23;
	v29 =	vshll.u32 v29, $0x7;
	v27 =	vor.u32 s4, v4;
	v28 =	vld.idx.msk [tilespmem:v30+s10+$0x0], $0xffff  }
0x4e: {  	v29 =	vor.u32 v18, v29;
	v30 =	vor.u32 s1, v1;
	v32 =	vor.u32 v27, v17;
	v31 =	vld.idx.msk [tilespmem:v31+s10+$0x0], $0xffff  }
0x4f: {  	v33 =	vor.u32 v30, v19  }
0x50: {  	[tilespmem:v20+s16+$0x0] =	vst.idx.msk $0xffff, v21;
	v20 =	vshll.u32 v22, $0x7  }
0x51: {  	v22 =	vor.u32 s8, v6;
	v21 =	vld.idx.msk [tilespmem:v26+s10+$0x0], $0xffff;
	v20 =	vor.u32 v25, v20  }
0x52: {  	[tilespmem:v23+s16+$0x0] =	vst.idx.msk $0xffff, v28;
	v23 =	vshll.u32 v27, $0x7;
	v26 =	vor.u32 v22, v24  }
0x53: {  	v27 =	vor.u32 s4, v5;
	v28 =	vld.idx.msk [tilespmem:v32+s10+$0x0], $0xffff;
	[tilespmem:v29+s16+$0x0] =	vst.idx.msk $0xffff, v31;
	v29 =	vshll.u32 v30, $0x7;
	v23 =	vor.u32 v16, v23  }
0x54: {  	v30 =	vor.u32 s1, v2;
	v39 =	vor.u32 v27, v17;
	v31 =	vld.idx.msk [tilespmem:v33+s10+$0x0], $0xffff;
	v29 =	vor.u32 v18, v29  }
0x55: {  	v40 =	vor.u32 v30, v19  }
0x56: {  	[tilespmem:v20+s16+$0x0] =	vst.idx.msk $0xffff, v21;
	v20 =	vshll.u32 v22, $0x7  }
0x57: {  	v34 =	vor.u32 s8, v9;
	v22 =	vld.idx.msk [tilespmem:v26+s10+$0x0], $0xffff;
	v26 =	vor.u32 v25, v20  }
0x58: {  	[tilespmem:v23+s16+$0x0] =	vst.idx.msk $0xffff, v28;
	v20 =	vshll.u32 v27, $0x7;
	v27 =	vor.u32 v34, v24  }
0x59: {  	s12 =	simm.s32 $0xC;
	s25 =	simm.s32 $0x30;
	v21 =	vshll.u32 v30, $0x7;
	v23 =	vor.u32 s4, v7;
	v32 =	vld.idx.msk [tilespmem:v39+s10+$0x0], $0xffff;
	[tilespmem:v29+s16+$0x0] =	vst.idx.msk $0xffff, v31;
	v29 =	vor.u32 v16, v20  }
0x5a: {  	s12 =	sand.u32 $0x70, s12;
	s6 =	sand.u32 $0x30, s25;
	v41 =	vor.u32 v18, v21;
	v31 =	vor.u32 v23, v17;
	v30 =	vld.idx.msk [tilespmem:v40+s10+$0x0], $0xffff  }
0x5b: {  	v35 =	vor.u32 s6, v0;
	v28 =	vor.u32 s1, v3;
	v20 =	vor.u32 s12, v0  }
0x5c: {  	v36 =	vor.u32 v28, v19;
	v21 =	vshll.u32 v20, $0x7;
	[tilespmem:v26+s16+$0x0] =	vst.idx.msk $0xffff, v22;
	v22 =	vshll.u32 v34, $0x7  }
0x5d: {  	v42 =	vor.u32 s8, v10;
	v26 =	vor.u32 v35, v21;
	v27 =	vld.idx.msk [tilespmem:v27+s10+$0x0], $0xffff;
	v22 =	vor.u32 v25, v22  }
0x5e: {  	v23 =	vshll.u32 v23, $0x7;
	[tilespmem:v29+s16+$0x0] =	vst.idx.msk $0xffff, v32;
	v29 =	vor.u32 v42, v24  }
0x5f: {  	v23 =	vor.u32 v16, v23;
	v31 =	vld.idx.msk [tilespmem:v31+s10+$0x0], $0xffff;
	[tilespmem:v41+s16+$0x0] =	vst.idx.msk $0xffff, v30;
	v30 =	vor.u32 s4, v8  }
0x60: {  	v43 =	vor.u32 s1, v4;
	v28 =	vshll.u32 v28, $0x7;
	v44 =	vor.u32 v30, v17  }
0x61: {  	v38 =	vor.u32 v43, v19;
	v28 =	vor.u32 v18, v28;
	v35 =	vshll.u32 v35, $0x7;
	v33 =	vld.idx.msk [tilespmem:v36+s10+$0x0], $0xffff  }
0x62: {  	v37 =	vor.u32 s6, v1;
	v26 =	vld.idx.msk [tilespmem:v26+s10+$0x0], $0xffff;
	[tilespmem:v22+s16+$0x0] =	vst.idx.msk $0xffff, v27;
	v22 =	vor.u32 v20, v35;
	v27 =	vshll.u32 v42, $0x7  }
0x63: {  	v46 =	vor.u32 s8, v11;
	v45 =	vor.u32 v37, v21;
	v29 =	vld.idx.msk [tilespmem:v29+s10+$0x0], $0xffff;
	v27 =	vor.u32 v25, v27  }
0x64: {  	v51 =	vor.u32 s8, v12;
	[tilespmem:v23+s16+$0x0] =	vst.idx.msk $0xffff, v31;
	v23 =	vshll.u32 v30, $0x7;
	v30 =	vor.u32 v46, v24  }
0x65: {  	v52 =	vor.u32 s8, v13;
	v47 =	vor.u32 s4, v6;
	v31 =	vld.idx.msk [tilespmem:v44+s10+$0x0], $0xffff;
	v23 =	vor.u32 v16, v23  }
0x66: {  	v59 =	vor.u32 v52, v24;
	v48 =	vor.u32 v47, v17;
	v32 =	vshll.u32 v43, $0x7;
	[tilespmem:v28+s16+$0x0] =	vst.idx.msk $0xffff, v33  }
0x67: {  	v62 =	vor.u32 s8, v14;
	v28 =	vor.u32 s1, v5;
	v38 =	vld.idx.msk [tilespmem:v38+s10+$0x0], $0xffff;
	[tilespmem:v22+s16+$0x0] =	vst.idx.msk $0xffff, v26;
	v26 =	vor.u32 v18, v32  }
0x68: {  	v53 =	vor.u32 s4, v9;
	v50 =	vor.u32 v28, v19;
	v22 =	vshll.u32 v37, $0x7;
	v49 =	vld.idx.msk [tilespmem:v45+s10+$0x0], $0xffff;
	[tilespmem:v27+s16+$0x0] =	vst.idx.msk $0xffff, v29  }
0x69: {  	v39 =	vor.u32 s6, v2;
	v22 =	vor.u32 v20, v22;
	v29 =	vshll.u32 v46, $0x7;
	v27 =	vld.idx.msk [tilespmem:v30+s10+$0x0], $0xffff  }
0x6a: {  	v30 =	vor.u32 v39, v21;
	[tilespmem:v23+s16+$0x0] =	vst.idx.msk $0xffff, v31;
	v23 =	vor.u32 v25, v29;
	v29 =	vshll.u32 v47, $0x7  }
0x6b: {  	v57 =	vshll.u32 v53, $0x7;
	v31 =	vor.u32 v51, v24;
	v33 =	vld.idx.msk [tilespmem:v48+s10+$0x0], $0xffff;
	v29 =	vor.u32 v16, v29  }
0x6c: {  	v63 =	vor.u32 s1, v8;
	v54 =	vor.u32 v53, v17;
	v28 =	vshll.u32 v28, $0x7;
	[tilespmem:v26+s16+$0x0] =	vst.idx.msk $0xffff, v38  }
0x6d: {  	s28 =	simm.s32 $0x10;
	v40 =	vor.u32 s6, v3;
	v28 =	vor.u32 v18, v28;
	v26 =	vor.u32 s1, v7;
	v34 =	vld.idx.msk [tilespmem:v50+s10+$0x0], $0xffff  }
0x6e: {  	s12 =	sand.u32 $0x70, s28;
	v42 =	vor.u32 s4, v10;
	[tilespmem:v22+s16+$0x0] =	vst.idx.msk $0xffff, v49;
	v22 =	vshll.u32 v39, $0x7;
	v55 =	vor.u32 v26, v19  }
0x6f: {  	s26 =	simm.s32 $0x40;
	v30 =	vld.idx.msk [tilespmem:v30+s10+$0x0], $0xffff;
	v41 =	vor.u32 v20, v22;
	[tilespmem:v23+s16+$0x0] =	vst.idx.msk $0xffff, v27;
	v23 =	vshll.u32 v51, $0x7;
	v22 =	vor.u32 s12, v0  }
0x70: {  	s7 =	sand.u32 $0x30, s26;
	v27 =	vor.u32 v40, v21;
	v31 =	vld.idx.msk [tilespmem:v31+s10+$0x0], $0xffff;
	[tilespmem:v29+s16+$0x0] =	vst.idx.msk $0xffff, v33;
	v29 =	vor.u32 v25, v23  }
0x71: {  	v56 =	vor.u32 s7, v0;
	v61 =	vor.u32 v42, v17;
	v23 =	vshll.u32 v22, $0x7  }
0x72: {  	v58 =	vld.idx.msk [tilespmem:v54+s10+$0x0], $0xffff;
	v60 =	vor.u32 v56, v23;
	[tilespmem:v28+s16+$0x0] =	vst.idx.msk $0xffff, v34;
	v28 =	vor.u32 v16, v57  }
0x73: {  	v44 =	vor.u32 v63, v19;
	v26 =	vshll.u32 v26, $0x7;
	v49 =	vor.u32 v62, v24  }
0x74: {  	v43 =	vor.u32 s7, v1;
	v26 =	vor.u32 v18, v26;
	v40 =	vshll.u32 v40, $0x7;
	v32 =	vld.idx.msk [tilespmem:v55+s10+$0x0], $0xffff;
	[tilespmem:v41+s16+$0x0] =	vst.idx.msk $0xffff, v30  }
0x75: {  	v47 =	vshll.u32 v56, $0x7;
	v27 =	vld.idx.msk [tilespmem:v27+s10+$0x0], $0xffff;
	[tilespmem:v29+s16+$0x0] =	vst.idx.msk $0xffff, v31;
	v29 =	vor.u32 v20, v40;
	v31 =	vshll.u32 v52, $0x7  }
0x76: {  	v56 =	vor.u32 s8, v15;
	v30 =	vor.u32 s6, v4;
	v37 =	vld.idx.msk [tilespmem:v59+s10+$0x0], $0xffff;
	v31 =	vor.u32 v25, v31  }
0x77: {  	v48 =	vor.u32 v30, v21;
	v38 =	vld.idx.msk [tilespmem:v60+s10+$0x0], $0xffff;
	[tilespmem:v28+s16+$0x0] =	vst.idx.msk $0xffff, v58;
	v28 =	vor.u32 v22, v47  }
0x78: {  	v50 =	vshll.u32 v42, $0x7;
	v51 =	vor.u32 v43, v23;
	v24 =	vor.u32 v56, v24  }
0x79: {  	v52 =	vor.u32 s4, v11;
	v30 =	vshll.u32 v30, $0x7;
	v33 =	vld.idx.msk [tilespmem:v61+s10+$0x0], $0xffff;
	[tilespmem:v26+s16+$0x0] =	vst.idx.msk $0xffff, v32;
	v26 =	vor.u32 v16, v50  }
0x7a: {  	v53 =	vshll.u32 v63, $0x7;
	v54 =	vor.u32 v52, v17;
	v30 =	vor.u32 v20, v30;
	[tilespmem:v29+s16+$0x0] =	vst.idx.msk $0xffff, v27  }
0x7b: {  	v45 =	vor.u32 s6, v5;
	v55 =	vld.idx.msk [tilespmem:v44+s10+$0x0], $0xffff;
	v27 =	vor.u32 v18, v53;
	v29 =	vor.u32 s1, v6;
	[tilespmem:v31+s16+$0x0] =	vst.idx.msk $0xffff, v37  }
0x7c: {  	v34 =	vor.u32 s6, v7;
	v57 =	vld.idx.msk [tilespmem:v48+s10+$0x0], $0xffff;
	v58 =	vor.u32 v29, v19;
	[tilespmem:v28+s16+$0x0] =	vst.idx.msk $0xffff, v38;
	v28 =	vshll.u32 v62, $0x7  }
0x7d: {  	v60 =	vshll.u32 v43, $0x7;
	v61 =	vor.u32 v45, v21;
	v59 =	vld.idx.msk [tilespmem:v49+s10+$0x0], $0xffff;
	v62 =	vor.u32 v25, v28  }
0x7e: {  	v31 =	vor.u32 s7, v2;
	v40 =	vld.idx.msk [tilespmem:v51+s10+$0x0], $0xffff;
	[tilespmem:v26+s16+$0x0] =	vst.idx.msk $0xffff, v33;
	v26 =	vor.u32 v22, v60;
	v28 =	vshll.u32 v52, $0x7  }
0x7f: {  	v48 =	vor.u32 s4, v12;
	v46 =	vor.u32 v31, v23;
	v63 =	vld.idx.msk [tilespmem:v54+s10+$0x0], $0xffff;
	v47 =	vor.u32 v16, v28  }
0x80: {  	v39 =	vor.u32 v34, v21;
	v49 =	vor.u32 v48, v17;
	[tilespmem:v27+s16+$0x0] =	vst.idx.msk $0xffff, v55;
	v27 =	vshll.u32 v29, $0x7  }
0x81: {  	s30 =	simm.s32 $0x50;
	v29 =	vld.idx.msk [tilespmem:v58+s10+$0x0], $0xffff;
	[tilespmem:v30+s16+$0x0] =	vst.idx.msk $0xffff, v57;
	v32 =	vor.u32 v18, v27;
	v30 =	vor.u32 s1, v9  }
0x82: {  	s8 =	sand.u32 $0x30, s30;
	v27 =	vshll.u32 v45, $0x7;
	v35 =	vld.idx.msk [tilespmem:v61+s10+$0x0], $0xffff;
	v33 =	vor.u32 v30, v19;
	[tilespmem:v62+s16+$0x0] =	vst.idx.msk $0xffff, v59  }
0x83: {  	v42 =	vor.u32 s8, v0;
	v36 =	vor.u32 v20, v27;
	v27 =	vshll.u32 v56, $0x7;
	[tilespmem:v26+s16+$0x0] =	vst.idx.msk $0xffff, v40;
	v24 =	vld.idx.msk [tilespmem:v24+s10+$0x0], $0xffff  }
0x84: {  	s12 =	simm.s32 $0x14;
	v37 =	vor.u32 s7, v3;
	v25 =	vor.u32 v25, v27;
	v26 =	vshll.u32 v31, $0x7;
	v40 =	vld.idx.msk [tilespmem:v46+s10+$0x0], $0xffff;
	[tilespmem:v47+s16+$0x0] =	vst.idx.msk $0xffff, v63  }
0x85: {  	s25 =	simm.s32 $0x60;
	s26 =	sand.u32 $0x70, s12;
	v38 =	vshll.u32 v48, $0x7;
	v28 =	vor.u32 s4, v13;
	v41 =	vor.u32 v22, v26;
	v31 =	vld.idx.msk [tilespmem:v49+s10+$0x0], $0xffff  }
.LBB2_3:
0x86: {  	p1 =	sne.s32 s25, $0x1F0;
	v26 =	vor.u32 s26, v0;
	v27 =	vor.u32 v37, v23;
	[tilespmem:v32+s16+$0x0] =	vst.idx.msk $0xffff, v29;
	v29 =	vor.u32 v16, v38  }
0x87: {  	v30 =	vshll.u32 v30, $0x7;
	v43 =	vmovc v20;
	v20 =	vmovc v22;
	v38 =	vshll.u32 v26, $0x7;
	v32 =	vld.idx.msk [tilespmem:v33+s10+$0x0], $0xffff;
	v33 =	vor.u32 v28, v17  }
0x88: {  	v30 =	vor.u32 v18, v30;
	v44 =	vor.u32 v42, v38;
	[tilespmem:v36+s16+$0x0] =	vst.idx.msk $0xffff, v35;
	v35 =	vor.u32 s1, v10  }
0x89: {  	v45 =	vshll.u32 v34, $0x7;
	v36 =	vld.idx.msk [tilespmem:v39+s10+$0x0], $0xffff;
	v34 =	vor.u32 v35, v19;
	v39 =	vor.u32 s4, v14;
	[tilespmem:v25+s16+$0x0] =	vst.idx.msk $0xffff, v24  }
0x8a: {  	v22 =	vmovc v26;
	v24 =	vor.u32 s7, v4;
	v25 =	vor.u32 v43, v45;
	[tilespmem:v41+s16+$0x0] =	vst.idx.msk $0xffff, v40;
	v40 =	vor.u32 s6, v8  }
0x8b: {  	v37 =	vshll.u32 v37, $0x7;
	v26 =	vor.u32 s8, v1;
	v27 =	vld.idx.msk [tilespmem:v27+s10+$0x0], $0xffff;
	v41 =	vor.u32 v40, v21;
	[tilespmem:v29+s16+$0x0] =	vst.idx.msk $0xffff, v31  }
0x8c: {  	v28 =	vshll.u32 v28, $0x7;
	v29 =	vshll.u32 v42, $0x7;
	v31 =	vor.u32 v20, v37;
	v33 =	vld.idx.msk [tilespmem:v33+s10+$0x0], $0xffff  }
0x8d: {  	v28 =	vor.u32 v16, v28;
	v42 =	vor.u32 v24, v23;
	v37 =	vld.idx.msk [tilespmem:v44+s10+$0x0], $0xffff;
	[tilespmem:v30+s16+$0x0] =	vst.idx.msk $0xffff, v32  }
0x8e: {  	v29 =	vor.u32 v22, v29;
	v32 =	vshll.u32 v35, $0x7;
	v30 =	vld.idx.msk [tilespmem:v34+s10+$0x0], $0xffff;
	v34 =	vor.u32 v39, v17  }
0x8f: {  	v35 =	vor.u32 v26, v38;
	[tilespmem:v25+s16+$0x0] =	vst.idx.msk $0xffff, v36;
	v25 =	vor.u32 v18, v32;
	v32 =	vor.u32 s1, v11  }
0x90: {  	v40 =	vshll.u32 v40, $0x7;
	v44 =	vor.u32 s4, v15;
	s4 =	smov.u32 s1;
	s1 =	smov.u32 s6;
	s6 =	smov.u32 s7;
	v36 =	vld.idx.msk [tilespmem:v41+s10+$0x0], $0xffff;
	v41 =	vor.u32 v32, v19  }
0x91: {  	s7 =	smov.u32 s8;
	[tilespmem:v31+s16+$0x0] =	vst.idx.msk $0xffff, v27;
	v27 =	vor.u32 s6, v5;
	v31 =	vor.u32 v43, v40;
	v40 =	vor.u32 s1, v6  }
0x92: {  	v24 =	vshll.u32 v24, $0x7;
	v45 =	vor.u32 s7, v2;
	v42 =	vld.idx.msk [tilespmem:v42+s10+$0x0], $0xffff;
	v46 =	vor.u32 v40, v21;
	[tilespmem:v28+s16+$0x0] =	vst.idx.msk $0xffff, v33  }
0x93: {  	v24 =	vor.u32 v20, v24;
	v26 =	vshll.u32 v26, $0x7;
	v28 =	vshll.u32 v39, $0x7;
	[tilespmem:v29+s16+$0x0] =	vst.idx.msk $0xffff, v37;
	v47 =	vld.idx.msk [tilespmem:v34+s10+$0x0], $0xffff  }
0x94: {  	v33 =	vor.u32 v27, v23;
	v39 =	vld.idx.msk [tilespmem:v35+s10+$0x0], $0xffff;
	[tilespmem:v25+s16+$0x0] =	vst.idx.msk $0xffff, v30;
	v25 =	vor.u32 v16, v28  }
0x95: {  	v26 =	vor.u32 v22, v26;
	v48 =	vor.u32 v44, v17;
	v17 =	vmovc v19;
	v28 =	vshll.u32 v32, $0x7;
	v41 =	vld.idx.msk [tilespmem:v41+s10+$0x0], $0xffff  }
0x96: {  	v50 =	vor.u32 s4, v12;
	v49 =	vor.u32 v45, v38;
	[tilespmem:v31+s16+$0x0] =	vst.idx.msk $0xffff, v36;
	v31 =	vor.u32 v18, v28  }
0x97: {  	v19 =	vmovc v21;
	v21 =	vmovc v23;
	v30 =	vshll.u32 v40, $0x7;
	v28 =	vor.u32 s4, v13;
	v29 =	vld.idx.msk [tilespmem:v46+s10+$0x0], $0xffff;
	v46 =	vor.u32 v50, v17  }
.Ltmp0:
0x98: {  	v23 =	vmovc v38;
	v34 =	vor.u32 s6, v7;
	v32 =	vor.u32 v43, v30;
	v30 =	vor.u32 s1, v9;
	[tilespmem:v24+s16+$0x0] =	vst.idx.msk $0xffff, v42;
	(pc) =	sbr.rel @p1 .LBB2_3-.Ltmp0, $4  }
0x99: {  	v37 =	vor.u32 s7, v3;
	v24 =	vshll.u32 v27, $0x7;
	v35 =	vld.idx.msk [tilespmem:v33+s10+$0x0], $0xffff;
	v33 =	vor.u32 v30, v19;
	[tilespmem:v25+s16+$0x0] =	vst.idx.msk $0xffff, v47  }
0x9a: {  	v36 =	vor.u32 v20, v24;
	v25 =	vshll.u32 v44, $0x7;
	[tilespmem:v26+s16+$0x0] =	vst.idx.msk $0xffff, v39;
	v26 =	vshll.u32 v45, $0x7;
	v24 =	vld.idx.msk [tilespmem:v48+s10+$0x0], $0xffff  }
0x9b: {  	s12 =	sadd.s32 $0x4, s12;
	s8 =	sand.u32 $0x30, s25;
	v39 =	vor.u32 v34, v21;
	v25 =	vor.u32 v16, v25;
	v40 =	vld.idx.msk [tilespmem:v49+s10+$0x0], $0xffff;
	[tilespmem:v31+s16+$0x0] =	vst.idx.msk $0xffff, v41  }
0x9c: {  	s26 =	sand.u32 $0x70, s12;
	s25 =	sadd.s32 $0x10, s25;
	v38 =	vshll.u32 v50, $0x7;
	v42 =	vor.u32 s8, v0;
	v16 =	vmovc v18;
	v18 =	vmovc v43;
	v41 =	vor.u32 v22, v26;
	v31 =	vld.idx.msk [tilespmem:v46+s10+$0x0], $0xffff  }
0x9d: {  	v26 =	vor.u32 s26, v0  }
0x9e: {  	v27 =	vshll.u32 v26, $0x7  }
0x9f: {  	v43 =	vor.u32 v42, v27;
	_ =	sdelay $0x3  }
0xa0: {  	v62 =	vshll.u32 v42, $0x7  }
0xa1: {  	v44 =	vor.u32 s8, v1;
	v42 =	vor.u32 v26, v62;
	v43 =	vld.idx.msk [tilespmem:v43+s10+$0x0], $0xffff  }
0xa2: {  	v45 =	vor.u32 v44, v27;
	_ =	sdelay $0x3  }
0xa3: {  	v63 =	vshll.u32 v44, $0x7;
	[tilespmem:v42+s16+$0x0] =	vst.idx.msk $0xffff, v43  }
0xa4: {  	v48 =	vor.u32 s8, v2;
	v42 =	vor.u32 v26, v63;
	v49 =	vld.idx.msk [tilespmem:v45+s10+$0x0], $0xffff  }
0xa5: {  	v50 =	vor.u32 v48, v27;
	_ =	sdelay $0x3  }
0xa6: {  	v51 =	vshll.u32 v48, $0x7;
	[tilespmem:v42+s16+$0x0] =	vst.idx.msk $0xffff, v49  }
0xa7: {  	v52 =	vor.u32 v37, v23;
	v53 =	vor.u32 s8, v3;
	v42 =	vor.u32 v26, v51;
	v45 =	vld.idx.msk [tilespmem:v50+s10+$0x0], $0xffff  }
0xa8: {  	v46 =	vor.u32 v53, v27;
	_ =	sdelay $0x2  }
0xa9: {  	v54 =	vshll.u32 v37, $0x7;
	[tilespmem:v41+s16+$0x0] =	vst.idx.msk $0xffff, v40  }
0xaa: {  	v55 =	vor.u32 s7, v4;
	v37 =	vor.u32 v22, v54;
	v56 =	vshll.u32 v53, $0x7;
	v41 =	vld.idx.msk [tilespmem:v52+s10+$0x0], $0xffff;
	[tilespmem:v42+s16+$0x0] =	vst.idx.msk $0xffff, v45  }
0xab: {  	v58 =	vor.u32 s8, v4;
	v57 =	vor.u32 v55, v23;
	v42 =	vor.u32 v26, v56;
	v45 =	vld.idx.msk [tilespmem:v46+s10+$0x0], $0xffff  }
0xac: {  	v59 =	vor.u32 v58, v27;
	_ =	sdelay $0x2  }
0xad: {  	v60 =	vshll.u32 v55, $0x7;
	[tilespmem:v37+s16+$0x0] =	vst.idx.msk $0xffff, v41  }
0xae: {  	v61 =	vor.u32 s7, v5;
	v62 =	vshll.u32 v58, $0x7;
	v37 =	vor.u32 v22, v60;
	v41 =	vld.idx.msk [tilespmem:v57+s10+$0x0], $0xffff;
	[tilespmem:v42+s16+$0x0] =	vst.idx.msk $0xffff, v45  }
0xaf: {  	v48 =	vor.u32 s8, v5;
	v63 =	vor.u32 v61, v23;
	v42 =	vor.u32 v26, v62;
	v45 =	vld.idx.msk [tilespmem:v59+s10+$0x0], $0xffff  }
0xb0: {  	v49 =	vor.u32 v48, v27;
	_ =	sdelay $0x2  }
0xb1: {  	[tilespmem:v37+s16+$0x0] =	vst.idx.msk $0xffff, v41;
	v50 =	vshll.u32 v61, $0x7  }
0xb2: {  	v52 =	vshll.u32 v48, $0x7;
	v41 =	vld.idx.msk [tilespmem:v63+s10+$0x0], $0xffff;
	v51 =	vor.u32 s7, v7;
	v37 =	vor.u32 v22, v50;
	[tilespmem:v42+s16+$0x0] =	vst.idx.msk $0xffff, v45  }
0xb3: {  	v54 =	vor.u32 s8, v7;
	v53 =	vor.u32 v51, v23;
	v42 =	vor.u32 v26, v52;
	v45 =	vld.idx.msk [tilespmem:v49+s10+$0x0], $0xffff  }
0xb4: {  	v55 =	vor.u32 v54, v27  }
0xb5: {  	v34 =	vshll.u32 v34, $0x7;
	[tilespmem:v36+s16+$0x0] =	vst.idx.msk $0xffff, v35  }
0xb6: {  	v34 =	vor.u32 v20, v34;
	v35 =	vld.idx.msk [tilespmem:v39+s10+$0x0], $0xffff;
	v56 =	vor.u32 s6, v8  }
0xb7: {  	v58 =	vshll.u32 v51, $0x7;
	v57 =	vor.u32 v56, v21;
	[tilespmem:v37+s16+$0x0] =	vst.idx.msk $0xffff, v41  }
0xb8: {  	v60 =	vor.u32 s7, v8;
	v61 =	vshll.u32 v54, $0x7;
	v37 =	vor.u32 v22, v58;
	v59 =	vld.idx.msk [tilespmem:v53+s10+$0x0], $0xffff;
	[tilespmem:v42+s16+$0x0] =	vst.idx.msk $0xffff, v45  }
0xb9: {  	v48 =	vor.u32 s8, v8;
	v62 =	vor.u32 v60, v23;
	v42 =	vor.u32 v26, v61;
	v63 =	vld.idx.msk [tilespmem:v55+s10+$0x0], $0xffff  }
0xba: {  	[tilespmem:v32+s16+$0x0] =	vst.idx.msk $0xffff, v29;
	v30 =	vshll.u32 v30, $0x7;
	v49 =	vor.u32 v48, v27  }
0xbb: {  	v33 =	vld.idx.msk [tilespmem:v33+s10+$0x0], $0xffff;
	v30 =	vor.u32 v18, v30;
	[tilespmem:v34+s16+$0x0] =	vst.idx.msk $0xffff, v35;
	v50 =	vshll.u32 v56, $0x7  }
0xbc: {  	v51 =	vor.u32 s6, v6;
	v34 =	vor.u32 v20, v50;
	v35 =	vld.idx.msk [tilespmem:v57+s10+$0x0], $0xffff  }
0xbd: {  	v53 =	vshll.u32 v60, $0x7;
	v52 =	vor.u32 v51, v21;
	[tilespmem:v37+s16+$0x0] =	vst.idx.msk $0xffff, v59  }
0xbe: {  	v54 =	vor.u32 s7, v6;
	v37 =	vor.u32 v22, v53;
	v40 =	vld.idx.msk [tilespmem:v62+s10+$0x0], $0xffff;
	v55 =	vshll.u32 v48, $0x7;
	[tilespmem:v42+s16+$0x0] =	vst.idx.msk $0xffff, v63  }
0xbf: {  	v56 =	vor.u32 v54, v23;
	v57 =	vor.u32 s8, v6;
	v42 =	vor.u32 v26, v55;
	v44 =	vld.idx.msk [tilespmem:v49+s10+$0x0], $0xffff  }
0xc0: {  	[tilespmem:v30+s16+$0x0] =	vst.idx.msk $0xffff, v33;
	v29 =	vor.u32 v57, v27  }
0xc1: {  	v58 =	vor.u32 v16, v38;
	[tilespmem:v34+s16+$0x0] =	vst.idx.msk $0xffff, v35;
	v59 =	vshll.u32 v51, $0x7  }
0xc2: {  	v60 =	vor.u32 v28, v17;
	v34 =	vor.u32 v20, v59;
	v62 =	vor.u32 s6, v9;
	v61 =	vld.idx.msk [tilespmem:v52+s10+$0x0], $0xffff  }
0xc3: {  	[tilespmem:v37+s16+$0x0] =	vst.idx.msk $0xffff, v40;
	v48 =	vshll.u32 v54, $0x7;
	v63 =	vor.u32 v62, v21  }
0xc4: {  	v50 =	vshll.u32 v57, $0x7;
	v40 =	vld.idx.msk [tilespmem:v56+s10+$0x0], $0xffff;
	v37 =	vor.u32 v22, v48;
	v49 =	vor.u32 s7, v9;
	[tilespmem:v42+s16+$0x0] =	vst.idx.msk $0xffff, v44  }
0xc5: {  	v52 =	vor.u32 s8, v9;
	v51 =	vor.u32 v49, v23;
	v42 =	vor.u32 v26, v50;
	v29 =	vld.idx.msk [tilespmem:v29+s10+$0x0], $0xffff  }
0xc6: {  	[tilespmem:v58+s16+$0x0] =	vst.idx.msk $0xffff, v31;
	v28 =	vshll.u32 v28, $0x7;
	v31 =	vor.u32 v52, v27  }
0xc7: {  	v28 =	vor.u32 v16, v28;
	v53 =	vor.u32 s1, v10;
	v35 =	vld.idx.msk [tilespmem:v60+s10+$0x0], $0xffff;
	[tilespmem:v34+s16+$0x0] =	vst.idx.msk $0xffff, v61;
	v55 =	vshll.u32 v62, $0x7  }
0xc8: {  	v57 =	vor.u32 s6, v10;
	v54 =	vor.u32 v53, v19;
	v56 =	vor.u32 v20, v55;
	v30 =	vld.idx.msk [tilespmem:v63+s10+$0x0], $0xffff  }
0xc9: {  	v58 =	vor.u32 v57, v21;
	[tilespmem:v37+s16+$0x0] =	vst.idx.msk $0xffff, v40;
	v59 =	vshll.u32 v49, $0x7  }
0xca: {  	v61 =	vor.u32 s7, v10;
	v37 =	vor.u32 v22, v59;
	v60 =	vld.idx.msk [tilespmem:v51+s10+$0x0], $0xffff;
	[tilespmem:v42+s16+$0x0] =	vst.idx.msk $0xffff, v29;
	v29 =	vshll.u32 v52, $0x7  }
0xcb: {  	v62 =	vor.u32 v61, v23;
	v63 =	vor.u32 s8, v10;
	v31 =	vld.idx.msk [tilespmem:v31+s10+$0x0], $0xffff;
	v29 =	vor.u32 v26, v29  }
0xcc: {  	[tilespmem:v28+s16+$0x0] =	vst.idx.msk $0xffff, v35;
	v48 =	vshll.u32 v53, $0x7;
	v50 =	vor.u32 v63, v27  }
0xcd: {  	v32 =	vld.idx.msk [tilespmem:v54+s10+$0x0], $0xffff;
	v49 =	vor.u32 s1, v11;
	[tilespmem:v56+s16+$0x0] =	vst.idx.msk $0xffff, v30;
	v30 =	vshll.u32 v57, $0x7;
	v42 =	vor.u32 v18, v48  }
0xce: {  	v51 =	vor.u32 v49, v19;
	v28 =	vld.idx.msk [tilespmem:v58+s10+$0x0], $0xffff;
	v30 =	vor.u32 v20, v30;
	v52 =	vor.u32 s6, v11  }
0xcf: {  	v43 =	vor.u32 s4, v14;
	v54 =	vshll.u32 v61, $0x7;
	[tilespmem:v37+s16+$0x0] =	vst.idx.msk $0xffff, v60;
	v53 =	vor.u32 v52, v21  }
0xd0: {  	v35 =	vor.u32 v22, v54;
	v56 =	vor.u32 s7, v11;
	v55 =	vld.idx.msk [tilespmem:v62+s10+$0x0], $0xffff;
	[tilespmem:v29+s16+$0x0] =	vst.idx.msk $0xffff, v31;
	v29 =	vshll.u32 v63, $0x7  }
0xd1: {  	v58 =	vor.u32 s8, v11;
	v31 =	vor.u32 v56, v23;
	v57 =	vld.idx.msk [tilespmem:v50+s10+$0x0], $0xffff;
	v29 =	vor.u32 v26, v29  }
0xd2: {  	v45 =	vor.u32 s4, v15;
	v59 =	vshll.u32 v49, $0x7;
	v60 =	vor.u32 v58, v27;
	[tilespmem:v42+s16+$0x0] =	vst.idx.msk $0xffff, v32  }
0xd3: {  	v62 =	vor.u32 s1, v12;
	[tilespmem:v30+s16+$0x0] =	vst.idx.msk $0xffff, v28;
	v28 =	vshll.u32 v52, $0x7;
	v32 =	vor.u32 v18, v59;
	v61 =	vld.idx.msk [tilespmem:v51+s10+$0x0], $0xffff  }
0xd4: {  	v48 =	vor.u32 s6, v12;
	v30 =	vor.u32 v62, v19;
	v28 =	vor.u32 v20, v28;
	v63 =	vld.idx.msk [tilespmem:v53+s10+$0x0], $0xffff  }
0xd5: {  	v54 =	vor.u32 v43, v17;
	v49 =	vor.u32 v48, v21;
	[tilespmem:v35+s16+$0x0] =	vst.idx.msk $0xffff, v55;
	v50 =	vshll.u32 v56, $0x7  }
0xd6: {  	v51 =	vor.u32 s7, v12;
	v35 =	vor.u32 v22, v50;
	v31 =	vld.idx.msk [tilespmem:v31+s10+$0x0], $0xffff;
	[tilespmem:v29+s16+$0x0] =	vst.idx.msk $0xffff, v57;
	v29 =	vshll.u32 v58, $0x7  }
0xd7: {  	v53 =	vor.u32 s8, v12;
	v52 =	vor.u32 v51, v23;
	v38 =	vld.idx.msk [tilespmem:v60+s10+$0x0], $0xffff;
	v29 =	vor.u32 v26, v29  }
0xd8: {  	v17 =	vor.u32 v45, v17;
	v55 =	vshll.u32 v62, $0x7;
	v56 =	vor.u32 v53, v27;
	[tilespmem:v32+s16+$0x0] =	vst.idx.msk $0xffff, v61  }
0xd9: {  	v32 =	vor.u32 v18, v55;
	[tilespmem:v28+s16+$0x0] =	vst.idx.msk $0xffff, v63;
	v28 =	vshll.u32 v48, $0x7;
	v30 =	vld.idx.msk [tilespmem:v30+s10+$0x0], $0xffff  }
0xda: {  	v59 =	vor.u32 s6, v13;
	v57 =	vor.u32 s1, v13;
	v44 =	vld.idx.msk [tilespmem:v49+s10+$0x0], $0xffff;
	v28 =	vor.u32 v20, v28  }
0xdb: {  	v58 =	vor.u32 v57, v19;
	v60 =	vor.u32 v59, v21;
	[tilespmem:v35+s16+$0x0] =	vst.idx.msk $0xffff, v31;
	v31 =	vshll.u32 v51, $0x7  }
0xdc: {  	v61 =	vor.u32 s7, v13;
	v62 =	vld.idx.msk [tilespmem:v52+s10+$0x0], $0xffff;
	v31 =	vor.u32 v22, v31;
	[tilespmem:v29+s16+$0x0] =	vst.idx.msk $0xffff, v38;
	v29 =	vshll.u32 v53, $0x7  }
0xdd: {  	v48 =	vor.u32 s8, v13;
	v63 =	vor.u32 v61, v23;
	v49 =	vld.idx.msk [tilespmem:v56+s10+$0x0], $0xffff;
	v29 =	vor.u32 v26, v29  }
0xde: {  	v40 =	vld.idx.msk [tilespmem:v54+s10+$0x0], $0xffff;
	v54 =	vor.u32 s6, v14;
	v50 =	vshll.u32 v43, $0x7;
	v51 =	vor.u32 v48, v27;
	[tilespmem:v32+s16+$0x0] =	vst.idx.msk $0xffff, v30  }
0xdf: {  	v55 =	vor.u32 v54, v21;
	v30 =	vshll.u32 v57, $0x7;
	v52 =	vor.u32 s1, v14;
	[tilespmem:v28+s16+$0x0] =	vst.idx.msk $0xffff, v44  }
0xe0: {  	v28 =	vshll.u32 v59, $0x7;
	v33 =	vld.idx.msk [tilespmem:v58+s10+$0x0], $0xffff;
	v30 =	vor.u32 v18, v30;
	v53 =	vor.u32 v52, v19  }
0xe1: {  	v43 =	vshll.u32 v54, $0x7;
	v44 =	vld.idx.msk [tilespmem:v60+s10+$0x0], $0xffff;
	v28 =	vor.u32 v20, v28;
	[tilespmem:v31+s16+$0x0] =	vst.idx.msk $0xffff, v62;
	v31 =	vshll.u32 v61, $0x7  }
0xe2: {  	v56 =	vor.u32 s7, v14;
	v36 =	vld.idx.msk [tilespmem:v63+s10+$0x0], $0xffff;
	v31 =	vor.u32 v22, v31;
	[tilespmem:v29+s16+$0x0] =	vst.idx.msk $0xffff, v49;
	v29 =	vshll.u32 v48, $0x7  }
0xe3: {  	v58 =	vor.u32 s8, v14;
	v57 =	vor.u32 v56, v23;
	v32 =	vld.idx.msk [tilespmem:v51+s10+$0x0], $0xffff;
	v29 =	vor.u32 v26, v29  }
0xe4: {  	v41 =	vor.u32 v16, v50;
	v60 =	vor.u32 s1, v15;
	v59 =	vor.u32 v58, v27  }
0xe5: {  	v43 =	vor.u32 v20, v43;
	v19 =	vor.u32 v60, v19;
	[tilespmem:v30+s16+$0x0] =	vst.idx.msk $0xffff, v33;
	v30 =	vshll.u32 v52, $0x7  }
0xe6: {  	[tilespmem:v28+s16+$0x0] =	vst.idx.msk $0xffff, v44;
	v28 =	vor.u32 s6, v15;
	v34 =	vld.idx.msk [tilespmem:v53+s10+$0x0], $0xffff;
	v30 =	vor.u32 v18, v30  }
0xe7: {  	v61 =	vld.idx.msk [tilespmem:v55+s10+$0x0], $0xffff;
	v21 =	vor.u32 v28, v21;
	[tilespmem:v31+s16+$0x0] =	vst.idx.msk $0xffff, v36;
	v31 =	vshll.u32 v56, $0x7  }
0xe8: {  	v62 =	vor.u32 s7, v15;
	v36 =	vld.idx.msk [tilespmem:v57+s10+$0x0], $0xffff;
	v31 =	vor.u32 v22, v31;
	[tilespmem:v29+s16+$0x0] =	vst.idx.msk $0xffff, v32;
	v29 =	vshll.u32 v58, $0x7  }
0xe9: {  	v23 =	vor.u32 v62, v23;
	v63 =	vor.u32 s8, v15;
	v33 =	vld.idx.msk [tilespmem:v59+s10+$0x0], $0xffff;
	v29 =	vor.u32 v26, v29  }
0xea: {  	[tilespmem:v41+s16+$0x0] =	vst.idx.msk $0xffff, v40;
	v41 =	vshll.u32 v45, $0x7;
	v27 =	vor.u32 v63, v27  }
0xeb: {  	v17 =	vld.idx.msk [tilespmem:v17+s10+$0x0], $0xffff;
	v16 =	vor.u32 v16, v41;
	[tilespmem:v30+s16+$0x0] =	vst.idx.msk $0xffff, v34;
	v30 =	vshll.u32 v60, $0x7  }
0xec: {  	v28 =	vshll.u32 v28, $0x7;
	[tilespmem:v43+s16+$0x0] =	vst.idx.msk $0xffff, v61;
	v19 =	vld.idx.msk [tilespmem:v19+s10+$0x0], $0xffff;
	v18 =	vor.u32 v18, v30  }
0xed: {  	v20 =	vor.u32 v20, v28;
	v28 =	vshll.u32 v62, $0x7;
	v21 =	vld.idx.msk [tilespmem:v21+s10+$0x0], $0xffff;
	[tilespmem:v31+s16+$0x0] =	vst.idx.msk $0xffff, v36  }
0xee: {  	v22 =	vor.u32 v22, v28;
	v28 =	vshll.u32 v63, $0x7;
	v23 =	vld.idx.msk [tilespmem:v23+s10+$0x0], $0xffff;
	[tilespmem:v29+s16+$0x0] =	vst.idx.msk $0xffff, v33  }
0xef: {  	[tilespmem:v25+s16+$0x0] =	vst.idx.msk $0xffff, v24;
	v25 =	vor.u32 v26, v28;
	v24 =	vld.idx.msk [tilespmem:v27+s10+$0x0], $0xffff  }
0xf0: {  	s1 =	sshll.u32 s31, $0x9;
	[tilespmem:v16+s16+$0x0] =	vst.idx.msk $0xffff, v17  }
0xf1: {  	s6 =	sadd.s32 s5, s1;
	[tilespmem:v18+s16+$0x0] =	vst.idx.msk $0xffff, v19  }
0xf2: {  	s7 =	sshll.u32 s6, $0x3;
	s4 =	sand.u32 $0x3E00, s6;
	[tilespmem:v20+s16+$0x0] =	vst.idx.msk $0xffff, v21  }
0xf3: {  	s6 =	sand.u32 $0xFFE0000, s7;
	s4 =	sadd.s32 s3, s4;
	[tilespmem:v22+s16+$0x0] =	vst.idx.msk $0xffff, v23  }
0xf4: {  	s8 =	simm.s32 $0x0;
	s4 =	sadd.s32 s6, s4;
	[tilespmem:v25+s16+$0x0] =	vst.idx.msk $0xffff, v24  }
0xf5: {  	[hbm4b:s4+s17] =	stream.strided.scatter [tilespmem:s16], [sflag:$0x5], $0x2000, s18, s17, $0x38;
	[tilespmem:$0x1E400] =	vst v63  }
0xf6: {  	s12 =	sand.u32 $0x70, s8;
	s4 =	simm.s32 @!p0 $0x6  }
0xf7: {  	s8 =	sand.u32 $0x30, s8;
	v25 =	vor.u32 s12, v0;
	_ =	swait.ge @!p0 [sflag:s4], $0x2000  }
0xf8: {  	v16 =	vor.u32 s8, v0;
	v24 =	vshll.u32 v25, $0x7;
	[sflag:s4] =	ssyncset.done @!p0 $0x0  }
0xf9: {  	v17 =	vor.u32 v16, v24;
	[sflag:s4] =	ssyncadd.s32 @!p0 $0xFFFFE000;
	p0 =	seq.s32 s31, $0x31  }
0xfa: {  	_ =	swait.ge [sflag:s19], $0x4000;
	s4 =	sshll.u32 @!p0 s31, $0x9  }
0xfb: {  	s6 =	simm.s32 @!p0 $0x80;
	[sflag:s19] =	ssyncset.done $0x0;
	s4 =	sand.u32 @!p0 $0x3FFFFE00, s4  }
0xfc: {  	s7 =	simm.s32 @!p0 $0x6400;
	[sflag:s19] =	ssyncadd.s32 $0xFFFFC000;
	s4 =	sadd.s32 @!p0 $0x200, s4  }
0xfd: {  	v16 =	vshll.u32 v16, $0x7;
	[tilespmem:s7], [sflag:$0x1] =	stream.indirect.gather @!p0 [hbm4b:s0+s6], $0x80, s4, s6, $0xb8;
	[tilespmem:$0x1E400] =	vst v63  }
0xfe: {  	v18 =	vor.u32 s8, v1;
	v16 =	vor.u32 v25, v16;
	v17 =	vld.idx.msk [tilespmem:v17+s11+$0x0], $0xffff  }
0xff: {  	v19 =	vor.u32 v18, v24;
	_ =	sdelay $0x3  }
0x100: {  	[tilespmem:v16+s20+$0x0] =	vst.idx.msk $0xffff, v17;
	v16 =	vshll.u32 v18, $0x7  }
0x101: {  	v17 =	vor.u32 s8, v2;
	v18 =	vld.idx.msk [tilespmem:v19+s11+$0x0], $0xffff;
	v16 =	vor.u32 v25, v16  }
0x102: {  	v19 =	vor.u32 v17, v24;
	_ =	sdelay $0x3  }
0x103: {  	s25 =	simm.s32 $0x4;
	[tilespmem:v16+s20+$0x0] =	vst.idx.msk $0xffff, v18;
	v16 =	vshll.u32 v17, $0x7  }
0x104: {  	s26 =	simm.s32 $0x10;
	s28 =	sand.u32 $0x70, s25;
	v18 =	vor.u32 s8, v3;
	v19 =	vld.idx.msk [tilespmem:v19+s11+$0x0], $0xffff;
	v20 =	vor.u32 v25, v16  }
0x105: {  	s4 =	sand.u32 $0x30, s26;
	v16 =	vor.u32 s28, v0;
	v21 =	vor.u32 v18, v24  }
0x106: {  	v22 =	vor.u32 s4, v0;
	v17 =	vshll.u32 v16, $0x7  }
0x107: {  	v23 =	vor.u32 v22, v17;
	_ =	sdelay $0x1  }
0x108: {  	v18 =	vshll.u32 v18, $0x7;
	[tilespmem:v20+s20+$0x0] =	vst.idx.msk $0xffff, v19  }
0x109: {  	v18 =	vor.u32 v25, v18;
	v19 =	vor.u32 s8, v4;
	v20 =	vld.idx.msk [tilespmem:v21+s11+$0x0], $0xffff  }
0x10a: {  	v21 =	vshll.u32 v22, $0x7;
	v22 =	vor.u32 v19, v24  }
0x10b: {  	v26 =	vor.u32 s4, v1;
	v23 =	vld.idx.msk [tilespmem:v23+s11+$0x0], $0xffff;
	v21 =	vor.u32 v16, v21  }
0x10c: {  	v27 =	vor.u32 v26, v17;
	_ =	sdelay $0x1  }
0x10d: {  	[tilespmem:v18+s20+$0x0] =	vst.idx.msk $0xffff, v20;
	v18 =	vshll.u32 v19, $0x7  }
0x10e: {  	v19 =	vor.u32 s8, v5;
	v20 =	vld.idx.msk [tilespmem:v22+s11+$0x0], $0xffff;
	v18 =	vor.u32 v25, v18  }
0x10f: {  	[tilespmem:v21+s20+$0x0] =	vst.idx.msk $0xffff, v23;
	v21 =	vshll.u32 v26, $0x7;
	v22 =	vor.u32 v19, v24  }
0x110: {  	v23 =	vor.u32 s4, v2;
	v26 =	vld.idx.msk [tilespmem:v27+s11+$0x0], $0xffff;
	v21 =	vor.u32 v16, v21  }
0x111: {  	v27 =	vor.u32 v23, v17;
	_ =	sdelay $0x1  }
0x112: {  	[tilespmem:v18+s20+$0x0] =	vst.idx.msk $0xffff, v20;
	v18 =	vshll.u32 v19, $0x7  }
0x113: {  	s12 =	simm.s32 $0x8;
	v20 =	vor.u32 s8, v7;
	v22 =	vld.idx.msk [tilespmem:v22+s11+$0x0], $0xffff;
	v28 =	vor.u32 v25, v18  }
0x114: {  	s25 =	simm.s32 $0x20;
	s6 =	sand.u32 $0x70, s12;
	[tilespmem:v21+s20+$0x0] =	vst.idx.msk $0xffff, v26;
	v18 =	vshll.u32 v23, $0x7;
	v21 =	vor.u32 v20, v24  }
0x115: {  	s12 =	sand.u32 $0x30, s25;
	v23 =	vor.u32 s4, v3;
	v26 =	vld.idx.msk [tilespmem:v27+s11+$0x0], $0xffff;
	v27 =	vor.u32 v16, v18;
	v18 =	vor.u32 s6, v0  }
0x116: {  	v29 =	vor.u32 s12, v0;
	v30 =	vor.u32 v23, v17;
	v19 =	vshll.u32 v18, $0x7  }
0x117: {  	v31 =	vor.u32 v29, v19  }
0x118: {  	v20 =	vshll.u32 v20, $0x7;
	[tilespmem:v28+s20+$0x0] =	vst.idx.msk $0xffff, v22  }
0x119: {  	v20 =	vor.u32 v25, v20;
	v22 =	vor.u32 s8, v8;
	v21 =	vld.idx.msk [tilespmem:v21+s11+$0x0], $0xffff  }
0x11a: {  	v23 =	vshll.u32 v23, $0x7;
	[tilespmem:v27+s20+$0x0] =	vst.idx.msk $0xffff, v26;
	v26 =	vor.u32 v22, v24  }
0x11b: {  	v23 =	vor.u32 v16, v23;
	v29 =	vshll.u32 v29, $0x7;
	v27 =	vor.u32 s4, v4;
	v28 =	vld.idx.msk [tilespmem:v30+s11+$0x0], $0xffff  }
0x11c: {  	v29 =	vor.u32 v18, v29;
	v30 =	vor.u32 s12, v1;
	v42 =	vor.u32 v27, v17;
	v31 =	vld.idx.msk [tilespmem:v31+s11+$0x0], $0xffff  }
0x11d: {  	v43 =	vor.u32 v30, v19  }
0x11e: {  	[tilespmem:v20+s20+$0x0] =	vst.idx.msk $0xffff, v21;
	v20 =	vshll.u32 v22, $0x7  }
0x11f: {  	v22 =	vor.u32 s8, v6;
	v21 =	vld.idx.msk [tilespmem:v26+s11+$0x0], $0xffff;
	v20 =	vor.u32 v25, v20  }
0x120: {  	[tilespmem:v23+s20+$0x0] =	vst.idx.msk $0xffff, v28;
	v23 =	vshll.u32 v27, $0x7;
	v26 =	vor.u32 v22, v24  }
0x121: {  	v27 =	vor.u32 s4, v5;
	v28 =	vld.idx.msk [tilespmem:v42+s11+$0x0], $0xffff;
	[tilespmem:v29+s20+$0x0] =	vst.idx.msk $0xffff, v31;
	v29 =	vshll.u32 v30, $0x7;
	v23 =	vor.u32 v16, v23  }
0x122: {  	v30 =	vor.u32 s12, v2;
	v44 =	vor.u32 v27, v17;
	v31 =	vld.idx.msk [tilespmem:v43+s11+$0x0], $0xffff;
	v29 =	vor.u32 v18, v29  }
0x123: {  	v45 =	vor.u32 v30, v19  }
0x124: {  	[tilespmem:v20+s20+$0x0] =	vst.idx.msk $0xffff, v21;
	v20 =	vshll.u32 v22, $0x7  }
0x125: {  	v46 =	vor.u32 s8, v9;
	v22 =	vld.idx.msk [tilespmem:v26+s11+$0x0], $0xffff;
	v26 =	vor.u32 v25, v20  }
0x126: {  	[tilespmem:v23+s20+$0x0] =	vst.idx.msk $0xffff, v28;
	v20 =	vshll.u32 v27, $0x7;
	v27 =	vor.u32 v46, v24  }
0x127: {  	s26 =	simm.s32 $0xC;
	s28 =	simm.s32 $0x30;
	v21 =	vshll.u32 v30, $0x7;
	v23 =	vor.u32 s4, v7;
	v32 =	vld.idx.msk [tilespmem:v44+s11+$0x0], $0xffff;
	[tilespmem:v29+s20+$0x0] =	vst.idx.msk $0xffff, v31;
	v29 =	vor.u32 v16, v20  }
0x128: {  	s25 =	sand.u32 $0x70, s26;
	s6 =	sand.u32 $0x30, s28;
	v47 =	vor.u32 v18, v21;
	v31 =	vor.u32 v23, v17;
	v30 =	vld.idx.msk [tilespmem:v45+s11+$0x0], $0xffff  }
0x129: {  	v48 =	vor.u32 s6, v0;
	v28 =	vor.u32 s12, v3;
	v20 =	vor.u32 s25, v0  }
0x12a: {  	v49 =	vor.u32 v28, v19;
	v21 =	vshll.u32 v20, $0x7;
	[tilespmem:v26+s20+$0x0] =	vst.idx.msk $0xffff, v22;
	v22 =	vshll.u32 v46, $0x7  }
0x12b: {  	v50 =	vor.u32 s8, v10;
	v26 =	vor.u32 v48, v21;
	v27 =	vld.idx.msk [tilespmem:v27+s11+$0x0], $0xffff;
	v22 =	vor.u32 v25, v22  }
0x12c: {  	v23 =	vshll.u32 v23, $0x7;
	[tilespmem:v29+s20+$0x0] =	vst.idx.msk $0xffff, v32;
	v29 =	vor.u32 v50, v24  }
0x12d: {  	v23 =	vor.u32 v16, v23;
	v31 =	vld.idx.msk [tilespmem:v31+s11+$0x0], $0xffff;
	[tilespmem:v47+s20+$0x0] =	vst.idx.msk $0xffff, v30;
	v30 =	vor.u32 s4, v8  }
0x12e: {  	v51 =	vor.u32 s12, v4;
	v28 =	vshll.u32 v28, $0x7;
	v52 =	vor.u32 v30, v17  }
0x12f: {  	v35 =	vshll.u32 v48, $0x7;
	v54 =	vor.u32 v51, v19;
	v28 =	vor.u32 v18, v28;
	v33 =	vld.idx.msk [tilespmem:v49+s11+$0x0], $0xffff  }
0x130: {  	v53 =	vor.u32 s6, v1;
	v26 =	vld.idx.msk [tilespmem:v26+s11+$0x0], $0xffff;
	[tilespmem:v22+s20+$0x0] =	vst.idx.msk $0xffff, v27;
	v22 =	vor.u32 v20, v35;
	v27 =	vshll.u32 v50, $0x7  }
0x131: {  	v56 =	vor.u32 s8, v11;
	v55 =	vor.u32 v53, v21;
	v29 =	vld.idx.msk [tilespmem:v29+s11+$0x0], $0xffff;
	v27 =	vor.u32 v25, v27  }
0x132: {  	v62 =	vor.u32 s8, v12;
	[tilespmem:v23+s20+$0x0] =	vst.idx.msk $0xffff, v31;
	v23 =	vshll.u32 v30, $0x7;
	v30 =	vor.u32 v56, v24  }
0x133: {  	v63 =	vor.u32 s8, v13;
	v57 =	vor.u32 s4, v6;
	v31 =	vld.idx.msk [tilespmem:v52+s11+$0x0], $0xffff;
	v23 =	vor.u32 v16, v23  }
0x134: {  	v58 =	vor.u32 v57, v17;
	v59 =	vor.u32 s6, v2;
	v32 =	vshll.u32 v51, $0x7;
	[tilespmem:v28+s20+$0x0] =	vst.idx.msk $0xffff, v33  }
0x135: {  	v46 =	vor.u32 s4, v9;
	v28 =	vor.u32 s12, v5;
	v38 =	vld.idx.msk [tilespmem:v54+s11+$0x0], $0xffff;
	[tilespmem:v22+s20+$0x0] =	vst.idx.msk $0xffff, v26;
	v26 =	vor.u32 v18, v32  }
0x136: {  	v48 =	vor.u32 s6, v3;
	v61 =	vor.u32 v28, v19;
	v22 =	vshll.u32 v53, $0x7;
	v60 =	vld.idx.msk [tilespmem:v55+s11+$0x0], $0xffff;
	[tilespmem:v27+s20+$0x0] =	vst.idx.msk $0xffff, v29  }
0x137: {  	v40 =	vshll.u32 v48, $0x7;
	v22 =	vor.u32 v20, v22;
	v29 =	vshll.u32 v56, $0x7;
	v27 =	vld.idx.msk [tilespmem:v30+s11+$0x0], $0xffff  }
0x138: {  	s25 =	simm.s32 $0x40;
	v30 =	vor.u32 v59, v21;
	[tilespmem:v23+s20+$0x0] =	vst.idx.msk $0xffff, v31;
	v23 =	vor.u32 v25, v29;
	v29 =	vshll.u32 v57, $0x7  }
0x139: {  	s7 =	sand.u32 $0x30, s25;
	v47 =	vor.u32 v46, v17;
	v31 =	vor.u32 v62, v24;
	v33 =	vld.idx.msk [tilespmem:v58+s11+$0x0], $0xffff;
	v29 =	vor.u32 v16, v29  }
0x13a: {  	v50 =	vor.u32 s7, v0;
	v52 =	vshll.u32 v46, $0x7;
	v28 =	vshll.u32 v28, $0x7;
	[tilespmem:v26+s20+$0x0] =	vst.idx.msk $0xffff, v38  }
0x13b: {  	s26 =	simm.s32 $0x10;
	v54 =	vor.u32 v63, v24;
	v28 =	vor.u32 v18, v28;
	v26 =	vor.u32 s12, v7;
	v34 =	vld.idx.msk [tilespmem:v61+s11+$0x0], $0xffff  }
0x13c: {  	s25 =	sand.u32 $0x70, s26;
	v56 =	vor.u32 s4, v10;
	[tilespmem:v22+s20+$0x0] =	vst.idx.msk $0xffff, v60;
	v22 =	vshll.u32 v59, $0x7;
	v49 =	vor.u32 v26, v19  }
0x13d: {  	v30 =	vld.idx.msk [tilespmem:v30+s11+$0x0], $0xffff;
	v51 =	vor.u32 v20, v22;
	[tilespmem:v23+s20+$0x0] =	vst.idx.msk $0xffff, v27;
	v23 =	vshll.u32 v62, $0x7;
	v22 =	vor.u32 s25, v0  }
0x13e: {  	v27 =	vor.u32 v48, v21;
	v31 =	vld.idx.msk [tilespmem:v31+s11+$0x0], $0xffff;
	[tilespmem:v29+s20+$0x0] =	vst.idx.msk $0xffff, v33;
	v29 =	vor.u32 v25, v23  }
0x13f: {  	v57 =	vor.u32 v56, v17;
	v58 =	vor.u32 s12, v8;
	v23 =	vshll.u32 v22, $0x7  }
0x140: {  	v53 =	vld.idx.msk [tilespmem:v47+s11+$0x0], $0xffff;
	v55 =	vor.u32 v50, v23;
	[tilespmem:v28+s20+$0x0] =	vst.idx.msk $0xffff, v34;
	v28 =	vor.u32 v16, v52  }
0x141: {  	v26 =	vshll.u32 v26, $0x7;
	v59 =	vor.u32 s7, v1;
	v60 =	vor.u32 v58, v19  }
0x142: {  	v61 =	vshll.u32 v50, $0x7;
	v26 =	vor.u32 v18, v26;
	v48 =	vshll.u32 v56, $0x7;
	v32 =	vld.idx.msk [tilespmem:v49+s11+$0x0], $0xffff;
	[tilespmem:v51+s20+$0x0] =	vst.idx.msk $0xffff, v30  }
0x143: {  	v50 =	vor.u32 s4, v11;
	v27 =	vld.idx.msk [tilespmem:v27+s11+$0x0], $0xffff;
	[tilespmem:v29+s20+$0x0] =	vst.idx.msk $0xffff, v31;
	v29 =	vor.u32 v20, v40;
	v31 =	vshll.u32 v63, $0x7  }
0x144: {  	v34 =	vor.u32 s8, v14;
	v30 =	vor.u32 s6, v4;
	v37 =	vld.idx.msk [tilespmem:v54+s11+$0x0], $0xffff;
	v31 =	vor.u32 v25, v31  }
0x145: {  	v62 =	vor.u32 v30, v21;
	v38 =	vld.idx.msk [tilespmem:v55+s11+$0x0], $0xffff;
	[tilespmem:v28+s20+$0x0] =	vst.idx.msk $0xffff, v53;
	v28 =	vor.u32 v22, v61  }
0x146: {  	v52 =	vor.u32 v50, v17;
	v49 =	vor.u32 v59, v23;
	v63 =	vor.u32 v34, v24  }
0x147: {  	v30 =	vshll.u32 v30, $0x7;
	v54 =	vor.u32 s8, v15;
	v33 =	vld.idx.msk [tilespmem:v57+s11+$0x0], $0xffff;
	[tilespmem:v26+s20+$0x0] =	vst.idx.msk $0xffff, v32;
	v26 =	vor.u32 v16, v48  }
0x148: {  	v51 =	vshll.u32 v58, $0x7;
	v30 =	vor.u32 v20, v30;
	v24 =	vor.u32 v54, v24;
	[tilespmem:v29+s20+$0x0] =	vst.idx.msk $0xffff, v27  }
0x149: {  	v59 =	vshll.u32 v59, $0x7;
	v53 =	vld.idx.msk [tilespmem:v60+s11+$0x0], $0xffff;
	v27 =	vor.u32 v18, v51;
	v29 =	vor.u32 s12, v6;
	[tilespmem:v31+s20+$0x0] =	vst.idx.msk $0xffff, v37  }
0x14a: {  	v55 =	vor.u32 s6, v5;
	v56 =	vld.idx.msk [tilespmem:v62+s11+$0x0], $0xffff;
	v57 =	vor.u32 v29, v19;
	[tilespmem:v28+s20+$0x0] =	vst.idx.msk $0xffff, v38;
	v28 =	vshll.u32 v34, $0x7  }
0x14b: {  	v48 =	vor.u32 s4, v12;
	v60 =	vor.u32 v55, v21;
	v58 =	vld.idx.msk [tilespmem:v63+s11+$0x0], $0xffff;
	v61 =	vor.u32 v25, v28  }
0x14c: {  	v31 =	vor.u32 s7, v2;
	v40 =	vld.idx.msk [tilespmem:v49+s11+$0x0], $0xffff;
	[tilespmem:v26+s20+$0x0] =	vst.idx.msk $0xffff, v33;
	v26 =	vor.u32 v22, v59;
	v28 =	vshll.u32 v50, $0x7  }
0x14d: {  	v63 =	vor.u32 v31, v23;
	v34 =	vor.u32 s6, v7;
	v62 =	vld.idx.msk [tilespmem:v52+s11+$0x0], $0xffff;
	v47 =	vor.u32 v16, v28  }
0x14e: {  	v49 =	vor.u32 v48, v17;
	v39 =	vor.u32 v34, v21;
	[tilespmem:v27+s20+$0x0] =	vst.idx.msk $0xffff, v53;
	v27 =	vshll.u32 v29, $0x7  }
0x14f: {  	s28 =	simm.s32 $0x50;
	v29 =	vld.idx.msk [tilespmem:v57+s11+$0x0], $0xffff;
	[tilespmem:v30+s20+$0x0] =	vst.idx.msk $0xffff, v56;
	v32 =	vor.u32 v18, v27;
	v30 =	vor.u32 s12, v9  }
0x150: {  	s8 =	sand.u32 $0x30, s28;
	v27 =	vshll.u32 v55, $0x7;
	v35 =	vld.idx.msk [tilespmem:v60+s11+$0x0], $0xffff;
	v33 =	vor.u32 v30, v19;
	[tilespmem:v61+s20+$0x0] =	vst.idx.msk $0xffff, v58  }
0x151: {  	v42 =	vor.u32 s8, v0;
	v36 =	vor.u32 v20, v27;
	v27 =	vshll.u32 v54, $0x7;
	[tilespmem:v26+s20+$0x0] =	vst.idx.msk $0xffff, v40;
	v24 =	vld.idx.msk [tilespmem:v24+s11+$0x0], $0xffff  }
0x152: {  	s25 =	simm.s32 $0x14;
	v37 =	vor.u32 s7, v3;
	v25 =	vor.u32 v25, v27;
	v26 =	vshll.u32 v31, $0x7;
	v40 =	vld.idx.msk [tilespmem:v63+s11+$0x0], $0xffff;
	[tilespmem:v47+s20+$0x0] =	vst.idx.msk $0xffff, v62  }
0x153: {  	s26 =	simm.s32 $0x60;
	s30 =	sand.u32 $0x70, s25;
	v38 =	vshll.u32 v48, $0x7;
	v28 =	vor.u32 s4, v13;
	v41 =	vor.u32 v22, v26;
	v31 =	vld.idx.msk [tilespmem:v49+s11+$0x0], $0xffff  }
.LBB2_5:
0x154: {  	p1 =	sne.s32 s26, $0x1F0;
	v26 =	vor.u32 s30, v0;
	v27 =	vor.u32 v37, v23;
	[tilespmem:v32+s20+$0x0] =	vst.idx.msk $0xffff, v29;
	v29 =	vor.u32 v16, v38  }
0x155: {  	v30 =	vshll.u32 v30, $0x7;
	v43 =	vmovc v20;
	v20 =	vmovc v22;
	v38 =	vshll.u32 v26, $0x7;
	v32 =	vld.idx.msk [tilespmem:v33+s11+$0x0], $0xffff;
	v33 =	vor.u32 v28, v17  }
0x156: {  	v30 =	vor.u32 v18, v30;
	v44 =	vor.u32 v42, v38;
	[tilespmem:v36+s20+$0x0] =	vst.idx.msk $0xffff, v35;
	v35 =	vor.u32 s12, v10  }
0x157: {  	v45 =	vshll.u32 v34, $0x7;
	v36 =	vld.idx.msk [tilespmem:v39+s11+$0x0], $0xffff;
	v34 =	vor.u32 v35, v19;
	v39 =	vor.u32 s4, v14;
	[tilespmem:v25+s20+$0x0] =	vst.idx.msk $0xffff, v24  }
0x158: {  	v22 =	vmovc v26;
	v24 =	vor.u32 s7, v4;
	v25 =	vor.u32 v43, v45;
	[tilespmem:v41+s20+$0x0] =	vst.idx.msk $0xffff, v40;
	v40 =	vor.u32 s6, v8  }
0x159: {  	v37 =	vshll.u32 v37, $0x7;
	v26 =	vor.u32 s8, v1;
	v27 =	vld.idx.msk [tilespmem:v27+s11+$0x0], $0xffff;
	v41 =	vor.u32 v40, v21;
	[tilespmem:v29+s20+$0x0] =	vst.idx.msk $0xffff, v31  }
0x15a: {  	v28 =	vshll.u32 v28, $0x7;
	v29 =	vshll.u32 v42, $0x7;
	v31 =	vor.u32 v20, v37;
	v33 =	vld.idx.msk [tilespmem:v33+s11+$0x0], $0xffff  }
0x15b: {  	v28 =	vor.u32 v16, v28;
	v42 =	vor.u32 v24, v23;
	v37 =	vld.idx.msk [tilespmem:v44+s11+$0x0], $0xffff;
	[tilespmem:v30+s20+$0x0] =	vst.idx.msk $0xffff, v32  }
0x15c: {  	v29 =	vor.u32 v22, v29;
	v32 =	vshll.u32 v35, $0x7;
	v30 =	vld.idx.msk [tilespmem:v34+s11+$0x0], $0xffff;
	v34 =	vor.u32 v39, v17  }
0x15d: {  	v35 =	vor.u32 v26, v38;
	[tilespmem:v25+s20+$0x0] =	vst.idx.msk $0xffff, v36;
	v25 =	vor.u32 v18, v32;
	v32 =	vor.u32 s12, v11  }
0x15e: {  	v40 =	vshll.u32 v40, $0x7;
	v44 =	vor.u32 s4, v15;
	s4 =	smov.u32 s12;
	s12 =	smov.u32 s6;
	s6 =	smov.u32 s7;
	v36 =	vld.idx.msk [tilespmem:v41+s11+$0x0], $0xffff;
	v41 =	vor.u32 v32, v19  }
0x15f: {  	s7 =	smov.u32 s8;
	[tilespmem:v31+s20+$0x0] =	vst.idx.msk $0xffff, v27;
	v27 =	vor.u32 s6, v5;
	v31 =	vor.u32 v43, v40;
	v40 =	vor.u32 s12, v6  }
0x160: {  	v24 =	vshll.u32 v24, $0x7;
	v45 =	vor.u32 s7, v2;
	v42 =	vld.idx.msk [tilespmem:v42+s11+$0x0], $0xffff;
	v46 =	vor.u32 v40, v21;
	[tilespmem:v28+s20+$0x0] =	vst.idx.msk $0xffff, v33  }
0x161: {  	v24 =	vor.u32 v20, v24;
	v26 =	vshll.u32 v26, $0x7;
	v28 =	vshll.u32 v39, $0x7;
	[tilespmem:v29+s20+$0x0] =	vst.idx.msk $0xffff, v37;
	v47 =	vld.idx.msk [tilespmem:v34+s11+$0x0], $0xffff  }
0x162: {  	v33 =	vor.u32 v27, v23;
	v39 =	vld.idx.msk [tilespmem:v35+s11+$0x0], $0xffff;
	[tilespmem:v25+s20+$0x0] =	vst.idx.msk $0xffff, v30;
	v25 =	vor.u32 v16, v28  }
0x163: {  	v26 =	vor.u32 v22, v26;
	v48 =	vor.u32 v44, v17;
	v17 =	vmovc v19;
	v28 =	vshll.u32 v32, $0x7;
	v41 =	vld.idx.msk [tilespmem:v41+s11+$0x0], $0xffff  }
0x164: {  	v50 =	vor.u32 s4, v12;
	v49 =	vor.u32 v45, v38;
	[tilespmem:v31+s20+$0x0] =	vst.idx.msk $0xffff, v36;
	v31 =	vor.u32 v18, v28  }
0x165: {  	v19 =	vmovc v21;
	v21 =	vmovc v23;
	v30 =	vshll.u32 v40, $0x7;
	v28 =	vor.u32 s4, v13;
	v29 =	vld.idx.msk [tilespmem:v46+s11+$0x0], $0xffff;
	v46 =	vor.u32 v50, v17  }
.Ltmp1:
0x166: {  	v23 =	vmovc v38;
	v34 =	vor.u32 s6, v7;
	v32 =	vor.u32 v43, v30;
	v30 =	vor.u32 s12, v9;
	[tilespmem:v24+s20+$0x0] =	vst.idx.msk $0xffff, v42;
	(pc) =	sbr.rel @p1 .LBB2_5-.Ltmp1, $4  }
0x167: {  	v37 =	vor.u32 s7, v3;
	v24 =	vshll.u32 v27, $0x7;
	v35 =	vld.idx.msk [tilespmem:v33+s11+$0x0], $0xffff;
	v33 =	vor.u32 v30, v19;
	[tilespmem:v25+s20+$0x0] =	vst.idx.msk $0xffff, v47  }
0x168: {  	v36 =	vor.u32 v20, v24;
	v25 =	vshll.u32 v44, $0x7;
	[tilespmem:v26+s20+$0x0] =	vst.idx.msk $0xffff, v39;
	v26 =	vshll.u32 v45, $0x7;
	v24 =	vld.idx.msk [tilespmem:v48+s11+$0x0], $0xffff  }
0x169: {  	s25 =	sadd.s32 $0x4, s25;
	s8 =	sand.u32 $0x30, s26;
	v39 =	vor.u32 v34, v21;
	v25 =	vor.u32 v16, v25;
	v40 =	vld.idx.msk [tilespmem:v49+s11+$0x0], $0xffff;
	[tilespmem:v31+s20+$0x0] =	vst.idx.msk $0xffff, v41  }
0x16a: {  	s30 =	sand.u32 $0x70, s25;
	s26 =	sadd.s32 $0x10, s26;
	v38 =	vshll.u32 v50, $0x7;
	v42 =	vor.u32 s8, v0;
	v16 =	vmovc v18;
	v18 =	vmovc v43;
	v41 =	vor.u32 v22, v26;
	v31 =	vld.idx.msk [tilespmem:v46+s11+$0x0], $0xffff  }
0x16b: {  	v26 =	vor.u32 s30, v0  }
0x16c: {  	v27 =	vshll.u32 v26, $0x7  }
0x16d: {  	v43 =	vor.u32 v42, v27;
	_ =	sdelay $0x3  }
0x16e: {  	v61 =	vshll.u32 v42, $0x7  }
0x16f: {  	v44 =	vor.u32 s8, v1;
	v42 =	vor.u32 v26, v61;
	v43 =	vld.idx.msk [tilespmem:v43+s11+$0x0], $0xffff  }
0x170: {  	v45 =	vor.u32 v44, v27;
	_ =	sdelay $0x3  }
0x171: {  	v62 =	vshll.u32 v44, $0x7;
	[tilespmem:v42+s20+$0x0] =	vst.idx.msk $0xffff, v43  }
0x172: {  	v63 =	vor.u32 s8, v2;
	v42 =	vor.u32 v26, v62;
	v48 =	vld.idx.msk [tilespmem:v45+s11+$0x0], $0xffff  }
0x173: {  	v49 =	vor.u32 v63, v27;
	_ =	sdelay $0x3  }
0x174: {  	v51 =	vor.u32 v37, v23;
	v50 =	vshll.u32 v63, $0x7;
	[tilespmem:v42+s20+$0x0] =	vst.idx.msk $0xffff, v48  }
0x175: {  	v52 =	vor.u32 s8, v3;
	v42 =	vor.u32 v26, v50;
	v45 =	vld.idx.msk [tilespmem:v49+s11+$0x0], $0xffff  }
0x176: {  	v46 =	vor.u32 v52, v27;
	_ =	sdelay $0x1  }
0x177: {  	v53 =	vshll.u32 v37, $0x7;
	[tilespmem:v41+s20+$0x0] =	vst.idx.msk $0xffff, v40  }
0x178: {  	v54 =	vor.u32 s7, v4;
	v37 =	vor.u32 v22, v53;
	v41 =	vld.idx.msk [tilespmem:v51+s11+$0x0], $0xffff  }
0x179: {  	v55 =	vshll.u32 v52, $0x7;
	v56 =	vor.u32 v54, v23;
	[tilespmem:v42+s20+$0x0] =	vst.idx.msk $0xffff, v45  }
0x17a: {  	v57 =	vor.u32 s8, v4;
	v42 =	vor.u32 v26, v55;
	v45 =	vld.idx.msk [tilespmem:v46+s11+$0x0], $0xffff  }
0x17b: {  	v58 =	vor.u32 v57, v27;
	_ =	sdelay $0x1  }
0x17c: {  	v59 =	vshll.u32 v54, $0x7;
	[tilespmem:v37+s20+$0x0] =	vst.idx.msk $0xffff, v41  }
0x17d: {  	v60 =	vor.u32 s7, v5;
	v37 =	vor.u32 v22, v59;
	v41 =	vld.idx.msk [tilespmem:v56+s11+$0x0], $0xffff  }
0x17e: {  	v61 =	vshll.u32 v57, $0x7;
	v62 =	vor.u32 v60, v23;
	[tilespmem:v42+s20+$0x0] =	vst.idx.msk $0xffff, v45  }
0x17f: {  	v63 =	vor.u32 s8, v5;
	v42 =	vor.u32 v26, v61;
	v45 =	vld.idx.msk [tilespmem:v58+s11+$0x0], $0xffff  }
0x180: {  	v48 =	vor.u32 v63, v27;
	_ =	sdelay $0x1  }
0x181: {  	[tilespmem:v37+s20+$0x0] =	vst.idx.msk $0xffff, v41;
	v49 =	vshll.u32 v60, $0x7  }
0x182: {  	v41 =	vld.idx.msk [tilespmem:v62+s11+$0x0], $0xffff;
	v50 =	vor.u32 s7, v7;
	v37 =	vor.u32 v22, v49  }
0x183: {  	v51 =	vshll.u32 v63, $0x7;
	v52 =	vor.u32 v50, v23;
	[tilespmem:v42+s20+$0x0] =	vst.idx.msk $0xffff, v45  }
0x184: {  	v53 =	vor.u32 s8, v7;
	v42 =	vor.u32 v26, v51;
	v45 =	vld.idx.msk [tilespmem:v48+s11+$0x0], $0xffff  }
0x185: {  	v54 =	vor.u32 v53, v27  }
0x186: {  	v34 =	vshll.u32 v34, $0x7;
	[tilespmem:v36+s20+$0x0] =	vst.idx.msk $0xffff, v35  }
0x187: {  	v34 =	vor.u32 v20, v34;
	v35 =	vld.idx.msk [tilespmem:v39+s11+$0x0], $0xffff;
	v57 =	vshll.u32 v50, $0x7;
	v55 =	vor.u32 s6, v8;
	[tilespmem:v37+s20+$0x0] =	vst.idx.msk $0xffff, v41  }
0x188: {  	v59 =	vor.u32 s7, v8;
	v56 =	vor.u32 v55, v21;
	v37 =	vor.u32 v22, v57;
	v58 =	vld.idx.msk [tilespmem:v52+s11+$0x0], $0xffff  }
0x189: {  	v60 =	vshll.u32 v53, $0x7;
	v61 =	vor.u32 v59, v23;
	[tilespmem:v42+s20+$0x0] =	vst.idx.msk $0xffff, v45  }
0x18a: {  	v63 =	vor.u32 s8, v8;
	v42 =	vor.u32 v26, v60;
	v62 =	vld.idx.msk [tilespmem:v54+s11+$0x0], $0xffff  }
0x18b: {  	v48 =	vor.u32 v63, v27  }
0x18c: {  	[tilespmem:v34+s20+$0x0] =	vst.idx.msk $0xffff, v35;
	v49 =	vshll.u32 v55, $0x7  }
0x18d: {  	v50 =	vor.u32 s6, v6;
	v34 =	vor.u32 v20, v49;
	v35 =	vld.idx.msk [tilespmem:v56+s11+$0x0], $0xffff;
	v52 =	vshll.u32 v59, $0x7;
	[tilespmem:v37+s20+$0x0] =	vst.idx.msk $0xffff, v58  }
0x18e: {  	v53 =	vor.u32 s7, v6;
	v51 =	vor.u32 v50, v21;
	v37 =	vor.u32 v22, v52;
	v40 =	vld.idx.msk [tilespmem:v61+s11+$0x0], $0xffff  }
0x18f: {  	v55 =	vor.u32 v53, v23;
	v54 =	vshll.u32 v63, $0x7;
	[tilespmem:v42+s20+$0x0] =	vst.idx.msk $0xffff, v62  }
0x190: {  	v56 =	vor.u32 s8, v6;
	v42 =	vor.u32 v26, v54;
	v44 =	vld.idx.msk [tilespmem:v48+s11+$0x0], $0xffff  }
0x191: {  	[tilespmem:v32+s20+$0x0] =	vst.idx.msk $0xffff, v29;
	v57 =	vor.u32 v56, v27;
	v59 =	vshll.u32 v50, $0x7  }
0x192: {  	[tilespmem:v34+s20+$0x0] =	vst.idx.msk $0xffff, v35;
	v34 =	vor.u32 v20, v59;
	v58 =	vor.u32 v16, v38  }
0x193: {  	v47 =	vshll.u32 v53, $0x7;
	v61 =	vld.idx.msk [tilespmem:v51+s11+$0x0], $0xffff;
	v60 =	vor.u32 v28, v17;
	[tilespmem:v37+s20+$0x0] =	vst.idx.msk $0xffff, v40;
	v62 =	vor.u32 s6, v9  }
0x194: {  	v37 =	vor.u32 v22, v47;
	v40 =	vld.idx.msk [tilespmem:v55+s11+$0x0], $0xffff;
	v63 =	vor.u32 v62, v21;
	v48 =	vor.u32 s7, v9  }
0x195: {  	v33 =	vld.idx.msk [tilespmem:v33+s11+$0x0], $0xffff;
	v49 =	vshll.u32 v56, $0x7;
	v50 =	vor.u32 v48, v23;
	[tilespmem:v42+s20+$0x0] =	vst.idx.msk $0xffff, v44  }
0x196: {  	v30 =	vshll.u32 v30, $0x7;
	v51 =	vor.u32 s8, v9;
	v42 =	vor.u32 v26, v49;
	v29 =	vld.idx.msk [tilespmem:v57+s11+$0x0], $0xffff  }
0x197: {  	v30 =	vor.u32 v18, v30;
	v52 =	vor.u32 s12, v10;
	[tilespmem:v58+s20+$0x0] =	vst.idx.msk $0xffff, v31;
	v53 =	vor.u32 v51, v27  }
0x198: {  	v56 =	vshll.u32 v28, $0x7;
	[tilespmem:v34+s20+$0x0] =	vst.idx.msk $0xffff, v61;
	v35 =	vld.idx.msk [tilespmem:v60+s11+$0x0], $0xffff;
	v54 =	vor.u32 v52, v19;
	v55 =	vshll.u32 v62, $0x7  }
0x199: {  	v59 =	vor.u32 s6, v10;
	[tilespmem:v37+s20+$0x0] =	vst.idx.msk $0xffff, v40;
	v58 =	vor.u32 v20, v55;
	v61 =	vshll.u32 v48, $0x7;
	v57 =	vld.idx.msk [tilespmem:v63+s11+$0x0], $0xffff  }
0x19a: {  	v60 =	vor.u32 v59, v21;
	v37 =	vor.u32 v22, v61;
	v62 =	vld.idx.msk [tilespmem:v50+s11+$0x0], $0xffff;
	v63 =	vor.u32 s7, v10  }
0x19b: {  	v28 =	vor.u32 v16, v56;
	v48 =	vshll.u32 v51, $0x7;
	v49 =	vor.u32 v63, v23;
	[tilespmem:v42+s20+$0x0] =	vst.idx.msk $0xffff, v29  }
0x19c: {  	v55 =	vshll.u32 v59, $0x7;
	v50 =	vor.u32 s8, v10;
	v29 =	vor.u32 v26, v48;
	v31 =	vld.idx.msk [tilespmem:v53+s11+$0x0], $0xffff  }
0x19d: {  	[tilespmem:v30+s20+$0x0] =	vst.idx.msk $0xffff, v33;
	v51 =	vshll.u32 v52, $0x7;
	v30 =	vor.u32 v20, v55;
	v53 =	vor.u32 v50, v27  }
0x19e: {  	v52 =	vor.u32 s12, v11;
	v61 =	vor.u32 s7, v11;
	v32 =	vld.idx.msk [tilespmem:v54+s11+$0x0], $0xffff;
	v42 =	vor.u32 v18, v51;
	[tilespmem:v58+s20+$0x0] =	vst.idx.msk $0xffff, v57  }
0x19f: {  	v54 =	vor.u32 v52, v19;
	v59 =	vshll.u32 v63, $0x7;
	v57 =	vor.u32 s6, v11;
	[tilespmem:v37+s20+$0x0] =	vst.idx.msk $0xffff, v62;
	v56 =	vld.idx.msk [tilespmem:v60+s11+$0x0], $0xffff  }
0x1a0: {  	[tilespmem:v28+s20+$0x0] =	vst.idx.msk $0xffff, v35;
	v35 =	vor.u32 v22, v59;
	v58 =	vor.u32 v57, v21;
	v60 =	vld.idx.msk [tilespmem:v49+s11+$0x0], $0xffff  }
0x1a1: {  	v43 =	vor.u32 s4, v14;
	v63 =	vor.u32 v61, v23;
	v62 =	vshll.u32 v50, $0x7;
	[tilespmem:v29+s20+$0x0] =	vst.idx.msk $0xffff, v31  }
0x1a2: {  	v49 =	vor.u32 s8, v11;
	v50 =	vshll.u32 v52, $0x7;
	v29 =	vor.u32 v26, v62;
	v48 =	vld.idx.msk [tilespmem:v53+s11+$0x0], $0xffff  }
0x1a3: {  	v59 =	vshll.u32 v61, $0x7;
	v51 =	vor.u32 v49, v27;
	[tilespmem:v42+s20+$0x0] =	vst.idx.msk $0xffff, v32;
	v32 =	vor.u32 v18, v50  }
0x1a4: {  	v52 =	vld.idx.msk [tilespmem:v54+s11+$0x0], $0xffff;
	[tilespmem:v30+s20+$0x0] =	vst.idx.msk $0xffff, v56;
	v54 =	vshll.u32 v57, $0x7;
	v57 =	vor.u32 s6, v12;
	v53 =	vor.u32 s12, v12  }
0x1a5: {  	[tilespmem:v35+s20+$0x0] =	vst.idx.msk $0xffff, v60;
	v56 =	vld.idx.msk [tilespmem:v58+s11+$0x0], $0xffff;
	v28 =	vor.u32 v20, v54;
	v55 =	vor.u32 v53, v19  }
0x1a6: {  	v35 =	vor.u32 v22, v59;
	v60 =	vor.u32 s7, v12;
	v58 =	vor.u32 v57, v21;
	v31 =	vld.idx.msk [tilespmem:v63+s11+$0x0], $0xffff  }
0x1a7: {  	v61 =	vshll.u32 v49, $0x7;
	v62 =	vor.u32 v60, v23;
	v63 =	vor.u32 s8, v12;
	[tilespmem:v29+s20+$0x0] =	vst.idx.msk $0xffff, v48  }
0x1a8: {  	v49 =	vshll.u32 v53, $0x7;
	v50 =	vor.u32 v63, v27;
	v29 =	vor.u32 v26, v61;
	v38 =	vld.idx.msk [tilespmem:v51+s11+$0x0], $0xffff  }
0x1a9: {  	[tilespmem:v32+s20+$0x0] =	vst.idx.msk $0xffff, v52;
	v32 =	vor.u32 v18, v49;
	v52 =	vshll.u32 v57, $0x7;
	v48 =	vor.u32 v43, v17  }
0x1aa: {  	[tilespmem:v28+s20+$0x0] =	vst.idx.msk $0xffff, v56;
	v28 =	vor.u32 v20, v52;
	v51 =	vor.u32 s12, v13;
	v30 =	vld.idx.msk [tilespmem:v55+s11+$0x0], $0xffff  }
0x1ab: {  	v54 =	vor.u32 s6, v13;
	[tilespmem:v35+s20+$0x0] =	vst.idx.msk $0xffff, v31;
	v56 =	vshll.u32 v60, $0x7;
	v44 =	vld.idx.msk [tilespmem:v58+s11+$0x0], $0xffff;
	v53 =	vor.u32 v51, v19  }
0x1ac: {  	v57 =	vor.u32 s7, v13;
	v55 =	vor.u32 v54, v21;
	v58 =	vld.idx.msk [tilespmem:v62+s11+$0x0], $0xffff;
	v31 =	vor.u32 v22, v56  }
0x1ad: {  	v59 =	vshll.u32 v63, $0x7;
	v60 =	vor.u32 v57, v23;
	[tilespmem:v29+s20+$0x0] =	vst.idx.msk $0xffff, v38  }
0x1ae: {  	v45 =	vor.u32 s4, v15;
	v61 =	vor.u32 s8, v13;
	v29 =	vor.u32 v26, v59;
	v62 =	vld.idx.msk [tilespmem:v50+s11+$0x0], $0xffff  }
0x1af: {  	v47 =	vor.u32 s6, v15;
	v49 =	vor.u32 v61, v27;
	v40 =	vld.idx.msk [tilespmem:v48+s11+$0x0], $0xffff;
	v48 =	vshll.u32 v51, $0x7;
	[tilespmem:v32+s20+$0x0] =	vst.idx.msk $0xffff, v30  }
0x1b0: {  	v63 =	vshll.u32 v43, $0x7;
	v51 =	vshll.u32 v54, $0x7;
	v30 =	vor.u32 v18, v48;
	[tilespmem:v28+s20+$0x0] =	vst.idx.msk $0xffff, v44;
	v33 =	vld.idx.msk [tilespmem:v53+s11+$0x0], $0xffff  }
0x1b1: {  	v56 =	vor.u32 s7, v14;
	v28 =	vor.u32 v20, v51;
	[tilespmem:v31+s20+$0x0] =	vst.idx.msk $0xffff, v58;
	v50 =	vor.u32 s12, v14;
	v44 =	vld.idx.msk [tilespmem:v55+s11+$0x0], $0xffff  }
0x1b2: {  	v53 =	vor.u32 s6, v14;
	v55 =	vshll.u32 v57, $0x7;
	v36 =	vld.idx.msk [tilespmem:v60+s11+$0x0], $0xffff;
	v52 =	vor.u32 v50, v19  }
0x1b3: {  	v57 =	vshll.u32 v61, $0x7;
	v54 =	vor.u32 v53, v21;
	v31 =	vor.u32 v22, v55;
	[tilespmem:v29+s20+$0x0] =	vst.idx.msk $0xffff, v62  }
0x1b4: {  	v58 =	vor.u32 v56, v23;
	v59 =	vor.u32 s8, v14;
	v29 =	vor.u32 v26, v57;
	v32 =	vld.idx.msk [tilespmem:v49+s11+$0x0], $0xffff  }
0x1b5: {  	v41 =	vor.u32 v16, v63;
	v61 =	vor.u32 v59, v27;
	v43 =	vshll.u32 v53, $0x7  }
0x1b6: {  	v17 =	vor.u32 v45, v17;
	v60 =	vshll.u32 v50, $0x7;
	v43 =	vor.u32 v20, v43;
	[tilespmem:v30+s20+$0x0] =	vst.idx.msk $0xffff, v33  }
0x1b7: {  	v50 =	vshll.u32 v56, $0x7;
	v62 =	vor.u32 s12, v15;
	v30 =	vor.u32 v18, v60;
	[tilespmem:v28+s20+$0x0] =	vst.idx.msk $0xffff, v44;
	v34 =	vld.idx.msk [tilespmem:v52+s11+$0x0], $0xffff  }
0x1b8: {  	v63 =	vor.u32 v62, v19;
	v48 =	vld.idx.msk [tilespmem:v54+s11+$0x0], $0xffff;
	v49 =	vor.u32 v47, v21;
	[tilespmem:v31+s20+$0x0] =	vst.idx.msk $0xffff, v36  }
0x1b9: {  	v51 =	vor.u32 s7, v15;
	v31 =	vor.u32 v22, v50;
	v52 =	vshll.u32 v59, $0x7;
	v36 =	vld.idx.msk [tilespmem:v58+s11+$0x0], $0xffff;
	[tilespmem:v29+s20+$0x0] =	vst.idx.msk $0xffff, v32  }
0x1ba: {  	v53 =	vor.u32 v51, v23;
	v54 =	vor.u32 s8, v15;
	v29 =	vor.u32 v26, v52;
	v33 =	vld.idx.msk [tilespmem:v61+s11+$0x0], $0xffff  }
0x1bb: {  	v55 =	vshll.u32 v45, $0x7;
	[tilespmem:v41+s20+$0x0] =	vst.idx.msk $0xffff, v40;
	v27 =	vor.u32 v54, v27  }
0x1bc: {  	v16 =	vor.u32 v16, v55;
	v17 =	vld.idx.msk [tilespmem:v17+s11+$0x0], $0xffff;
	v56 =	vshll.u32 v62, $0x7;
	[tilespmem:v30+s20+$0x0] =	vst.idx.msk $0xffff, v34  }
0x1bd: {  	v28 =	vshll.u32 v47, $0x7;
	v57 =	vor.u32 v18, v56;
	[tilespmem:v43+s20+$0x0] =	vst.idx.msk $0xffff, v48;
	v19 =	vld.idx.msk [tilespmem:v63+s11+$0x0], $0xffff  }
0x1be: {  	v59 =	vshll.u32 v51, $0x7;
	v58 =	vor.u32 v20, v28;
	v21 =	vld.idx.msk [tilespmem:v49+s11+$0x0], $0xffff;
	[tilespmem:v31+s20+$0x0] =	vst.idx.msk $0xffff, v36  }
0x1bf: {  	v60 =	vor.u32 v22, v59;
	v61 =	vshll.u32 v54, $0x7;
	v23 =	vld.idx.msk [tilespmem:v53+s11+$0x0], $0xffff;
	[tilespmem:v29+s20+$0x0] =	vst.idx.msk $0xffff, v33  }
0x1c0: {  	[tilespmem:v25+s20+$0x0] =	vst.idx.msk $0xffff, v24;
	v63 =	vor.u32 v26, v61;
	v62 =	vld.idx.msk [tilespmem:v27+s11+$0x0], $0xffff  }
0x1c1: {  	p1 =	sne.s32 s31, $0x0;
	s12 =	sadd.s32 s1, s5;
	[tilespmem:v16+s20+$0x0] =	vst.idx.msk $0xffff, v17  }
.Ltmp2:
0x1c2: {  	s28 =	sadd.s32 $0x80, s12;
	[tilespmem:v57+s20+$0x0] =	vst.idx.msk $0xffff, v19;
	(pc) =	sbr.rel @!p1 .LBB2_7-.Ltmp2, $4  }
0x1c3: {  	s30 =	sshll.u32 s28, $0x3;
	s4 =	sand.u32 $0x3E80, s28;
	[tilespmem:v58+s20+$0x0] =	vst.idx.msk $0xffff, v21  }
0x1c4: {  	s6 =	sand.u32 $0xFFE0000, s30;
	s4 =	sadd.s32 s3, s4;
	[tilespmem:v60+s20+$0x0] =	vst.idx.msk $0xffff, v23  }
0x1c5: {  	s4 =	sadd.s32 s6, s4;
	[tilespmem:v63+s20+$0x0] =	vst.idx.msk $0xffff, v62  }
0x1c6: {  	[hbm4b:s4+s17] =	stream.strided.scatter [tilespmem:s20], [sflag:$0x6], $0x2000, s18, s17, $0x38;
	[tilespmem:$0x1E400] =	vst v63  }
0x1c7: {  	s4 =	simm.s32 $0x7  }
0x1c8: {  	_ =	swait.ge [sflag:s4], $0x2000  }
.Ltmp3:
0x1c9: {  	[sflag:s4] =	ssyncset.done $0x0;
	(pc) =	sbr.rel @p0 .LBB2_10-.Ltmp3, $4  }
.Ltmp4:
0x1ca: {  	[sflag:s4] =	ssyncadd.s32 $0xFFFFE000;
	(pc) =	sbr.rel @!p0 .LBB2_9-.Ltmp4, $4  }
0x1cb: {  	_ =	swait.ge [sflag:s21], $0x4000  }
0x1cc: {  	[sflag:s21] =	ssyncset.done $0x0  }
0x1cd: {  	[sflag:s21] =	ssyncadd.s32 $0xFFFFC000  }
0x1ce: {  	_ = 	snop  }
.LBB2_7:
0x1cf: {  	_ =	swait.ge [sflag:s21], $0x4000  }
0x1d0: {  	[sflag:s21] =	ssyncset.done $0x0  }
0x1d1: {  	[sflag:s21] =	ssyncadd.s32 $0xFFFFC000  }
.LBB2_9:
0x1d2: {  	s4 =	sand.u32 $0x3FFFFE00, s1  }
0x1d3: {  	s4 =	sadd.s32 $0x280, s4  }
0x1d4: {  	[tilespmem:s11], [sflag:$0x2] =	stream.indirect.gather [hbm4b:s0+s9], $0x80, s4, s9, $0xb8;
	[tilespmem:$0x1E400] =	vst v63  }
.LBB2_10:
0x1d5: {  	s4 =	simm.s32 $0x0  }
0x1d6: {  	s6 =	sand.u32 $0x70, s4  }
0x1d7: {  	s25 =	sand.u32 $0x30, s4;
	v25 =	vor.u32 s6, v0  }
0x1d8: {  	v16 =	vor.u32 s25, v0;
	v24 =	vshll.u32 v25, $0x7  }
0x1d9: {  	v17 =	vor.u32 v16, v24;
	_ =	sdelay $0x3  }
0x1da: {  	v16 =	vshll.u32 v16, $0x7  }
0x1db: {  	v18 =	vor.u32 s25, v1;
	v16 =	vor.u32 v25, v16;
	v17 =	vld.idx.msk [tilespmem:v17+s13+$0x0], $0xffff  }
0x1dc: {  	v19 =	vor.u32 v18, v24;
	_ =	sdelay $0x3  }
0x1dd: {  	[tilespmem:v16+s22+$0x0] =	vst.idx.msk $0xffff, v17;
	v16 =	vshll.u32 v18, $0x7  }
0x1de: {  	v17 =	vor.u32 s25, v2;
	v18 =	vld.idx.msk [tilespmem:v19+s13+$0x0], $0xffff;
	v16 =	vor.u32 v25, v16  }
0x1df: {  	v19 =	vor.u32 v17, v24;
	_ =	sdelay $0x3  }
0x1e0: {  	s6 =	simm.s32 $0x4;
	[tilespmem:v16+s22+$0x0] =	vst.idx.msk $0xffff, v18;
	v16 =	vshll.u32 v17, $0x7  }
0x1e1: {  	s7 =	simm.s32 $0x10;
	s4 =	sand.u32 $0x70, s6;
	v18 =	vor.u32 s25, v3;
	v19 =	vld.idx.msk [tilespmem:v19+s13+$0x0], $0xffff;
	v20 =	vor.u32 v25, v16  }
0x1e2: {  	s6 =	sand.u32 $0x30, s7;
	v16 =	vor.u32 s4, v0;
	v21 =	vor.u32 v18, v24  }
0x1e3: {  	v22 =	vor.u32 s6, v0;
	v17 =	vshll.u32 v16, $0x7  }
0x1e4: {  	v23 =	vor.u32 v22, v17;
	_ =	sdelay $0x1  }
0x1e5: {  	v18 =	vshll.u32 v18, $0x7;
	[tilespmem:v20+s22+$0x0] =	vst.idx.msk $0xffff, v19  }
0x1e6: {  	v18 =	vor.u32 v25, v18;
	v19 =	vor.u32 s25, v4;
	v20 =	vld.idx.msk [tilespmem:v21+s13+$0x0], $0xffff  }
0x1e7: {  	v21 =	vshll.u32 v22, $0x7;
	v22 =	vor.u32 v19, v24  }
0x1e8: {  	v26 =	vor.u32 s6, v1;
	v23 =	vld.idx.msk [tilespmem:v23+s13+$0x0], $0xffff;
	v21 =	vor.u32 v16, v21  }
0x1e9: {  	v27 =	vor.u32 v26, v17;
	_ =	sdelay $0x1  }
0x1ea: {  	[tilespmem:v18+s22+$0x0] =	vst.idx.msk $0xffff, v20;
	v18 =	vshll.u32 v19, $0x7  }
0x1eb: {  	v19 =	vor.u32 s25, v5;
	v20 =	vld.idx.msk [tilespmem:v22+s13+$0x0], $0xffff;
	v18 =	vor.u32 v25, v18  }
0x1ec: {  	[tilespmem:v21+s22+$0x0] =	vst.idx.msk $0xffff, v23;
	v21 =	vshll.u32 v26, $0x7;
	v22 =	vor.u32 v19, v24  }
0x1ed: {  	v23 =	vor.u32 s6, v2;
	v26 =	vld.idx.msk [tilespmem:v27+s13+$0x0], $0xffff;
	v21 =	vor.u32 v16, v21  }
0x1ee: {  	v27 =	vor.u32 v23, v17;
	_ =	sdelay $0x1  }
0x1ef: {  	[tilespmem:v18+s22+$0x0] =	vst.idx.msk $0xffff, v20;
	v18 =	vshll.u32 v19, $0x7  }
0x1f0: {  	s8 =	simm.s32 $0x8;
	v20 =	vor.u32 s25, v7;
	v22 =	vld.idx.msk [tilespmem:v22+s13+$0x0], $0xffff;
	v28 =	vor.u32 v25, v18  }
0x1f1: {  	s8 =	sand.u32 $0x70, s8;
	s7 =	simm.s32 $0x20;
	[tilespmem:v21+s22+$0x0] =	vst.idx.msk $0xffff, v26;
	v18 =	vshll.u32 v23, $0x7;
	v21 =	vor.u32 v20, v24  }
0x1f2: {  	s4 =	sand.u32 $0x30, s7;
	v23 =	vor.u32 s6, v3;
	v26 =	vld.idx.msk [tilespmem:v27+s13+$0x0], $0xffff;
	v27 =	vor.u32 v16, v18;
	v18 =	vor.u32 s8, v0  }
0x1f3: {  	v29 =	vor.u32 s4, v0;
	v30 =	vor.u32 v23, v17;
	v19 =	vshll.u32 v18, $0x7  }
0x1f4: {  	v31 =	vor.u32 v29, v19  }
0x1f5: {  	v20 =	vshll.u32 v20, $0x7;
	[tilespmem:v28+s22+$0x0] =	vst.idx.msk $0xffff, v22  }
0x1f6: {  	v20 =	vor.u32 v25, v20;
	v22 =	vor.u32 s25, v8;
	v21 =	vld.idx.msk [tilespmem:v21+s13+$0x0], $0xffff  }
0x1f7: {  	v23 =	vshll.u32 v23, $0x7;
	[tilespmem:v27+s22+$0x0] =	vst.idx.msk $0xffff, v26;
	v26 =	vor.u32 v22, v24  }
0x1f8: {  	v23 =	vor.u32 v16, v23;
	v29 =	vshll.u32 v29, $0x7;
	v27 =	vor.u32 s6, v4;
	v28 =	vld.idx.msk [tilespmem:v30+s13+$0x0], $0xffff  }
0x1f9: {  	v29 =	vor.u32 v18, v29;
	v30 =	vor.u32 s4, v1;
	v32 =	vor.u32 v27, v17;
	v31 =	vld.idx.msk [tilespmem:v31+s13+$0x0], $0xffff  }
0x1fa: {  	v33 =	vor.u32 v30, v19  }
0x1fb: {  	[tilespmem:v20+s22+$0x0] =	vst.idx.msk $0xffff, v21;
	v20 =	vshll.u32 v22, $0x7  }
0x1fc: {  	v22 =	vor.u32 s25, v6;
	v21 =	vld.idx.msk [tilespmem:v26+s13+$0x0], $0xffff;
	v20 =	vor.u32 v25, v20  }
0x1fd: {  	[tilespmem:v23+s22+$0x0] =	vst.idx.msk $0xffff, v28;
	v23 =	vshll.u32 v27, $0x7;
	v26 =	vor.u32 v22, v24  }
0x1fe: {  	v27 =	vor.u32 s6, v5;
	v28 =	vld.idx.msk [tilespmem:v32+s13+$0x0], $0xffff;
	[tilespmem:v29+s22+$0x0] =	vst.idx.msk $0xffff, v31;
	v29 =	vshll.u32 v30, $0x7;
	v23 =	vor.u32 v16, v23  }
0x1ff: {  	v30 =	vor.u32 s4, v2;
	v39 =	vor.u32 v27, v17;
	v31 =	vld.idx.msk [tilespmem:v33+s13+$0x0], $0xffff;
	v29 =	vor.u32 v18, v29  }
0x200: {  	v40 =	vor.u32 v30, v19  }
0x201: {  	[tilespmem:v20+s22+$0x0] =	vst.idx.msk $0xffff, v21;
	v20 =	vshll.u32 v22, $0x7  }
0x202: {  	v34 =	vor.u32 s25, v9;
	v22 =	vld.idx.msk [tilespmem:v26+s13+$0x0], $0xffff;
	v26 =	vor.u32 v25, v20  }
0x203: {  	[tilespmem:v23+s22+$0x0] =	vst.idx.msk $0xffff, v28;
	v20 =	vshll.u32 v27, $0x7;
	v27 =	vor.u32 v34, v24  }
0x204: {  	s26 =	simm.s32 $0xC;
	s8 =	simm.s32 $0x30;
	v21 =	vshll.u32 v30, $0x7;
	v23 =	vor.u32 s6, v7;
	v32 =	vld.idx.msk [tilespmem:v39+s13+$0x0], $0xffff;
	[tilespmem:v29+s22+$0x0] =	vst.idx.msk $0xffff, v31;
	v29 =	vor.u32 v16, v20  }
0x205: {  	s26 =	sand.u32 $0x70, s26;
	s7 =	sand.u32 $0x30, s8;
	v41 =	vor.u32 v18, v21;
	v31 =	vor.u32 v23, v17;
	v30 =	vld.idx.msk [tilespmem:v40+s13+$0x0], $0xffff  }
0x206: {  	v35 =	vor.u32 s7, v0;
	v28 =	vor.u32 s4, v3;
	v20 =	vor.u32 s26, v0  }
0x207: {  	v36 =	vor.u32 v28, v19;
	v21 =	vshll.u32 v20, $0x7;
	[tilespmem:v26+s22+$0x0] =	vst.idx.msk $0xffff, v22;
	v22 =	vshll.u32 v34, $0x7  }
0x208: {  	v42 =	vor.u32 s25, v10;
	v26 =	vor.u32 v35, v21;
	v27 =	vld.idx.msk [tilespmem:v27+s13+$0x0], $0xffff;
	v22 =	vor.u32 v25, v22  }
0x209: {  	v23 =	vshll.u32 v23, $0x7;
	[tilespmem:v29+s22+$0x0] =	vst.idx.msk $0xffff, v32;
	v29 =	vor.u32 v42, v24  }
0x20a: {  	v23 =	vor.u32 v16, v23;
	v31 =	vld.idx.msk [tilespmem:v31+s13+$0x0], $0xffff;
	[tilespmem:v41+s22+$0x0] =	vst.idx.msk $0xffff, v30;
	v30 =	vor.u32 s6, v8  }
0x20b: {  	v43 =	vor.u32 s4, v4;
	v28 =	vshll.u32 v28, $0x7;
	v44 =	vor.u32 v30, v17  }
0x20c: {  	v38 =	vor.u32 v43, v19;
	v28 =	vor.u32 v18, v28;
	v35 =	vshll.u32 v35, $0x7;
	v33 =	vld.idx.msk [tilespmem:v36+s13+$0x0], $0xffff  }
0x20d: {  	v37 =	vor.u32 s7, v1;
	v26 =	vld.idx.msk [tilespmem:v26+s13+$0x0], $0xffff;
	[tilespmem:v22+s22+$0x0] =	vst.idx.msk $0xffff, v27;
	v22 =	vor.u32 v20, v35;
	v27 =	vshll.u32 v42, $0x7  }
0x20e: {  	v46 =	vor.u32 s25, v11;
	v45 =	vor.u32 v37, v21;
	v29 =	vld.idx.msk [tilespmem:v29+s13+$0x0], $0xffff;
	v27 =	vor.u32 v25, v27  }
0x20f: {  	v51 =	vor.u32 s25, v12;
	[tilespmem:v23+s22+$0x0] =	vst.idx.msk $0xffff, v31;
	v23 =	vshll.u32 v30, $0x7;
	v30 =	vor.u32 v46, v24  }
0x210: {  	v52 =	vor.u32 s25, v13;
	v47 =	vor.u32 s6, v6;
	v31 =	vld.idx.msk [tilespmem:v44+s13+$0x0], $0xffff;
	v23 =	vor.u32 v16, v23  }
0x211: {  	v59 =	vor.u32 v52, v24;
	v48 =	vor.u32 v47, v17;
	v32 =	vshll.u32 v43, $0x7;
	[tilespmem:v28+s22+$0x0] =	vst.idx.msk $0xffff, v33  }
0x212: {  	v62 =	vor.u32 s25, v14;
	v28 =	vor.u32 s4, v5;
	v38 =	vld.idx.msk [tilespmem:v38+s13+$0x0], $0xffff;
	[tilespmem:v22+s22+$0x0] =	vst.idx.msk $0xffff, v26;
	v26 =	vor.u32 v18, v32  }
0x213: {  	v53 =	vor.u32 s6, v9;
	v50 =	vor.u32 v28, v19;
	v22 =	vshll.u32 v37, $0x7;
	v49 =	vld.idx.msk [tilespmem:v45+s13+$0x0], $0xffff;
	[tilespmem:v27+s22+$0x0] =	vst.idx.msk $0xffff, v29  }
0x214: {  	v39 =	vor.u32 s7, v2;
	v22 =	vor.u32 v20, v22;
	v29 =	vshll.u32 v46, $0x7;
	v27 =	vld.idx.msk [tilespmem:v30+s13+$0x0], $0xffff  }
0x215: {  	v30 =	vor.u32 v39, v21;
	[tilespmem:v23+s22+$0x0] =	vst.idx.msk $0xffff, v31;
	v23 =	vor.u32 v25, v29;
	v29 =	vshll.u32 v47, $0x7  }
0x216: {  	v57 =	vshll.u32 v53, $0x7;
	v31 =	vor.u32 v51, v24;
	v33 =	vld.idx.msk [tilespmem:v48+s13+$0x0], $0xffff;
	v29 =	vor.u32 v16, v29  }
0x217: {  	v63 =	vor.u32 s4, v8;
	v54 =	vor.u32 v53, v17;
	s26 =	simm.s32 $0x40;
	v28 =	vshll.u32 v28, $0x7;
	[tilespmem:v26+s22+$0x0] =	vst.idx.msk $0xffff, v38  }
0x218: {  	v40 =	vor.u32 s7, v3;
	s8 =	sand.u32 $0x30, s26;
	s26 =	simm.s32 $0x10;
	v28 =	vor.u32 v18, v28;
	v26 =	vor.u32 s4, v7;
	v34 =	vld.idx.msk [tilespmem:v50+s13+$0x0], $0xffff  }
0x219: {  	s26 =	sand.u32 $0x70, s26;
	v42 =	vor.u32 s6, v10;
	[tilespmem:v22+s22+$0x0] =	vst.idx.msk $0xffff, v49;
	v22 =	vshll.u32 v39, $0x7;
	v55 =	vor.u32 v26, v19  }
0x21a: {  	v30 =	vld.idx.msk [tilespmem:v30+s13+$0x0], $0xffff;
	v41 =	vor.u32 v20, v22;
	[tilespmem:v23+s22+$0x0] =	vst.idx.msk $0xffff, v27;
	v23 =	vshll.u32 v51, $0x7;
	v22 =	vor.u32 s26, v0  }
0x21b: {  	v27 =	vor.u32 v40, v21;
	v31 =	vld.idx.msk [tilespmem:v31+s13+$0x0], $0xffff;
	[tilespmem:v29+s22+$0x0] =	vst.idx.msk $0xffff, v33;
	v29 =	vor.u32 v25, v23  }
0x21c: {  	v56 =	vor.u32 s8, v0;
	v61 =	vor.u32 v42, v17;
	v23 =	vshll.u32 v22, $0x7  }
0x21d: {  	v58 =	vld.idx.msk [tilespmem:v54+s13+$0x0], $0xffff;
	v60 =	vor.u32 v56, v23;
	[tilespmem:v28+s22+$0x0] =	vst.idx.msk $0xffff, v34;
	v28 =	vor.u32 v16, v57  }
0x21e: {  	v44 =	vor.u32 v63, v19;
	v26 =	vshll.u32 v26, $0x7;
	v49 =	vor.u32 v62, v24  }
0x21f: {  	v43 =	vor.u32 s8, v1;
	v26 =	vor.u32 v18, v26;
	v40 =	vshll.u32 v40, $0x7;
	v32 =	vld.idx.msk [tilespmem:v55+s13+$0x0], $0xffff;
	[tilespmem:v41+s22+$0x0] =	vst.idx.msk $0xffff, v30  }
0x220: {  	v47 =	vshll.u32 v56, $0x7;
	v27 =	vld.idx.msk [tilespmem:v27+s13+$0x0], $0xffff;
	[tilespmem:v29+s22+$0x0] =	vst.idx.msk $0xffff, v31;
	v29 =	vor.u32 v20, v40;
	v31 =	vshll.u32 v52, $0x7  }
0x221: {  	v56 =	vor.u32 s25, v15;
	v30 =	vor.u32 s7, v4;
	v37 =	vld.idx.msk [tilespmem:v59+s13+$0x0], $0xffff;
	v31 =	vor.u32 v25, v31  }
0x222: {  	v48 =	vor.u32 v30, v21;
	v38 =	vld.idx.msk [tilespmem:v60+s13+$0x0], $0xffff;
	[tilespmem:v28+s22+$0x0] =	vst.idx.msk $0xffff, v58;
	v28 =	vor.u32 v22, v47  }
0x223: {  	v50 =	vshll.u32 v42, $0x7;
	v51 =	vor.u32 v43, v23;
	v24 =	vor.u32 v56, v24  }
0x224: {  	v52 =	vor.u32 s6, v11;
	v30 =	vshll.u32 v30, $0x7;
	v33 =	vld.idx.msk [tilespmem:v61+s13+$0x0], $0xffff;
	[tilespmem:v26+s22+$0x0] =	vst.idx.msk $0xffff, v32;
	v26 =	vor.u32 v16, v50  }
0x225: {  	v53 =	vshll.u32 v63, $0x7;
	v54 =	vor.u32 v52, v17;
	v30 =	vor.u32 v20, v30;
	[tilespmem:v29+s22+$0x0] =	vst.idx.msk $0xffff, v27  }
0x226: {  	v45 =	vor.u32 s7, v5;
	v55 =	vld.idx.msk [tilespmem:v44+s13+$0x0], $0xffff;
	v27 =	vor.u32 v18, v53;
	v29 =	vor.u32 s4, v6;
	[tilespmem:v31+s22+$0x0] =	vst.idx.msk $0xffff, v37  }
0x227: {  	v34 =	vor.u32 s7, v7;
	v57 =	vld.idx.msk [tilespmem:v48+s13+$0x0], $0xffff;
	v58 =	vor.u32 v29, v19;
	[tilespmem:v28+s22+$0x0] =	vst.idx.msk $0xffff, v38;
	v28 =	vshll.u32 v62, $0x7  }
0x228: {  	v60 =	vshll.u32 v43, $0x7;
	v61 =	vor.u32 v45, v21;
	v59 =	vld.idx.msk [tilespmem:v49+s13+$0x0], $0xffff;
	v62 =	vor.u32 v25, v28  }
0x229: {  	v31 =	vor.u32 s8, v2;
	v40 =	vld.idx.msk [tilespmem:v51+s13+$0x0], $0xffff;
	[tilespmem:v26+s22+$0x0] =	vst.idx.msk $0xffff, v33;
	v26 =	vor.u32 v22, v60;
	v28 =	vshll.u32 v52, $0x7  }
0x22a: {  	v48 =	vor.u32 s6, v12;
	v46 =	vor.u32 v31, v23;
	v63 =	vld.idx.msk [tilespmem:v54+s13+$0x0], $0xffff;
	v47 =	vor.u32 v16, v28  }
0x22b: {  	v39 =	vor.u32 v34, v21;
	v49 =	vor.u32 v48, v17;
	[tilespmem:v27+s22+$0x0] =	vst.idx.msk $0xffff, v55;
	v27 =	vshll.u32 v29, $0x7  }
0x22c: {  	s26 =	simm.s32 $0x50;
	v29 =	vld.idx.msk [tilespmem:v58+s13+$0x0], $0xffff;
	[tilespmem:v30+s22+$0x0] =	vst.idx.msk $0xffff, v57;
	v32 =	vor.u32 v18, v27;
	v30 =	vor.u32 s4, v9  }
0x22d: {  	s25 =	sand.u32 $0x30, s26;
	v27 =	vshll.u32 v45, $0x7;
	v35 =	vld.idx.msk [tilespmem:v61+s13+$0x0], $0xffff;
	v33 =	vor.u32 v30, v19;
	[tilespmem:v62+s22+$0x0] =	vst.idx.msk $0xffff, v59  }
0x22e: {  	v42 =	vor.u32 s25, v0;
	v36 =	vor.u32 v20, v27;
	v27 =	vshll.u32 v56, $0x7;
	[tilespmem:v26+s22+$0x0] =	vst.idx.msk $0xffff, v40;
	v24 =	vld.idx.msk [tilespmem:v24+s13+$0x0], $0xffff  }
0x22f: {  	s26 =	simm.s32 $0x14;
	v37 =	vor.u32 s8, v3;
	v25 =	vor.u32 v25, v27;
	v26 =	vshll.u32 v31, $0x7;
	v40 =	vld.idx.msk [tilespmem:v46+s13+$0x0], $0xffff;
	[tilespmem:v47+s22+$0x0] =	vst.idx.msk $0xffff, v63  }
0x230: {  	s30 =	simm.s32 $0x60;
	s28 =	sand.u32 $0x70, s26;
	v38 =	vshll.u32 v48, $0x7;
	v28 =	vor.u32 s6, v13;
	v41 =	vor.u32 v22, v26;
	v31 =	vld.idx.msk [tilespmem:v49+s13+$0x0], $0xffff  }
.LBB2_11:
0x231: {  	p2 =	sne.s32 s30, $0x1F0;
	v26 =	vor.u32 s28, v0;
	v27 =	vor.u32 v37, v23;
	[tilespmem:v32+s22+$0x0] =	vst.idx.msk $0xffff, v29;
	v29 =	vor.u32 v16, v38  }
0x232: {  	v30 =	vshll.u32 v30, $0x7;
	v43 =	vmovc v20;
	v20 =	vmovc v22;
	v38 =	vshll.u32 v26, $0x7;
	v32 =	vld.idx.msk [tilespmem:v33+s13+$0x0], $0xffff;
	v33 =	vor.u32 v28, v17  }
0x233: {  	v30 =	vor.u32 v18, v30;
	v44 =	vor.u32 v42, v38;
	[tilespmem:v36+s22+$0x0] =	vst.idx.msk $0xffff, v35;
	v35 =	vor.u32 s4, v10  }
0x234: {  	v45 =	vshll.u32 v34, $0x7;
	v36 =	vld.idx.msk [tilespmem:v39+s13+$0x0], $0xffff;
	v34 =	vor.u32 v35, v19;
	v39 =	vor.u32 s6, v14;
	[tilespmem:v25+s22+$0x0] =	vst.idx.msk $0xffff, v24  }
0x235: {  	v22 =	vmovc v26;
	v24 =	vor.u32 s8, v4;
	v25 =	vor.u32 v43, v45;
	[tilespmem:v41+s22+$0x0] =	vst.idx.msk $0xffff, v40;
	v40 =	vor.u32 s7, v8  }
0x236: {  	v37 =	vshll.u32 v37, $0x7;
	v26 =	vor.u32 s25, v1;
	v27 =	vld.idx.msk [tilespmem:v27+s13+$0x0], $0xffff;
	v41 =	vor.u32 v40, v21;
	[tilespmem:v29+s22+$0x0] =	vst.idx.msk $0xffff, v31  }
0x237: {  	v28 =	vshll.u32 v28, $0x7;
	v29 =	vshll.u32 v42, $0x7;
	v31 =	vor.u32 v20, v37;
	v33 =	vld.idx.msk [tilespmem:v33+s13+$0x0], $0xffff  }
0x238: {  	v28 =	vor.u32 v16, v28;
	v42 =	vor.u32 v24, v23;
	v37 =	vld.idx.msk [tilespmem:v44+s13+$0x0], $0xffff;
	[tilespmem:v30+s22+$0x0] =	vst.idx.msk $0xffff, v32  }
0x239: {  	v29 =	vor.u32 v22, v29;
	v32 =	vshll.u32 v35, $0x7;
	v30 =	vld.idx.msk [tilespmem:v34+s13+$0x0], $0xffff;
	v34 =	vor.u32 v39, v17  }
0x23a: {  	v35 =	vor.u32 v26, v38;
	[tilespmem:v25+s22+$0x0] =	vst.idx.msk $0xffff, v36;
	v25 =	vor.u32 v18, v32;
	v32 =	vor.u32 s4, v11  }
0x23b: {  	v40 =	vshll.u32 v40, $0x7;
	v44 =	vor.u32 s6, v15;
	s6 =	smov.u32 s4;
	s4 =	smov.u32 s7;
	s7 =	smov.u32 s8;
	v36 =	vld.idx.msk [tilespmem:v41+s13+$0x0], $0xffff;
	v41 =	vor.u32 v32, v19  }
0x23c: {  	s8 =	smov.u32 s25;
	[tilespmem:v31+s22+$0x0] =	vst.idx.msk $0xffff, v27;
	v27 =	vor.u32 s7, v5;
	v31 =	vor.u32 v43, v40;
	v40 =	vor.u32 s4, v6  }
0x23d: {  	v24 =	vshll.u32 v24, $0x7;
	v45 =	vor.u32 s8, v2;
	v42 =	vld.idx.msk [tilespmem:v42+s13+$0x0], $0xffff;
	v46 =	vor.u32 v40, v21;
	[tilespmem:v28+s22+$0x0] =	vst.idx.msk $0xffff, v33  }
0x23e: {  	v24 =	vor.u32 v20, v24;
	v26 =	vshll.u32 v26, $0x7;
	v28 =	vshll.u32 v39, $0x7;
	[tilespmem:v29+s22+$0x0] =	vst.idx.msk $0xffff, v37;
	v47 =	vld.idx.msk [tilespmem:v34+s13+$0x0], $0xffff  }
0x23f: {  	v33 =	vor.u32 v27, v23;
	v39 =	vld.idx.msk [tilespmem:v35+s13+$0x0], $0xffff;
	[tilespmem:v25+s22+$0x0] =	vst.idx.msk $0xffff, v30;
	v25 =	vor.u32 v16, v28  }
0x240: {  	v26 =	vor.u32 v22, v26;
	v48 =	vor.u32 v44, v17;
	v17 =	vmovc v19;
	v28 =	vshll.u32 v32, $0x7;
	v41 =	vld.idx.msk [tilespmem:v41+s13+$0x0], $0xffff  }
0x241: {  	v50 =	vor.u32 s6, v12;
	v49 =	vor.u32 v45, v38;
	[tilespmem:v31+s22+$0x0] =	vst.idx.msk $0xffff, v36;
	v31 =	vor.u32 v18, v28  }
0x242: {  	v19 =	vmovc v21;
	v21 =	vmovc v23;
	v30 =	vshll.u32 v40, $0x7;
	v28 =	vor.u32 s6, v13;
	v29 =	vld.idx.msk [tilespmem:v46+s13+$0x0], $0xffff;
	v46 =	vor.u32 v50, v17  }
.Ltmp5:
0x243: {  	v23 =	vmovc v38;
	v34 =	vor.u32 s7, v7;
	v32 =	vor.u32 v43, v30;
	v30 =	vor.u32 s4, v9;
	[tilespmem:v24+s22+$0x0] =	vst.idx.msk $0xffff, v42;
	(pc) =	sbr.rel @p2 .LBB2_11-.Ltmp5, $4  }
0x244: {  	v37 =	vor.u32 s8, v3;
	v24 =	vshll.u32 v27, $0x7;
	v35 =	vld.idx.msk [tilespmem:v33+s13+$0x0], $0xffff;
	v33 =	vor.u32 v30, v19;
	[tilespmem:v25+s22+$0x0] =	vst.idx.msk $0xffff, v47  }
0x245: {  	v36 =	vor.u32 v20, v24;
	v25 =	vshll.u32 v44, $0x7;
	[tilespmem:v26+s22+$0x0] =	vst.idx.msk $0xffff, v39;
	v26 =	vshll.u32 v45, $0x7;
	v24 =	vld.idx.msk [tilespmem:v48+s13+$0x0], $0xffff  }
0x246: {  	s26 =	sadd.s32 $0x4, s26;
	s25 =	sand.u32 $0x30, s30;
	v39 =	vor.u32 v34, v21;
	v25 =	vor.u32 v16, v25;
	v40 =	vld.idx.msk [tilespmem:v49+s13+$0x0], $0xffff;
	[tilespmem:v31+s22+$0x0] =	vst.idx.msk $0xffff, v41  }
0x247: {  	s28 =	sand.u32 $0x70, s26;
	s30 =	sadd.s32 $0x10, s30;
	v38 =	vshll.u32 v50, $0x7;
	v42 =	vor.u32 s25, v0;
	v16 =	vmovc v18;
	v18 =	vmovc v43;
	v41 =	vor.u32 v22, v26;
	v31 =	vld.idx.msk [tilespmem:v46+s13+$0x0], $0xffff  }
0x248: {  	v26 =	vor.u32 s28, v0  }
0x249: {  	v27 =	vshll.u32 v26, $0x7  }
0x24a: {  	v43 =	vor.u32 v42, v27;
	_ =	sdelay $0x3  }
0x24b: {  	v61 =	vshll.u32 v42, $0x7  }
0x24c: {  	v44 =	vor.u32 s25, v1;
	v42 =	vor.u32 v26, v61;
	v43 =	vld.idx.msk [tilespmem:v43+s13+$0x0], $0xffff  }
0x24d: {  	v45 =	vor.u32 v44, v27;
	_ =	sdelay $0x3  }
0x24e: {  	v62 =	vshll.u32 v44, $0x7;
	[tilespmem:v42+s22+$0x0] =	vst.idx.msk $0xffff, v43  }
0x24f: {  	v63 =	vor.u32 s25, v2;
	v42 =	vor.u32 v26, v62;
	v48 =	vld.idx.msk [tilespmem:v45+s13+$0x0], $0xffff  }
0x250: {  	v49 =	vor.u32 v63, v27;
	_ =	sdelay $0x3  }
0x251: {  	v51 =	vor.u32 v37, v23;
	v50 =	vshll.u32 v63, $0x7;
	[tilespmem:v42+s22+$0x0] =	vst.idx.msk $0xffff, v48  }
0x252: {  	v52 =	vor.u32 s25, v3;
	v42 =	vor.u32 v26, v50;
	v45 =	vld.idx.msk [tilespmem:v49+s13+$0x0], $0xffff  }
0x253: {  	v46 =	vor.u32 v52, v27;
	_ =	sdelay $0x1  }
0x254: {  	v53 =	vshll.u32 v37, $0x7;
	[tilespmem:v41+s22+$0x0] =	vst.idx.msk $0xffff, v40  }
0x255: {  	v54 =	vor.u32 s8, v4;
	v37 =	vor.u32 v22, v53;
	v41 =	vld.idx.msk [tilespmem:v51+s13+$0x0], $0xffff  }
0x256: {  	v55 =	vshll.u32 v52, $0x7;
	v56 =	vor.u32 v54, v23;
	[tilespmem:v42+s22+$0x0] =	vst.idx.msk $0xffff, v45  }
0x257: {  	v57 =	vor.u32 s25, v4;
	v42 =	vor.u32 v26, v55;
	v45 =	vld.idx.msk [tilespmem:v46+s13+$0x0], $0xffff  }
0x258: {  	v58 =	vor.u32 v57, v27;
	_ =	sdelay $0x1  }
0x259: {  	v59 =	vshll.u32 v54, $0x7;
	[tilespmem:v37+s22+$0x0] =	vst.idx.msk $0xffff, v41  }
0x25a: {  	v60 =	vor.u32 s8, v5;
	v37 =	vor.u32 v22, v59;
	v41 =	vld.idx.msk [tilespmem:v56+s13+$0x0], $0xffff  }
0x25b: {  	v61 =	vshll.u32 v57, $0x7;
	v62 =	vor.u32 v60, v23;
	[tilespmem:v42+s22+$0x0] =	vst.idx.msk $0xffff, v45  }
0x25c: {  	v63 =	vor.u32 s25, v5;
	v42 =	vor.u32 v26, v61;
	v45 =	vld.idx.msk [tilespmem:v58+s13+$0x0], $0xffff  }
0x25d: {  	v48 =	vor.u32 v63, v27;
	_ =	sdelay $0x1  }
0x25e: {  	[tilespmem:v37+s22+$0x0] =	vst.idx.msk $0xffff, v41;
	v49 =	vshll.u32 v60, $0x7  }
0x25f: {  	v41 =	vld.idx.msk [tilespmem:v62+s13+$0x0], $0xffff;
	v50 =	vor.u32 s8, v7;
	v37 =	vor.u32 v22, v49  }
0x260: {  	v51 =	vshll.u32 v63, $0x7;
	v52 =	vor.u32 v50, v23;
	[tilespmem:v42+s22+$0x0] =	vst.idx.msk $0xffff, v45  }
0x261: {  	v53 =	vor.u32 s25, v7;
	v42 =	vor.u32 v26, v51;
	v45 =	vld.idx.msk [tilespmem:v48+s13+$0x0], $0xffff  }
0x262: {  	v54 =	vor.u32 v53, v27  }
0x263: {  	v34 =	vshll.u32 v34, $0x7;
	[tilespmem:v36+s22+$0x0] =	vst.idx.msk $0xffff, v35  }
0x264: {  	v34 =	vor.u32 v20, v34;
	v35 =	vld.idx.msk [tilespmem:v39+s13+$0x0], $0xffff;
	v57 =	vshll.u32 v50, $0x7;
	v55 =	vor.u32 s7, v8;
	[tilespmem:v37+s22+$0x0] =	vst.idx.msk $0xffff, v41  }
0x265: {  	v59 =	vor.u32 s8, v8;
	v56 =	vor.u32 v55, v21;
	v37 =	vor.u32 v22, v57;
	v58 =	vld.idx.msk [tilespmem:v52+s13+$0x0], $0xffff  }
0x266: {  	v60 =	vshll.u32 v53, $0x7;
	v61 =	vor.u32 v59, v23;
	[tilespmem:v42+s22+$0x0] =	vst.idx.msk $0xffff, v45  }
0x267: {  	v63 =	vor.u32 s25, v8;
	v42 =	vor.u32 v26, v60;
	v62 =	vld.idx.msk [tilespmem:v54+s13+$0x0], $0xffff  }
0x268: {  	v48 =	vor.u32 v63, v27  }
0x269: {  	[tilespmem:v34+s22+$0x0] =	vst.idx.msk $0xffff, v35;
	v49 =	vshll.u32 v55, $0x7  }
0x26a: {  	v50 =	vor.u32 s7, v6;
	v34 =	vor.u32 v20, v49;
	v35 =	vld.idx.msk [tilespmem:v56+s13+$0x0], $0xffff;
	v52 =	vshll.u32 v59, $0x7;
	[tilespmem:v37+s22+$0x0] =	vst.idx.msk $0xffff, v58  }
0x26b: {  	v53 =	vor.u32 s8, v6;
	v51 =	vor.u32 v50, v21;
	v37 =	vor.u32 v22, v52;
	v40 =	vld.idx.msk [tilespmem:v61+s13+$0x0], $0xffff  }
0x26c: {  	v55 =	vor.u32 v53, v23;
	v54 =	vshll.u32 v63, $0x7;
	[tilespmem:v42+s22+$0x0] =	vst.idx.msk $0xffff, v62  }
0x26d: {  	v56 =	vor.u32 s25, v6;
	v42 =	vor.u32 v26, v54;
	v44 =	vld.idx.msk [tilespmem:v48+s13+$0x0], $0xffff  }
0x26e: {  	[tilespmem:v32+s22+$0x0] =	vst.idx.msk $0xffff, v29;
	v57 =	vor.u32 v56, v27;
	v59 =	vshll.u32 v50, $0x7  }
0x26f: {  	[tilespmem:v34+s22+$0x0] =	vst.idx.msk $0xffff, v35;
	v34 =	vor.u32 v20, v59;
	v58 =	vor.u32 v16, v38  }
0x270: {  	v47 =	vshll.u32 v53, $0x7;
	v61 =	vld.idx.msk [tilespmem:v51+s13+$0x0], $0xffff;
	v60 =	vor.u32 v28, v17;
	[tilespmem:v37+s22+$0x0] =	vst.idx.msk $0xffff, v40;
	v62 =	vor.u32 s7, v9  }
0x271: {  	v37 =	vor.u32 v22, v47;
	v40 =	vld.idx.msk [tilespmem:v55+s13+$0x0], $0xffff;
	v63 =	vor.u32 v62, v21;
	v48 =	vor.u32 s8, v9  }
0x272: {  	v33 =	vld.idx.msk [tilespmem:v33+s13+$0x0], $0xffff;
	v49 =	vshll.u32 v56, $0x7;
	v50 =	vor.u32 v48, v23;
	[tilespmem:v42+s22+$0x0] =	vst.idx.msk $0xffff, v44  }
0x273: {  	v30 =	vshll.u32 v30, $0x7;
	v51 =	vor.u32 s25, v9;
	v42 =	vor.u32 v26, v49;
	v29 =	vld.idx.msk [tilespmem:v57+s13+$0x0], $0xffff  }
0x274: {  	v30 =	vor.u32 v18, v30;
	v52 =	vor.u32 s4, v10;
	[tilespmem:v58+s22+$0x0] =	vst.idx.msk $0xffff, v31;
	v53 =	vor.u32 v51, v27  }
0x275: {  	v56 =	vshll.u32 v28, $0x7;
	[tilespmem:v34+s22+$0x0] =	vst.idx.msk $0xffff, v61;
	v35 =	vld.idx.msk [tilespmem:v60+s13+$0x0], $0xffff;
	v54 =	vor.u32 v52, v19;
	v55 =	vshll.u32 v62, $0x7  }
0x276: {  	v59 =	vor.u32 s7, v10;
	[tilespmem:v37+s22+$0x0] =	vst.idx.msk $0xffff, v40;
	v58 =	vor.u32 v20, v55;
	v61 =	vshll.u32 v48, $0x7;
	v57 =	vld.idx.msk [tilespmem:v63+s13+$0x0], $0xffff  }
0x277: {  	v60 =	vor.u32 v59, v21;
	v37 =	vor.u32 v22, v61;
	v62 =	vld.idx.msk [tilespmem:v50+s13+$0x0], $0xffff;
	v63 =	vor.u32 s8, v10  }
0x278: {  	v28 =	vor.u32 v16, v56;
	v48 =	vshll.u32 v51, $0x7;
	v49 =	vor.u32 v63, v23;
	[tilespmem:v42+s22+$0x0] =	vst.idx.msk $0xffff, v29  }
0x279: {  	v55 =	vshll.u32 v59, $0x7;
	v50 =	vor.u32 s25, v10;
	v29 =	vor.u32 v26, v48;
	v31 =	vld.idx.msk [tilespmem:v53+s13+$0x0], $0xffff  }
0x27a: {  	[tilespmem:v30+s22+$0x0] =	vst.idx.msk $0xffff, v33;
	v51 =	vshll.u32 v52, $0x7;
	v30 =	vor.u32 v20, v55;
	v53 =	vor.u32 v50, v27  }
0x27b: {  	v52 =	vor.u32 s4, v11;
	v61 =	vor.u32 s8, v11;
	v32 =	vld.idx.msk [tilespmem:v54+s13+$0x0], $0xffff;
	v42 =	vor.u32 v18, v51;
	[tilespmem:v58+s22+$0x0] =	vst.idx.msk $0xffff, v57  }
0x27c: {  	v54 =	vor.u32 v52, v19;
	v59 =	vshll.u32 v63, $0x7;
	v57 =	vor.u32 s7, v11;
	[tilespmem:v37+s22+$0x0] =	vst.idx.msk $0xffff, v62;
	v56 =	vld.idx.msk [tilespmem:v60+s13+$0x0], $0xffff  }
0x27d: {  	[tilespmem:v28+s22+$0x0] =	vst.idx.msk $0xffff, v35;
	v35 =	vor.u32 v22, v59;
	v58 =	vor.u32 v57, v21;
	v60 =	vld.idx.msk [tilespmem:v49+s13+$0x0], $0xffff  }
0x27e: {  	v43 =	vor.u32 s6, v14;
	v63 =	vor.u32 v61, v23;
	v62 =	vshll.u32 v50, $0x7;
	[tilespmem:v29+s22+$0x0] =	vst.idx.msk $0xffff, v31  }
0x27f: {  	v49 =	vor.u32 s25, v11;
	v50 =	vshll.u32 v52, $0x7;
	v29 =	vor.u32 v26, v62;
	v48 =	vld.idx.msk [tilespmem:v53+s13+$0x0], $0xffff  }
0x280: {  	v59 =	vshll.u32 v61, $0x7;
	v51 =	vor.u32 v49, v27;
	[tilespmem:v42+s22+$0x0] =	vst.idx.msk $0xffff, v32;
	v32 =	vor.u32 v18, v50  }
0x281: {  	v52 =	vld.idx.msk [tilespmem:v54+s13+$0x0], $0xffff;
	[tilespmem:v30+s22+$0x0] =	vst.idx.msk $0xffff, v56;
	v54 =	vshll.u32 v57, $0x7;
	v57 =	vor.u32 s7, v12;
	v53 =	vor.u32 s4, v12  }
0x282: {  	[tilespmem:v35+s22+$0x0] =	vst.idx.msk $0xffff, v60;
	v56 =	vld.idx.msk [tilespmem:v58+s13+$0x0], $0xffff;
	v28 =	vor.u32 v20, v54;
	v55 =	vor.u32 v53, v19  }
0x283: {  	v35 =	vor.u32 v22, v59;
	v60 =	vor.u32 s8, v12;
	v58 =	vor.u32 v57, v21;
	v31 =	vld.idx.msk [tilespmem:v63+s13+$0x0], $0xffff  }
0x284: {  	v61 =	vshll.u32 v49, $0x7;
	v62 =	vor.u32 v60, v23;
	v63 =	vor.u32 s25, v12;
	[tilespmem:v29+s22+$0x0] =	vst.idx.msk $0xffff, v48  }
0x285: {  	v49 =	vshll.u32 v53, $0x7;
	v50 =	vor.u32 v63, v27;
	v29 =	vor.u32 v26, v61;
	v38 =	vld.idx.msk [tilespmem:v51+s13+$0x0], $0xffff  }
0x286: {  	[tilespmem:v32+s22+$0x0] =	vst.idx.msk $0xffff, v52;
	v32 =	vor.u32 v18, v49;
	v52 =	vshll.u32 v57, $0x7;
	v48 =	vor.u32 v43, v17  }
0x287: {  	[tilespmem:v28+s22+$0x0] =	vst.idx.msk $0xffff, v56;
	v28 =	vor.u32 v20, v52;
	v51 =	vor.u32 s4, v13;
	v30 =	vld.idx.msk [tilespmem:v55+s13+$0x0], $0xffff  }
0x288: {  	v54 =	vor.u32 s7, v13;
	[tilespmem:v35+s22+$0x0] =	vst.idx.msk $0xffff, v31;
	v56 =	vshll.u32 v60, $0x7;
	v44 =	vld.idx.msk [tilespmem:v58+s13+$0x0], $0xffff;
	v53 =	vor.u32 v51, v19  }
0x289: {  	v57 =	vor.u32 s8, v13;
	v55 =	vor.u32 v54, v21;
	v58 =	vld.idx.msk [tilespmem:v62+s13+$0x0], $0xffff;
	v31 =	vor.u32 v22, v56  }
0x28a: {  	v59 =	vshll.u32 v63, $0x7;
	v60 =	vor.u32 v57, v23;
	[tilespmem:v29+s22+$0x0] =	vst.idx.msk $0xffff, v38  }
0x28b: {  	v45 =	vor.u32 s6, v15;
	v61 =	vor.u32 s25, v13;
	v29 =	vor.u32 v26, v59;
	v62 =	vld.idx.msk [tilespmem:v50+s13+$0x0], $0xffff  }
0x28c: {  	v47 =	vor.u32 s7, v15;
	v49 =	vor.u32 v61, v27;
	v40 =	vld.idx.msk [tilespmem:v48+s13+$0x0], $0xffff;
	v48 =	vshll.u32 v51, $0x7;
	[tilespmem:v32+s22+$0x0] =	vst.idx.msk $0xffff, v30  }
0x28d: {  	v63 =	vshll.u32 v43, $0x7;
	v51 =	vshll.u32 v54, $0x7;
	v30 =	vor.u32 v18, v48;
	[tilespmem:v28+s22+$0x0] =	vst.idx.msk $0xffff, v44;
	v33 =	vld.idx.msk [tilespmem:v53+s13+$0x0], $0xffff  }
0x28e: {  	v56 =	vor.u32 s8, v14;
	v28 =	vor.u32 v20, v51;
	[tilespmem:v31+s22+$0x0] =	vst.idx.msk $0xffff, v58;
	v50 =	vor.u32 s4, v14;
	v44 =	vld.idx.msk [tilespmem:v55+s13+$0x0], $0xffff  }
0x28f: {  	v53 =	vor.u32 s7, v14;
	v55 =	vshll.u32 v57, $0x7;
	v36 =	vld.idx.msk [tilespmem:v60+s13+$0x0], $0xffff;
	v52 =	vor.u32 v50, v19  }
0x290: {  	v57 =	vshll.u32 v61, $0x7;
	v54 =	vor.u32 v53, v21;
	v31 =	vor.u32 v22, v55;
	[tilespmem:v29+s22+$0x0] =	vst.idx.msk $0xffff, v62  }
0x291: {  	v58 =	vor.u32 v56, v23;
	v59 =	vor.u32 s25, v14;
	v29 =	vor.u32 v26, v57;
	v32 =	vld.idx.msk [tilespmem:v49+s13+$0x0], $0xffff  }
0x292: {  	v41 =	vor.u32 v16, v63;
	v61 =	vor.u32 v59, v27;
	v43 =	vshll.u32 v53, $0x7  }
0x293: {  	v17 =	vor.u32 v45, v17;
	v60 =	vshll.u32 v50, $0x7;
	v43 =	vor.u32 v20, v43;
	[tilespmem:v30+s22+$0x0] =	vst.idx.msk $0xffff, v33  }
0x294: {  	v50 =	vshll.u32 v56, $0x7;
	v62 =	vor.u32 s4, v15;
	v30 =	vor.u32 v18, v60;
	[tilespmem:v28+s22+$0x0] =	vst.idx.msk $0xffff, v44;
	v34 =	vld.idx.msk [tilespmem:v52+s13+$0x0], $0xffff  }
0x295: {  	v63 =	vor.u32 v62, v19;
	v48 =	vld.idx.msk [tilespmem:v54+s13+$0x0], $0xffff;
	v49 =	vor.u32 v47, v21;
	[tilespmem:v31+s22+$0x0] =	vst.idx.msk $0xffff, v36  }
0x296: {  	v51 =	vor.u32 s8, v15;
	v31 =	vor.u32 v22, v50;
	v52 =	vshll.u32 v59, $0x7;
	v36 =	vld.idx.msk [tilespmem:v58+s13+$0x0], $0xffff;
	[tilespmem:v29+s22+$0x0] =	vst.idx.msk $0xffff, v32  }
0x297: {  	v53 =	vor.u32 v51, v23;
	v54 =	vor.u32 s25, v15;
	v29 =	vor.u32 v26, v52;
	v33 =	vld.idx.msk [tilespmem:v61+s13+$0x0], $0xffff  }
0x298: {  	v55 =	vshll.u32 v45, $0x7;
	[tilespmem:v41+s22+$0x0] =	vst.idx.msk $0xffff, v40;
	v27 =	vor.u32 v54, v27  }
0x299: {  	v16 =	vor.u32 v16, v55;
	v17 =	vld.idx.msk [tilespmem:v17+s13+$0x0], $0xffff;
	v56 =	vshll.u32 v62, $0x7;
	[tilespmem:v30+s22+$0x0] =	vst.idx.msk $0xffff, v34  }
0x29a: {  	v28 =	vshll.u32 v47, $0x7;
	v57 =	vor.u32 v18, v56;
	[tilespmem:v43+s22+$0x0] =	vst.idx.msk $0xffff, v48;
	v19 =	vld.idx.msk [tilespmem:v63+s13+$0x0], $0xffff  }
0x29b: {  	v59 =	vshll.u32 v51, $0x7;
	v58 =	vor.u32 v20, v28;
	v21 =	vld.idx.msk [tilespmem:v49+s13+$0x0], $0xffff;
	[tilespmem:v31+s22+$0x0] =	vst.idx.msk $0xffff, v36  }
0x29c: {  	v60 =	vor.u32 v22, v59;
	v61 =	vshll.u32 v54, $0x7;
	v23 =	vld.idx.msk [tilespmem:v53+s13+$0x0], $0xffff;
	[tilespmem:v29+s22+$0x0] =	vst.idx.msk $0xffff, v33  }
0x29d: {  	[tilespmem:v25+s22+$0x0] =	vst.idx.msk $0xffff, v24;
	v63 =	vor.u32 v26, v61;
	v62 =	vld.idx.msk [tilespmem:v27+s13+$0x0], $0xffff  }
0x29e: {  	[tilespmem:v16+s22+$0x0] =	vst.idx.msk $0xffff, v17  }
.Ltmp6:
0x29f: {  	s28 =	sadd.s32 $0x100, s12;
	[tilespmem:v57+s22+$0x0] =	vst.idx.msk $0xffff, v19;
	(pc) =	sbr.rel @!p1 .LBB2_13-.Ltmp6, $4  }
0x2a0: {  	s30 =	sshll.u32 s28, $0x3;
	s4 =	sand.u32 $0x3F00, s28;
	[tilespmem:v58+s22+$0x0] =	vst.idx.msk $0xffff, v21  }
0x2a1: {  	s6 =	sand.u32 $0xFFE0000, s30;
	s4 =	sadd.s32 s3, s4;
	[tilespmem:v60+s22+$0x0] =	vst.idx.msk $0xffff, v23  }
0x2a2: {  	s4 =	sadd.s32 s6, s4;
	[tilespmem:v63+s22+$0x0] =	vst.idx.msk $0xffff, v62  }
0x2a3: {  	[hbm4b:s4+s17] =	stream.strided.scatter [tilespmem:s22], [sflag:$0x7], $0x2000, s18, s17, $0x38;
	[tilespmem:$0x1E400] =	vst v63  }
0x2a4: {  	_ =	swait.ge [sflag:s29], $0x2000  }
.Ltmp7:
0x2a5: {  	[sflag:s29] =	ssyncset.done $0x0;
	(pc) =	sbr.rel @p0 .LBB2_16-.Ltmp7, $4  }
.Ltmp8:
0x2a6: {  	[sflag:s29] =	ssyncadd.s32 $0xFFFFE000;
	(pc) =	sbr.rel @!p0 .LBB2_15-.Ltmp8, $4  }
0x2a7: {  	_ =	swait.ge [sflag:s23], $0x4000  }
0x2a8: {  	[sflag:s23] =	ssyncset.done $0x0  }
0x2a9: {  	[sflag:s23] =	ssyncadd.s32 $0xFFFFC000  }
0x2aa: {  	_ = 	snop  }
.LBB2_13:
0x2ab: {  	_ =	swait.ge [sflag:s23], $0x4000  }
0x2ac: {  	[sflag:s23] =	ssyncset.done $0x0  }
0x2ad: {  	[sflag:s23] =	ssyncadd.s32 $0xFFFFC000  }
.LBB2_15:
0x2ae: {  	s1 =	sand.u32 $0x3FFFFE00, s1  }
0x2af: {  	s1 =	sadd.s32 $0x300, s1  }
0x2b0: {  	[tilespmem:s13], [sflag:$0x3] =	stream.indirect.gather [hbm4b:s0+s9], $0x80, s1, s9, $0xb8;
	[tilespmem:$0x1E400] =	vst v63  }
.LBB2_16:
0x2b1: {  	s1 =	simm.s32 $0x0  }
0x2b2: {  	s4 =	sand.u32 $0x70, s1  }
0x2b3: {  	s8 =	sand.u32 $0x30, s1;
	v25 =	vor.u32 s4, v0  }
0x2b4: {  	v16 =	vor.u32 s8, v0;
	v24 =	vshll.u32 v25, $0x7  }
0x2b5: {  	v17 =	vor.u32 v16, v24;
	_ =	sdelay $0x3  }
0x2b6: {  	v16 =	vshll.u32 v16, $0x7  }
0x2b7: {  	v18 =	vor.u32 s8, v1;
	v16 =	vor.u32 v25, v16;
	v17 =	vld.idx.msk [tilespmem:v17+s15+$0x0], $0xffff  }
0x2b8: {  	v19 =	vor.u32 v18, v24;
	_ =	sdelay $0x3  }
0x2b9: {  	[tilespmem:v16+s24+$0x0] =	vst.idx.msk $0xffff, v17;
	v16 =	vshll.u32 v18, $0x7  }
0x2ba: {  	v17 =	vor.u32 s8, v2;
	v18 =	vld.idx.msk [tilespmem:v19+s15+$0x0], $0xffff;
	v16 =	vor.u32 v25, v16  }
0x2bb: {  	v19 =	vor.u32 v17, v24;
	_ =	sdelay $0x3  }
0x2bc: {  	s4 =	simm.s32 $0x4;
	[tilespmem:v16+s24+$0x0] =	vst.idx.msk $0xffff, v18;
	v16 =	vshll.u32 v17, $0x7  }
0x2bd: {  	s6 =	simm.s32 $0x10;
	s1 =	sand.u32 $0x70, s4;
	v18 =	vor.u32 s8, v3;
	v19 =	vld.idx.msk [tilespmem:v19+s15+$0x0], $0xffff;
	v20 =	vor.u32 v25, v16  }
0x2be: {  	s4 =	sand.u32 $0x30, s6;
	v16 =	vor.u32 s1, v0;
	v21 =	vor.u32 v18, v24  }
0x2bf: {  	v22 =	vor.u32 s4, v0;
	v17 =	vshll.u32 v16, $0x7  }
0x2c0: {  	v23 =	vor.u32 v22, v17;
	_ =	sdelay $0x1  }
0x2c1: {  	v18 =	vshll.u32 v18, $0x7;
	[tilespmem:v20+s24+$0x0] =	vst.idx.msk $0xffff, v19  }
0x2c2: {  	v18 =	vor.u32 v25, v18;
	v19 =	vor.u32 s8, v4;
	v20 =	vld.idx.msk [tilespmem:v21+s15+$0x0], $0xffff  }
0x2c3: {  	v21 =	vshll.u32 v22, $0x7;
	v22 =	vor.u32 v19, v24  }
0x2c4: {  	v26 =	vor.u32 s4, v1;
	v23 =	vld.idx.msk [tilespmem:v23+s15+$0x0], $0xffff;
	v21 =	vor.u32 v16, v21  }
0x2c5: {  	v27 =	vor.u32 v26, v17;
	_ =	sdelay $0x1  }
0x2c6: {  	[tilespmem:v18+s24+$0x0] =	vst.idx.msk $0xffff, v20;
	v18 =	vshll.u32 v19, $0x7  }
0x2c7: {  	v19 =	vor.u32 s8, v5;
	v20 =	vld.idx.msk [tilespmem:v22+s15+$0x0], $0xffff;
	v18 =	vor.u32 v25, v18  }
0x2c8: {  	[tilespmem:v21+s24+$0x0] =	vst.idx.msk $0xffff, v23;
	v21 =	vshll.u32 v26, $0x7;
	v22 =	vor.u32 v19, v24  }
0x2c9: {  	v23 =	vor.u32 s4, v2;
	v26 =	vld.idx.msk [tilespmem:v27+s15+$0x0], $0xffff;
	v21 =	vor.u32 v16, v21  }
0x2ca: {  	v27 =	vor.u32 v23, v17;
	_ =	sdelay $0x1  }
0x2cb: {  	[tilespmem:v18+s24+$0x0] =	vst.idx.msk $0xffff, v20;
	v18 =	vshll.u32 v19, $0x7  }
0x2cc: {  	s7 =	simm.s32 $0x8;
	v20 =	vor.u32 s8, v7;
	v22 =	vld.idx.msk [tilespmem:v22+s15+$0x0], $0xffff;
	v28 =	vor.u32 v25, v18  }
0x2cd: {  	s7 =	sand.u32 $0x70, s7;
	s6 =	simm.s32 $0x20;
	[tilespmem:v21+s24+$0x0] =	vst.idx.msk $0xffff, v26;
	v18 =	vshll.u32 v23, $0x7;
	v21 =	vor.u32 v20, v24  }
0x2ce: {  	s1 =	sand.u32 $0x30, s6;
	v23 =	vor.u32 s4, v3;
	v26 =	vld.idx.msk [tilespmem:v27+s15+$0x0], $0xffff;
	v27 =	vor.u32 v16, v18;
	v18 =	vor.u32 s7, v0  }
0x2cf: {  	v29 =	vor.u32 s1, v0;
	v30 =	vor.u32 v23, v17;
	v19 =	vshll.u32 v18, $0x7  }
0x2d0: {  	v31 =	vor.u32 v29, v19  }
0x2d1: {  	v20 =	vshll.u32 v20, $0x7;
	[tilespmem:v28+s24+$0x0] =	vst.idx.msk $0xffff, v22  }
0x2d2: {  	v20 =	vor.u32 v25, v20;
	v22 =	vor.u32 s8, v8;
	v21 =	vld.idx.msk [tilespmem:v21+s15+$0x0], $0xffff  }
0x2d3: {  	v23 =	vshll.u32 v23, $0x7;
	[tilespmem:v27+s24+$0x0] =	vst.idx.msk $0xffff, v26;
	v26 =	vor.u32 v22, v24  }
0x2d4: {  	v23 =	vor.u32 v16, v23;
	v29 =	vshll.u32 v29, $0x7;
	v27 =	vor.u32 s4, v4;
	v28 =	vld.idx.msk [tilespmem:v30+s15+$0x0], $0xffff  }
0x2d5: {  	v29 =	vor.u32 v18, v29;
	v30 =	vor.u32 s1, v1;
	v32 =	vor.u32 v27, v17;
	v31 =	vld.idx.msk [tilespmem:v31+s15+$0x0], $0xffff  }
0x2d6: {  	v33 =	vor.u32 v30, v19  }
0x2d7: {  	[tilespmem:v20+s24+$0x0] =	vst.idx.msk $0xffff, v21;
	v20 =	vshll.u32 v22, $0x7  }
0x2d8: {  	v22 =	vor.u32 s8, v6;
	v21 =	vld.idx.msk [tilespmem:v26+s15+$0x0], $0xffff;
	v20 =	vor.u32 v25, v20  }
0x2d9: {  	[tilespmem:v23+s24+$0x0] =	vst.idx.msk $0xffff, v28;
	v23 =	vshll.u32 v27, $0x7;
	v26 =	vor.u32 v22, v24  }
0x2da: {  	v27 =	vor.u32 s4, v5;
	v28 =	vld.idx.msk [tilespmem:v32+s15+$0x0], $0xffff;
	[tilespmem:v29+s24+$0x0] =	vst.idx.msk $0xffff, v31;
	v29 =	vshll.u32 v30, $0x7;
	v23 =	vor.u32 v16, v23  }
0x2db: {  	v30 =	vor.u32 s1, v2;
	v39 =	vor.u32 v27, v17;
	v31 =	vld.idx.msk [tilespmem:v33+s15+$0x0], $0xffff;
	v29 =	vor.u32 v18, v29  }
0x2dc: {  	v40 =	vor.u32 v30, v19  }
0x2dd: {  	[tilespmem:v20+s24+$0x0] =	vst.idx.msk $0xffff, v21;
	v20 =	vshll.u32 v22, $0x7  }
0x2de: {  	v34 =	vor.u32 s8, v9;
	v22 =	vld.idx.msk [tilespmem:v26+s15+$0x0], $0xffff;
	v26 =	vor.u32 v25, v20  }
0x2df: {  	[tilespmem:v23+s24+$0x0] =	vst.idx.msk $0xffff, v28;
	v20 =	vshll.u32 v27, $0x7;
	v27 =	vor.u32 v34, v24  }
0x2e0: {  	s12 =	simm.s32 $0xC;
	s25 =	simm.s32 $0x30;
	v21 =	vshll.u32 v30, $0x7;
	v23 =	vor.u32 s4, v7;
	v32 =	vld.idx.msk [tilespmem:v39+s15+$0x0], $0xffff;
	[tilespmem:v29+s24+$0x0] =	vst.idx.msk $0xffff, v31;
	v29 =	vor.u32 v16, v20  }
0x2e1: {  	s12 =	sand.u32 $0x70, s12;
	s6 =	sand.u32 $0x30, s25;
	v41 =	vor.u32 v18, v21;
	v31 =	vor.u32 v23, v17;
	v30 =	vld.idx.msk [tilespmem:v40+s15+$0x0], $0xffff  }
0x2e2: {  	v35 =	vor.u32 s6, v0;
	v28 =	vor.u32 s1, v3;
	v20 =	vor.u32 s12, v0  }
0x2e3: {  	v36 =	vor.u32 v28, v19;
	v21 =	vshll.u32 v20, $0x7;
	[tilespmem:v26+s24+$0x0] =	vst.idx.msk $0xffff, v22;
	v22 =	vshll.u32 v34, $0x7  }
0x2e4: {  	v42 =	vor.u32 s8, v10;
	v26 =	vor.u32 v35, v21;
	v27 =	vld.idx.msk [tilespmem:v27+s15+$0x0], $0xffff;
	v22 =	vor.u32 v25, v22  }
0x2e5: {  	v23 =	vshll.u32 v23, $0x7;
	[tilespmem:v29+s24+$0x0] =	vst.idx.msk $0xffff, v32;
	v29 =	vor.u32 v42, v24  }
0x2e6: {  	v23 =	vor.u32 v16, v23;
	v31 =	vld.idx.msk [tilespmem:v31+s15+$0x0], $0xffff;
	[tilespmem:v41+s24+$0x0] =	vst.idx.msk $0xffff, v30;
	v30 =	vor.u32 s4, v8  }
0x2e7: {  	v43 =	vor.u32 s1, v4;
	v28 =	vshll.u32 v28, $0x7;
	v44 =	vor.u32 v30, v17  }
0x2e8: {  	v38 =	vor.u32 v43, v19;
	v28 =	vor.u32 v18, v28;
	v35 =	vshll.u32 v35, $0x7;
	v33 =	vld.idx.msk [tilespmem:v36+s15+$0x0], $0xffff  }
0x2e9: {  	v37 =	vor.u32 s6, v1;
	v26 =	vld.idx.msk [tilespmem:v26+s15+$0x0], $0xffff;
	[tilespmem:v22+s24+$0x0] =	vst.idx.msk $0xffff, v27;
	v22 =	vor.u32 v20, v35;
	v27 =	vshll.u32 v42, $0x7  }
0x2ea: {  	v46 =	vor.u32 s8, v11;
	v45 =	vor.u32 v37, v21;
	v29 =	vld.idx.msk [tilespmem:v29+s15+$0x0], $0xffff;
	v27 =	vor.u32 v25, v27  }
0x2eb: {  	v51 =	vor.u32 s8, v12;
	[tilespmem:v23+s24+$0x0] =	vst.idx.msk $0xffff, v31;
	v23 =	vshll.u32 v30, $0x7;
	v30 =	vor.u32 v46, v24  }
0x2ec: {  	v52 =	vor.u32 s8, v13;
	v47 =	vor.u32 s4, v6;
	v31 =	vld.idx.msk [tilespmem:v44+s15+$0x0], $0xffff;
	v23 =	vor.u32 v16, v23  }
0x2ed: {  	v59 =	vor.u32 v52, v24;
	v48 =	vor.u32 v47, v17;
	v32 =	vshll.u32 v43, $0x7;
	[tilespmem:v28+s24+$0x0] =	vst.idx.msk $0xffff, v33  }
0x2ee: {  	v62 =	vor.u32 s8, v14;
	v28 =	vor.u32 s1, v5;
	v38 =	vld.idx.msk [tilespmem:v38+s15+$0x0], $0xffff;
	[tilespmem:v22+s24+$0x0] =	vst.idx.msk $0xffff, v26;
	v26 =	vor.u32 v18, v32  }
0x2ef: {  	v53 =	vor.u32 s4, v9;
	v50 =	vor.u32 v28, v19;
	v22 =	vshll.u32 v37, $0x7;
	v49 =	vld.idx.msk [tilespmem:v45+s15+$0x0], $0xffff;
	[tilespmem:v27+s24+$0x0] =	vst.idx.msk $0xffff, v29  }
0x2f0: {  	v39 =	vor.u32 s6, v2;
	v22 =	vor.u32 v20, v22;
	v29 =	vshll.u32 v46, $0x7;
	v27 =	vld.idx.msk [tilespmem:v30+s15+$0x0], $0xffff  }
0x2f1: {  	v30 =	vor.u32 v39, v21;
	[tilespmem:v23+s24+$0x0] =	vst.idx.msk $0xffff, v31;
	v23 =	vor.u32 v25, v29;
	v29 =	vshll.u32 v47, $0x7  }
0x2f2: {  	v57 =	vshll.u32 v53, $0x7;
	v31 =	vor.u32 v51, v24;
	v33 =	vld.idx.msk [tilespmem:v48+s15+$0x0], $0xffff;
	v29 =	vor.u32 v16, v29  }
0x2f3: {  	v63 =	vor.u32 s1, v8;
	v54 =	vor.u32 v53, v17;
	v28 =	vshll.u32 v28, $0x7;
	[tilespmem:v26+s24+$0x0] =	vst.idx.msk $0xffff, v38  }
0x2f4: {  	s28 =	simm.s32 $0x10;
	v40 =	vor.u32 s6, v3;
	v28 =	vor.u32 v18, v28;
	v26 =	vor.u32 s1, v7;
	v34 =	vld.idx.msk [tilespmem:v50+s15+$0x0], $0xffff  }
0x2f5: {  	s12 =	sand.u32 $0x70, s28;
	v42 =	vor.u32 s4, v10;
	[tilespmem:v22+s24+$0x0] =	vst.idx.msk $0xffff, v49;
	v22 =	vshll.u32 v39, $0x7;
	v55 =	vor.u32 v26, v19  }
0x2f6: {  	s26 =	simm.s32 $0x40;
	v30 =	vld.idx.msk [tilespmem:v30+s15+$0x0], $0xffff;
	v41 =	vor.u32 v20, v22;
	[tilespmem:v23+s24+$0x0] =	vst.idx.msk $0xffff, v27;
	v23 =	vshll.u32 v51, $0x7;
	v22 =	vor.u32 s12, v0  }
0x2f7: {  	s7 =	sand.u32 $0x30, s26;
	v27 =	vor.u32 v40, v21;
	v31 =	vld.idx.msk [tilespmem:v31+s15+$0x0], $0xffff;
	[tilespmem:v29+s24+$0x0] =	vst.idx.msk $0xffff, v33;
	v29 =	vor.u32 v25, v23  }
0x2f8: {  	v56 =	vor.u32 s7, v0;
	v61 =	vor.u32 v42, v17;
	v23 =	vshll.u32 v22, $0x7  }
0x2f9: {  	v58 =	vld.idx.msk [tilespmem:v54+s15+$0x0], $0xffff;
	v60 =	vor.u32 v56, v23;
	[tilespmem:v28+s24+$0x0] =	vst.idx.msk $0xffff, v34;
	v28 =	vor.u32 v16, v57  }
0x2fa: {  	v44 =	vor.u32 v63, v19;
	v26 =	vshll.u32 v26, $0x7;
	v49 =	vor.u32 v62, v24  }
0x2fb: {  	v43 =	vor.u32 s7, v1;
	v26 =	vor.u32 v18, v26;
	v40 =	vshll.u32 v40, $0x7;
	v32 =	vld.idx.msk [tilespmem:v55+s15+$0x0], $0xffff;
	[tilespmem:v41+s24+$0x0] =	vst.idx.msk $0xffff, v30  }
0x2fc: {  	v47 =	vshll.u32 v56, $0x7;
	v27 =	vld.idx.msk [tilespmem:v27+s15+$0x0], $0xffff;
	[tilespmem:v29+s24+$0x0] =	vst.idx.msk $0xffff, v31;
	v29 =	vor.u32 v20, v40;
	v31 =	vshll.u32 v52, $0x7  }
0x2fd: {  	v56 =	vor.u32 s8, v15;
	v30 =	vor.u32 s6, v4;
	v37 =	vld.idx.msk [tilespmem:v59+s15+$0x0], $0xffff;
	v31 =	vor.u32 v25, v31  }
0x2fe: {  	v48 =	vor.u32 v30, v21;
	v38 =	vld.idx.msk [tilespmem:v60+s15+$0x0], $0xffff;
	[tilespmem:v28+s24+$0x0] =	vst.idx.msk $0xffff, v58;
	v28 =	vor.u32 v22, v47  }
0x2ff: {  	v50 =	vshll.u32 v42, $0x7;
	v51 =	vor.u32 v43, v23;
	v24 =	vor.u32 v56, v24  }
0x300: {  	v52 =	vor.u32 s4, v11;
	v30 =	vshll.u32 v30, $0x7;
	v33 =	vld.idx.msk [tilespmem:v61+s15+$0x0], $0xffff;
	[tilespmem:v26+s24+$0x0] =	vst.idx.msk $0xffff, v32;
	v26 =	vor.u32 v16, v50  }
0x301: {  	v53 =	vshll.u32 v63, $0x7;
	v54 =	vor.u32 v52, v17;
	v30 =	vor.u32 v20, v30;
	[tilespmem:v29+s24+$0x0] =	vst.idx.msk $0xffff, v27  }
0x302: {  	v45 =	vor.u32 s6, v5;
	v55 =	vld.idx.msk [tilespmem:v44+s15+$0x0], $0xffff;
	v27 =	vor.u32 v18, v53;
	v29 =	vor.u32 s1, v6;
	[tilespmem:v31+s24+$0x0] =	vst.idx.msk $0xffff, v37  }
0x303: {  	v34 =	vor.u32 s6, v7;
	v57 =	vld.idx.msk [tilespmem:v48+s15+$0x0], $0xffff;
	v58 =	vor.u32 v29, v19;
	[tilespmem:v28+s24+$0x0] =	vst.idx.msk $0xffff, v38;
	v28 =	vshll.u32 v62, $0x7  }
0x304: {  	v60 =	vshll.u32 v43, $0x7;
	v61 =	vor.u32 v45, v21;
	v59 =	vld.idx.msk [tilespmem:v49+s15+$0x0], $0xffff;
	v62 =	vor.u32 v25, v28  }
0x305: {  	v31 =	vor.u32 s7, v2;
	v40 =	vld.idx.msk [tilespmem:v51+s15+$0x0], $0xffff;
	[tilespmem:v26+s24+$0x0] =	vst.idx.msk $0xffff, v33;
	v26 =	vor.u32 v22, v60;
	v28 =	vshll.u32 v52, $0x7  }
0x306: {  	v48 =	vor.u32 s4, v12;
	v46 =	vor.u32 v31, v23;
	v63 =	vld.idx.msk [tilespmem:v54+s15+$0x0], $0xffff;
	v47 =	vor.u32 v16, v28  }
0x307: {  	v39 =	vor.u32 v34, v21;
	v49 =	vor.u32 v48, v17;
	[tilespmem:v27+s24+$0x0] =	vst.idx.msk $0xffff, v55;
	v27 =	vshll.u32 v29, $0x7  }
0x308: {  	s30 =	simm.s32 $0x50;
	v29 =	vld.idx.msk [tilespmem:v58+s15+$0x0], $0xffff;
	[tilespmem:v30+s24+$0x0] =	vst.idx.msk $0xffff, v57;
	v32 =	vor.u32 v18, v27;
	v30 =	vor.u32 s1, v9  }
0x309: {  	s8 =	sand.u32 $0x30, s30;
	v27 =	vshll.u32 v45, $0x7;
	v35 =	vld.idx.msk [tilespmem:v61+s15+$0x0], $0xffff;
	v33 =	vor.u32 v30, v19;
	[tilespmem:v62+s24+$0x0] =	vst.idx.msk $0xffff, v59  }
0x30a: {  	v42 =	vor.u32 s8, v0;
	v36 =	vor.u32 v20, v27;
	v27 =	vshll.u32 v56, $0x7;
	[tilespmem:v26+s24+$0x0] =	vst.idx.msk $0xffff, v40;
	v24 =	vld.idx.msk [tilespmem:v24+s15+$0x0], $0xffff  }
0x30b: {  	s12 =	simm.s32 $0x14;
	v37 =	vor.u32 s7, v3;
	v25 =	vor.u32 v25, v27;
	v26 =	vshll.u32 v31, $0x7;
	v40 =	vld.idx.msk [tilespmem:v46+s15+$0x0], $0xffff;
	[tilespmem:v47+s24+$0x0] =	vst.idx.msk $0xffff, v63  }
0x30c: {  	s25 =	simm.s32 $0x60;
	s26 =	sand.u32 $0x70, s12;
	v38 =	vshll.u32 v48, $0x7;
	v28 =	vor.u32 s4, v13;
	v41 =	vor.u32 v22, v26;
	v31 =	vld.idx.msk [tilespmem:v49+s15+$0x0], $0xffff  }
.LBB2_17:
0x30d: {  	p0 =	sne.s32 s25, $0x1F0;
	v26 =	vor.u32 s26, v0;
	v27 =	vor.u32 v37, v23;
	[tilespmem:v32+s24+$0x0] =	vst.idx.msk $0xffff, v29;
	v29 =	vor.u32 v16, v38  }
0x30e: {  	v30 =	vshll.u32 v30, $0x7;
	v43 =	vmovc v20;
	v20 =	vmovc v22;
	v38 =	vshll.u32 v26, $0x7;
	v32 =	vld.idx.msk [tilespmem:v33+s15+$0x0], $0xffff;
	v33 =	vor.u32 v28, v17  }
0x30f: {  	v30 =	vor.u32 v18, v30;
	v44 =	vor.u32 v42, v38;
	[tilespmem:v36+s24+$0x0] =	vst.idx.msk $0xffff, v35;
	v35 =	vor.u32 s1, v10  }
0x310: {  	v45 =	vshll.u32 v34, $0x7;
	v36 =	vld.idx.msk [tilespmem:v39+s15+$0x0], $0xffff;
	v34 =	vor.u32 v35, v19;
	v39 =	vor.u32 s4, v14;
	[tilespmem:v25+s24+$0x0] =	vst.idx.msk $0xffff, v24  }
0x311: {  	v22 =	vmovc v26;
	v24 =	vor.u32 s7, v4;
	v25 =	vor.u32 v43, v45;
	[tilespmem:v41+s24+$0x0] =	vst.idx.msk $0xffff, v40;
	v40 =	vor.u32 s6, v8  }
0x312: {  	v37 =	vshll.u32 v37, $0x7;
	v26 =	vor.u32 s8, v1;
	v27 =	vld.idx.msk [tilespmem:v27+s15+$0x0], $0xffff;
	v41 =	vor.u32 v40, v21;
	[tilespmem:v29+s24+$0x0] =	vst.idx.msk $0xffff, v31  }
0x313: {  	v28 =	vshll.u32 v28, $0x7;
	v29 =	vshll.u32 v42, $0x7;
	v31 =	vor.u32 v20, v37;
	v33 =	vld.idx.msk [tilespmem:v33+s15+$0x0], $0xffff  }
0x314: {  	v28 =	vor.u32 v16, v28;
	v42 =	vor.u32 v24, v23;
	v37 =	vld.idx.msk [tilespmem:v44+s15+$0x0], $0xffff;
	[tilespmem:v30+s24+$0x0] =	vst.idx.msk $0xffff, v32  }
0x315: {  	v29 =	vor.u32 v22, v29;
	v32 =	vshll.u32 v35, $0x7;
	v30 =	vld.idx.msk [tilespmem:v34+s15+$0x0], $0xffff;
	v34 =	vor.u32 v39, v17  }
0x316: {  	v35 =	vor.u32 v26, v38;
	[tilespmem:v25+s24+$0x0] =	vst.idx.msk $0xffff, v36;
	v25 =	vor.u32 v18, v32;
	v32 =	vor.u32 s1, v11  }
0x317: {  	v40 =	vshll.u32 v40, $0x7;
	v44 =	vor.u32 s4, v15;
	s4 =	smov.u32 s1;
	s1 =	smov.u32 s6;
	s6 =	smov.u32 s7;
	v36 =	vld.idx.msk [tilespmem:v41+s15+$0x0], $0xffff;
	v41 =	vor.u32 v32, v19  }
0x318: {  	s7 =	smov.u32 s8;
	[tilespmem:v31+s24+$0x0] =	vst.idx.msk $0xffff, v27;
	v27 =	vor.u32 s6, v5;
	v31 =	vor.u32 v43, v40;
	v40 =	vor.u32 s1, v6  }
0x319: {  	v24 =	vshll.u32 v24, $0x7;
	v45 =	vor.u32 s7, v2;
	v42 =	vld.idx.msk [tilespmem:v42+s15+$0x0], $0xffff;
	v46 =	vor.u32 v40, v21;
	[tilespmem:v28+s24+$0x0] =	vst.idx.msk $0xffff, v33  }
0x31a: {  	v24 =	vor.u32 v20, v24;
	v26 =	vshll.u32 v26, $0x7;
	v28 =	vshll.u32 v39, $0x7;
	[tilespmem:v29+s24+$0x0] =	vst.idx.msk $0xffff, v37;
	v47 =	vld.idx.msk [tilespmem:v34+s15+$0x0], $0xffff  }
0x31b: {  	v33 =	vor.u32 v27, v23;
	v39 =	vld.idx.msk [tilespmem:v35+s15+$0x0], $0xffff;
	[tilespmem:v25+s24+$0x0] =	vst.idx.msk $0xffff, v30;
	v25 =	vor.u32 v16, v28  }
0x31c: {  	v26 =	vor.u32 v22, v26;
	v48 =	vor.u32 v44, v17;
	v17 =	vmovc v19;
	v28 =	vshll.u32 v32, $0x7;
	v41 =	vld.idx.msk [tilespmem:v41+s15+$0x0], $0xffff  }
0x31d: {  	v50 =	vor.u32 s4, v12;
	v49 =	vor.u32 v45, v38;
	[tilespmem:v31+s24+$0x0] =	vst.idx.msk $0xffff, v36;
	v31 =	vor.u32 v18, v28  }
0x31e: {  	v19 =	vmovc v21;
	v21 =	vmovc v23;
	v30 =	vshll.u32 v40, $0x7;
	v28 =	vor.u32 s4, v13;
	v29 =	vld.idx.msk [tilespmem:v46+s15+$0x0], $0xffff;
	v46 =	vor.u32 v50, v17  }
.Ltmp9:
0x31f: {  	v23 =	vmovc v38;
	v34 =	vor.u32 s6, v7;
	v32 =	vor.u32 v43, v30;
	v30 =	vor.u32 s1, v9;
	[tilespmem:v24+s24+$0x0] =	vst.idx.msk $0xffff, v42;
	(pc) =	sbr.rel @p0 .LBB2_17-.Ltmp9, $4  }
0x320: {  	v37 =	vor.u32 s7, v3;
	v24 =	vshll.u32 v27, $0x7;
	v35 =	vld.idx.msk [tilespmem:v33+s15+$0x0], $0xffff;
	v33 =	vor.u32 v30, v19;
	[tilespmem:v25+s24+$0x0] =	vst.idx.msk $0xffff, v47  }
0x321: {  	v36 =	vor.u32 v20, v24;
	v25 =	vshll.u32 v44, $0x7;
	[tilespmem:v26+s24+$0x0] =	vst.idx.msk $0xffff, v39;
	v26 =	vshll.u32 v45, $0x7;
	v24 =	vld.idx.msk [tilespmem:v48+s15+$0x0], $0xffff  }
0x322: {  	s12 =	sadd.s32 $0x4, s12;
	s8 =	sand.u32 $0x30, s25;
	v39 =	vor.u32 v34, v21;
	v25 =	vor.u32 v16, v25;
	v40 =	vld.idx.msk [tilespmem:v49+s15+$0x0], $0xffff;
	[tilespmem:v31+s24+$0x0] =	vst.idx.msk $0xffff, v41  }
0x323: {  	s26 =	sand.u32 $0x70, s12;
	s25 =	sadd.s32 $0x10, s25;
	v38 =	vshll.u32 v50, $0x7;
	v42 =	vor.u32 s8, v0;
	v16 =	vmovc v18;
	v18 =	vmovc v43;
	v41 =	vor.u32 v22, v26;
	v31 =	vld.idx.msk [tilespmem:v46+s15+$0x0], $0xffff  }
0x324: {  	v26 =	vor.u32 s26, v0  }
0x325: {  	v27 =	vshll.u32 v26, $0x7  }
0x326: {  	v43 =	vor.u32 v42, v27;
	_ =	sdelay $0x3  }
0x327: {  	v61 =	vshll.u32 v42, $0x7  }
0x328: {  	v44 =	vor.u32 s8, v1;
	v42 =	vor.u32 v26, v61;
	v43 =	vld.idx.msk [tilespmem:v43+s15+$0x0], $0xffff  }
0x329: {  	v45 =	vor.u32 v44, v27;
	_ =	sdelay $0x3  }
0x32a: {  	v62 =	vshll.u32 v44, $0x7;
	[tilespmem:v42+s24+$0x0] =	vst.idx.msk $0xffff, v43  }
0x32b: {  	v63 =	vor.u32 s8, v2;
	v42 =	vor.u32 v26, v62;
	v48 =	vld.idx.msk [tilespmem:v45+s15+$0x0], $0xffff  }
0x32c: {  	v49 =	vor.u32 v63, v27;
	_ =	sdelay $0x3  }
0x32d: {  	v51 =	vor.u32 v37, v23;
	v50 =	vshll.u32 v63, $0x7;
	[tilespmem:v42+s24+$0x0] =	vst.idx.msk $0xffff, v48  }
0x32e: {  	v52 =	vor.u32 s8, v3;
	v42 =	vor.u32 v26, v50;
	v45 =	vld.idx.msk [tilespmem:v49+s15+$0x0], $0xffff  }
0x32f: {  	v46 =	vor.u32 v52, v27;
	_ =	sdelay $0x1  }
0x330: {  	v53 =	vshll.u32 v37, $0x7;
	[tilespmem:v41+s24+$0x0] =	vst.idx.msk $0xffff, v40  }
0x331: {  	v54 =	vor.u32 s7, v4;
	v37 =	vor.u32 v22, v53;
	v41 =	vld.idx.msk [tilespmem:v51+s15+$0x0], $0xffff  }
0x332: {  	v55 =	vshll.u32 v52, $0x7;
	v56 =	vor.u32 v54, v23;
	[tilespmem:v42+s24+$0x0] =	vst.idx.msk $0xffff, v45  }
0x333: {  	v57 =	vor.u32 s8, v4;
	v42 =	vor.u32 v26, v55;
	v45 =	vld.idx.msk [tilespmem:v46+s15+$0x0], $0xffff  }
0x334: {  	v58 =	vor.u32 v57, v27;
	_ =	sdelay $0x1  }
0x335: {  	v59 =	vshll.u32 v54, $0x7;
	[tilespmem:v37+s24+$0x0] =	vst.idx.msk $0xffff, v41  }
0x336: {  	v60 =	vor.u32 s7, v5;
	v37 =	vor.u32 v22, v59;
	v41 =	vld.idx.msk [tilespmem:v56+s15+$0x0], $0xffff  }
0x337: {  	v61 =	vshll.u32 v57, $0x7;
	v62 =	vor.u32 v60, v23;
	[tilespmem:v42+s24+$0x0] =	vst.idx.msk $0xffff, v45  }
0x338: {  	v63 =	vor.u32 s8, v5;
	v42 =	vor.u32 v26, v61;
	v45 =	vld.idx.msk [tilespmem:v58+s15+$0x0], $0xffff  }
0x339: {  	v48 =	vor.u32 v63, v27;
	_ =	sdelay $0x1  }
0x33a: {  	[tilespmem:v37+s24+$0x0] =	vst.idx.msk $0xffff, v41;
	v49 =	vshll.u32 v60, $0x7  }
0x33b: {  	v41 =	vld.idx.msk [tilespmem:v62+s15+$0x0], $0xffff;
	v50 =	vor.u32 s7, v7;
	v37 =	vor.u32 v22, v49  }
0x33c: {  	v51 =	vshll.u32 v63, $0x7;
	v52 =	vor.u32 v50, v23;
	[tilespmem:v42+s24+$0x0] =	vst.idx.msk $0xffff, v45  }
0x33d: {  	v53 =	vor.u32 s8, v7;
	v42 =	vor.u32 v26, v51;
	v45 =	vld.idx.msk [tilespmem:v48+s15+$0x0], $0xffff  }
0x33e: {  	v54 =	vor.u32 v53, v27  }
0x33f: {  	v34 =	vshll.u32 v34, $0x7;
	[tilespmem:v36+s24+$0x0] =	vst.idx.msk $0xffff, v35  }
0x340: {  	v34 =	vor.u32 v20, v34;
	v35 =	vld.idx.msk [tilespmem:v39+s15+$0x0], $0xffff;
	v57 =	vshll.u32 v50, $0x7;
	v55 =	vor.u32 s6, v8;
	[tilespmem:v37+s24+$0x0] =	vst.idx.msk $0xffff, v41  }
0x341: {  	v59 =	vor.u32 s7, v8;
	v56 =	vor.u32 v55, v21;
	v37 =	vor.u32 v22, v57;
	v58 =	vld.idx.msk [tilespmem:v52+s15+$0x0], $0xffff  }
0x342: {  	v60 =	vshll.u32 v53, $0x7;
	v61 =	vor.u32 v59, v23;
	[tilespmem:v42+s24+$0x0] =	vst.idx.msk $0xffff, v45  }
0x343: {  	v63 =	vor.u32 s8, v8;
	v42 =	vor.u32 v26, v60;
	v62 =	vld.idx.msk [tilespmem:v54+s15+$0x0], $0xffff  }
0x344: {  	v48 =	vor.u32 v63, v27  }
0x345: {  	[tilespmem:v34+s24+$0x0] =	vst.idx.msk $0xffff, v35;
	v49 =	vshll.u32 v55, $0x7  }
0x346: {  	v50 =	vor.u32 s6, v6;
	v34 =	vor.u32 v20, v49;
	v35 =	vld.idx.msk [tilespmem:v56+s15+$0x0], $0xffff;
	v52 =	vshll.u32 v59, $0x7;
	[tilespmem:v37+s24+$0x0] =	vst.idx.msk $0xffff, v58  }
0x347: {  	v53 =	vor.u32 s7, v6;
	v51 =	vor.u32 v50, v21;
	v37 =	vor.u32 v22, v52;
	v40 =	vld.idx.msk [tilespmem:v61+s15+$0x0], $0xffff  }
0x348: {  	v55 =	vor.u32 v53, v23;
	v54 =	vshll.u32 v63, $0x7;
	[tilespmem:v42+s24+$0x0] =	vst.idx.msk $0xffff, v62  }
0x349: {  	v56 =	vor.u32 s8, v6;
	v42 =	vor.u32 v26, v54;
	v44 =	vld.idx.msk [tilespmem:v48+s15+$0x0], $0xffff  }
0x34a: {  	[tilespmem:v32+s24+$0x0] =	vst.idx.msk $0xffff, v29;
	v57 =	vor.u32 v56, v27;
	v59 =	vshll.u32 v50, $0x7  }
0x34b: {  	[tilespmem:v34+s24+$0x0] =	vst.idx.msk $0xffff, v35;
	v34 =	vor.u32 v20, v59;
	v58 =	vor.u32 v16, v38  }
0x34c: {  	v47 =	vshll.u32 v53, $0x7;
	v61 =	vld.idx.msk [tilespmem:v51+s15+$0x0], $0xffff;
	v60 =	vor.u32 v28, v17;
	[tilespmem:v37+s24+$0x0] =	vst.idx.msk $0xffff, v40;
	v62 =	vor.u32 s6, v9  }
0x34d: {  	v37 =	vor.u32 v22, v47;
	v40 =	vld.idx.msk [tilespmem:v55+s15+$0x0], $0xffff;
	v63 =	vor.u32 v62, v21;
	v48 =	vor.u32 s7, v9  }
0x34e: {  	v33 =	vld.idx.msk [tilespmem:v33+s15+$0x0], $0xffff;
	v49 =	vshll.u32 v56, $0x7;
	v50 =	vor.u32 v48, v23;
	[tilespmem:v42+s24+$0x0] =	vst.idx.msk $0xffff, v44  }
0x34f: {  	v30 =	vshll.u32 v30, $0x7;
	v51 =	vor.u32 s8, v9;
	v42 =	vor.u32 v26, v49;
	v29 =	vld.idx.msk [tilespmem:v57+s15+$0x0], $0xffff  }
0x350: {  	v30 =	vor.u32 v18, v30;
	v52 =	vor.u32 s1, v10;
	[tilespmem:v58+s24+$0x0] =	vst.idx.msk $0xffff, v31;
	v53 =	vor.u32 v51, v27  }
0x351: {  	v56 =	vshll.u32 v28, $0x7;
	[tilespmem:v34+s24+$0x0] =	vst.idx.msk $0xffff, v61;
	v35 =	vld.idx.msk [tilespmem:v60+s15+$0x0], $0xffff;
	v54 =	vor.u32 v52, v19;
	v55 =	vshll.u32 v62, $0x7  }
0x352: {  	v59 =	vor.u32 s6, v10;
	[tilespmem:v37+s24+$0x0] =	vst.idx.msk $0xffff, v40;
	v58 =	vor.u32 v20, v55;
	v61 =	vshll.u32 v48, $0x7;
	v57 =	vld.idx.msk [tilespmem:v63+s15+$0x0], $0xffff  }
0x353: {  	v60 =	vor.u32 v59, v21;
	v37 =	vor.u32 v22, v61;
	v62 =	vld.idx.msk [tilespmem:v50+s15+$0x0], $0xffff;
	v63 =	vor.u32 s7, v10  }
0x354: {  	v28 =	vor.u32 v16, v56;
	v48 =	vshll.u32 v51, $0x7;
	v49 =	vor.u32 v63, v23;
	[tilespmem:v42+s24+$0x0] =	vst.idx.msk $0xffff, v29  }
0x355: {  	v55 =	vshll.u32 v59, $0x7;
	v50 =	vor.u32 s8, v10;
	v29 =	vor.u32 v26, v48;
	v31 =	vld.idx.msk [tilespmem:v53+s15+$0x0], $0xffff  }
0x356: {  	[tilespmem:v30+s24+$0x0] =	vst.idx.msk $0xffff, v33;
	v51 =	vshll.u32 v52, $0x7;
	v30 =	vor.u32 v20, v55;
	v53 =	vor.u32 v50, v27  }
0x357: {  	v52 =	vor.u32 s1, v11;
	v61 =	vor.u32 s7, v11;
	v32 =	vld.idx.msk [tilespmem:v54+s15+$0x0], $0xffff;
	v42 =	vor.u32 v18, v51;
	[tilespmem:v58+s24+$0x0] =	vst.idx.msk $0xffff, v57  }
0x358: {  	v54 =	vor.u32 v52, v19;
	v59 =	vshll.u32 v63, $0x7;
	v57 =	vor.u32 s6, v11;
	[tilespmem:v37+s24+$0x0] =	vst.idx.msk $0xffff, v62;
	v56 =	vld.idx.msk [tilespmem:v60+s15+$0x0], $0xffff  }
0x359: {  	[tilespmem:v28+s24+$0x0] =	vst.idx.msk $0xffff, v35;
	v35 =	vor.u32 v22, v59;
	v58 =	vor.u32 v57, v21;
	v60 =	vld.idx.msk [tilespmem:v49+s15+$0x0], $0xffff  }
0x35a: {  	v43 =	vor.u32 s4, v14;
	v63 =	vor.u32 v61, v23;
	v62 =	vshll.u32 v50, $0x7;
	[tilespmem:v29+s24+$0x0] =	vst.idx.msk $0xffff, v31  }
0x35b: {  	v49 =	vor.u32 s8, v11;
	v50 =	vshll.u32 v52, $0x7;
	v29 =	vor.u32 v26, v62;
	v48 =	vld.idx.msk [tilespmem:v53+s15+$0x0], $0xffff  }
0x35c: {  	v59 =	vshll.u32 v61, $0x7;
	v51 =	vor.u32 v49, v27;
	[tilespmem:v42+s24+$0x0] =	vst.idx.msk $0xffff, v32;
	v32 =	vor.u32 v18, v50  }
0x35d: {  	v52 =	vld.idx.msk [tilespmem:v54+s15+$0x0], $0xffff;
	[tilespmem:v30+s24+$0x0] =	vst.idx.msk $0xffff, v56;
	v54 =	vshll.u32 v57, $0x7;
	v57 =	vor.u32 s6, v12;
	v53 =	vor.u32 s1, v12  }
0x35e: {  	[tilespmem:v35+s24+$0x0] =	vst.idx.msk $0xffff, v60;
	v56 =	vld.idx.msk [tilespmem:v58+s15+$0x0], $0xffff;
	v28 =	vor.u32 v20, v54;
	v55 =	vor.u32 v53, v19  }
0x35f: {  	v35 =	vor.u32 v22, v59;
	v60 =	vor.u32 s7, v12;
	v58 =	vor.u32 v57, v21;
	v31 =	vld.idx.msk [tilespmem:v63+s15+$0x0], $0xffff  }
0x360: {  	v61 =	vshll.u32 v49, $0x7;
	v62 =	vor.u32 v60, v23;
	v63 =	vor.u32 s8, v12;
	[tilespmem:v29+s24+$0x0] =	vst.idx.msk $0xffff, v48  }
0x361: {  	v49 =	vshll.u32 v53, $0x7;
	v50 =	vor.u32 v63, v27;
	v29 =	vor.u32 v26, v61;
	v38 =	vld.idx.msk [tilespmem:v51+s15+$0x0], $0xffff  }
0x362: {  	[tilespmem:v32+s24+$0x0] =	vst.idx.msk $0xffff, v52;
	v32 =	vor.u32 v18, v49;
	v52 =	vshll.u32 v57, $0x7;
	v48 =	vor.u32 v43, v17  }
0x363: {  	[tilespmem:v28+s24+$0x0] =	vst.idx.msk $0xffff, v56;
	v28 =	vor.u32 v20, v52;
	v51 =	vor.u32 s1, v13;
	v30 =	vld.idx.msk [tilespmem:v55+s15+$0x0], $0xffff  }
0x364: {  	v54 =	vor.u32 s6, v13;
	[tilespmem:v35+s24+$0x0] =	vst.idx.msk $0xffff, v31;
	v56 =	vshll.u32 v60, $0x7;
	v44 =	vld.idx.msk [tilespmem:v58+s15+$0x0], $0xffff;
	v53 =	vor.u32 v51, v19  }
0x365: {  	v57 =	vor.u32 s7, v13;
	v55 =	vor.u32 v54, v21;
	v58 =	vld.idx.msk [tilespmem:v62+s15+$0x0], $0xffff;
	v31 =	vor.u32 v22, v56  }
0x366: {  	v59 =	vshll.u32 v63, $0x7;
	v60 =	vor.u32 v57, v23;
	[tilespmem:v29+s24+$0x0] =	vst.idx.msk $0xffff, v38  }
0x367: {  	v45 =	vor.u32 s4, v15;
	v61 =	vor.u32 s8, v13;
	v29 =	vor.u32 v26, v59;
	v62 =	vld.idx.msk [tilespmem:v50+s15+$0x0], $0xffff  }
0x368: {  	v47 =	vor.u32 s6, v15;
	v49 =	vor.u32 v61, v27;
	v40 =	vld.idx.msk [tilespmem:v48+s15+$0x0], $0xffff;
	v48 =	vshll.u32 v51, $0x7;
	[tilespmem:v32+s24+$0x0] =	vst.idx.msk $0xffff, v30  }
0x369: {  	v63 =	vshll.u32 v43, $0x7;
	v51 =	vshll.u32 v54, $0x7;
	v30 =	vor.u32 v18, v48;
	[tilespmem:v28+s24+$0x0] =	vst.idx.msk $0xffff, v44;
	v33 =	vld.idx.msk [tilespmem:v53+s15+$0x0], $0xffff  }
0x36a: {  	v56 =	vor.u32 s7, v14;
	v28 =	vor.u32 v20, v51;
	[tilespmem:v31+s24+$0x0] =	vst.idx.msk $0xffff, v58;
	v50 =	vor.u32 s1, v14;
	v44 =	vld.idx.msk [tilespmem:v55+s15+$0x0], $0xffff  }
0x36b: {  	v53 =	vor.u32 s6, v14;
	v55 =	vshll.u32 v57, $0x7;
	v36 =	vld.idx.msk [tilespmem:v60+s15+$0x0], $0xffff;
	v52 =	vor.u32 v50, v19  }
0x36c: {  	v57 =	vshll.u32 v61, $0x7;
	v54 =	vor.u32 v53, v21;
	v31 =	vor.u32 v22, v55;
	[tilespmem:v29+s24+$0x0] =	vst.idx.msk $0xffff, v62  }
0x36d: {  	v58 =	vor.u32 v56, v23;
	v59 =	vor.u32 s8, v14;
	v29 =	vor.u32 v26, v57;
	v32 =	vld.idx.msk [tilespmem:v49+s15+$0x0], $0xffff  }
0x36e: {  	v41 =	vor.u32 v16, v63;
	v61 =	vor.u32 v59, v27;
	v43 =	vshll.u32 v53, $0x7  }
0x36f: {  	v17 =	vor.u32 v45, v17;
	v60 =	vshll.u32 v50, $0x7;
	v43 =	vor.u32 v20, v43;
	[tilespmem:v30+s24+$0x0] =	vst.idx.msk $0xffff, v33  }
0x370: {  	v50 =	vshll.u32 v56, $0x7;
	v62 =	vor.u32 s1, v15;
	v30 =	vor.u32 v18, v60;
	[tilespmem:v28+s24+$0x0] =	vst.idx.msk $0xffff, v44;
	v34 =	vld.idx.msk [tilespmem:v52+s15+$0x0], $0xffff  }
0x371: {  	v63 =	vor.u32 v62, v19;
	v48 =	vld.idx.msk [tilespmem:v54+s15+$0x0], $0xffff;
	v49 =	vor.u32 v47, v21;
	[tilespmem:v31+s24+$0x0] =	vst.idx.msk $0xffff, v36  }
0x372: {  	v51 =	vor.u32 s7, v15;
	v31 =	vor.u32 v22, v50;
	v52 =	vshll.u32 v59, $0x7;
	v36 =	vld.idx.msk [tilespmem:v58+s15+$0x0], $0xffff;
	[tilespmem:v29+s24+$0x0] =	vst.idx.msk $0xffff, v32  }
0x373: {  	v53 =	vor.u32 v51, v23;
	v54 =	vor.u32 s8, v15;
	v29 =	vor.u32 v26, v52;
	v33 =	vld.idx.msk [tilespmem:v61+s15+$0x0], $0xffff  }
0x374: {  	v55 =	vshll.u32 v45, $0x7;
	[tilespmem:v41+s24+$0x0] =	vst.idx.msk $0xffff, v40;
	v27 =	vor.u32 v54, v27  }
0x375: {  	v16 =	vor.u32 v16, v55;
	v17 =	vld.idx.msk [tilespmem:v17+s15+$0x0], $0xffff;
	v56 =	vshll.u32 v62, $0x7;
	[tilespmem:v30+s24+$0x0] =	vst.idx.msk $0xffff, v34  }
0x376: {  	v28 =	vshll.u32 v47, $0x7;
	v57 =	vor.u32 v18, v56;
	[tilespmem:v43+s24+$0x0] =	vst.idx.msk $0xffff, v48;
	v19 =	vld.idx.msk [tilespmem:v63+s15+$0x0], $0xffff  }
0x377: {  	v59 =	vshll.u32 v51, $0x7;
	v58 =	vor.u32 v20, v28;
	v21 =	vld.idx.msk [tilespmem:v49+s15+$0x0], $0xffff;
	[tilespmem:v31+s24+$0x0] =	vst.idx.msk $0xffff, v36  }
0x378: {  	v60 =	vor.u32 v22, v59;
	v61 =	vshll.u32 v54, $0x7;
	v23 =	vld.idx.msk [tilespmem:v53+s15+$0x0], $0xffff;
	[tilespmem:v29+s24+$0x0] =	vst.idx.msk $0xffff, v33  }
0x379: {  	s31 =	sadd.s32 $0x1, s31;
	[tilespmem:v25+s24+$0x0] =	vst.idx.msk $0xffff, v24;
	v63 =	vor.u32 v26, v61;
	v62 =	vld.idx.msk [tilespmem:v27+s15+$0x0], $0xffff  }
0x37a: {  	p0 =	sne.s32 s31, $0x32;
	[tilespmem:v16+s24+$0x0] =	vst.idx.msk $0xffff, v17  }
.Ltmp10:
0x37b: {  	s30 =	sadd.s32 s5, s2;
	[tilespmem:v57+s24+$0x0] =	vst.idx.msk $0xffff, v19;
	(pc) =	sbr.rel @p0 .LBB2_2-.Ltmp10, $4  }
0x37c: {  	s2 =	sshll.u32 s30, $0x3;
	s1 =	sand.u32 $0x3F80, s30;
	[tilespmem:v58+s24+$0x0] =	vst.idx.msk $0xffff, v21  }
0x37d: {  	s2 =	sand.u32 $0xFFE0000, s2;
	s1 =	sadd.s32 s3, s1;
	[tilespmem:v60+s24+$0x0] =	vst.idx.msk $0xffff, v23  }
0x37e: {  	s1 =	sadd.s32 s2, s1;
	[tilespmem:v63+s24+$0x0] =	vst.idx.msk $0xffff, v62  }
0x37f: {  	[hbm4b:s1+s17] =	stream.strided.scatter [tilespmem:s24], [sflag:$0x8], $0x2000, s18, s17, $0x38;
	[tilespmem:$0x1E400] =	vst v63  }
0x380: {  	s1 =	simm.s32 $0x5  }
0x381: {  	_ =	swait.ge [sflag:s1], $0x2000  }
0x382: {  	[sflag:s1] =	ssyncset.done $0x0  }
0x383: {  	s28 =	simm.s32 $0x6;
	[sflag:s1] =	ssyncadd.s32 $0xFFFFE000  }
0x384: {  	_ =	swait.ge [sflag:s28], $0x2000  }
0x385: {  	[sflag:s28] =	ssyncset.done $0x0  }
0x386: {  	s30 =	simm.s32 $0x7;
	[sflag:s28] =	ssyncadd.s32 $0xFFFFE000  }
0x387: {  	_ =	swait.ge [sflag:s30], $0x2000  }
0x388: {  	[sflag:s30] =	ssyncset.done $0x0  }
0x389: {  	[sflag:s30] =	ssyncadd.s32 $0xFFFFE000  }
0x38a: {  	_ =	swait.ge [sflag:s29], $0x2000  }
0x38b: {  	s2 =	rddreg [dreg:$0x6]  }
0x38c: {  	s31 =	rddreg [dreg:$0x5];
	s2 =	sadd.s32 $0x1, s2  }
0x38d: {  	p0 =	sne.s32 s2, s31  }
.Ltmp11:
0x38e: {  	_ = 	snop;
	(pc) =	sbr.rel @p0 .LBB2_1-.Ltmp11, $3  }
0x38f: {  	_ =	sdelay $0x1  }
0x390: {  	[sflag:s29] =	ssyncset.done $0x0  }
0x391: {  	[sflag:s29] =	ssyncadd.s32 $0xFFFFE000  }
0x392: {  	_ =	sfence.sel $0x180000  }
0x393: {  	[bflag:$0x0] =	sbarrier.arrive $0xFFFF  }
0x394: {  	_ =	strace $0x90000047  }
0x395: {  	s0 =	stileid.u32;
	[bflag:$0x2] =	sbarrier.arrive $0xFFFF  }
0x396: {  	p0 =	sne.s32 s0, $0x0;
	s0 =	rddreg [dreg:$0x3]  }
0x397: {  	s0 =	sadd.s32 @!p0 $0x100000, s0  }
0x398: {  	[sflag:s0] =	ssyncadd.tile.s32 @!p0 $0x1;
	_ =	shalt  }
.Lfunc_end2:
_tile_overlayer_lowered:
.L_overlay_start_2:
0x399: {  	(tag) =	ssettag $0x2  }
0x39a: {  	s0 =	rddreg [dreg:$0x0];
	s2 =	stileid.u32  }
0x39b: {  	s1 =	rddreg [dreg:$0x1];
	p0 =	sne.s32 s2, $0x0  }
0x39c: {  	s3 =	rddreg [dreg:$0x2];
	[bflag:$0x3] =	sbarrier.arrive $0xFFFF;
	s2 =	simm.s32 @!p0 $0x1C09  }
0x39d: {  	[timem:s3], [sflag:s2] =	dma.local @!p0 [hbm:s0], s1  }
0x39e: {  	s0 =	simm.s32 @!p0 $0x9  }
0x39f: {  	_ =	swait.ge @!p0 [sflag:s0], s1  }
0x3a0: {  	s1 =	ssub.s32 @!p0 $0x0, s1;
	[sflag:s0] =	ssyncset.done @!p0 $0x0  }
0x3a1: {  	[sflag:s0] =	ssyncadd.s32 @!p0 s1  }
0x3a2: {  	[bflag:$0x3] =	sbarrier.arrive $0xFFFF  }
0x3a3: {  	_ =	shalt  }

</sc_bundles>
